<compile_context>
chip_gen: v7x
topology: tpu7x:2x2x1
jax: 0.10.2.dev20260603
libtpu: 0.0.44.dev20260713+nightly
codegen_flags: <defaults>
</compile_context>

<pallas_src>
import functools

import jax
import jax.numpy as jnp
from jax import lax
from jax.experimental import pallas as pl
from jax.experimental.pallas import tpu as pltpu
from jax.experimental.pallas import tpu_sc as plsc

VOCAB = 1000000
DIM = 32
B = 1024
L = 200

NW = 32
ROWS = B * L
W_ROWS = ROWS // NW
S_ROWS = 100
N_STREAMS = W_ROWS // S_ROWS
CHUNK = 1600
S_PER_CHUNK = CHUNK // S_ROWS
N_CHUNKS = W_ROWS // CHUNK
REPS = CHUNK // L


def _body(idx_hbm, tok_hbm, pos_hbm, out_hbm, idx_v, pos_v, buf_v, sem):
    wid = lax.axis_index("s") * 2 + lax.axis_index("c")

    pltpu.sync_copy(idx_hbm.at[wid], idx_v)
    pltpu.sync_copy(pos_hbm, pos_v)

    for c in range(N_CHUNKS):
        copies = [
            pltpu.async_copy(
                tok_hbm.at[idx_v.at[c * S_PER_CHUNK + j]],
                buf_v.at[j // 2, pl.ds((j % 2) * S_ROWS, S_ROWS)],
                sem,
            )
            for j in range(S_PER_CHUNK)
        ]
        for cp in copies:
            cp.wait()

        def add_pos(l, _):
            p0 = pos_v[l, pl.ds(0, 16)]
            p1 = pos_v[l, pl.ds(16, 16)]
            for q in range(REPS):
                plsc.addupdate(buf_v.at[q, l, pl.ds(0, 16)], p0)
                plsc.addupdate(buf_v.at[q, l, pl.ds(16, 16)], p1)
            return _

        lax.fori_loop(0, L, add_pos, None)

        b0 = wid * (B // NW) + c * REPS
        pltpu.sync_copy(buf_v, out_hbm.at[pl.ds(b0, REPS)])


@jax.jit
def _lookup(idx3, tok, pos):
    mesh = plsc.VectorSubcoreMesh(core_axis_name="c", subcore_axis_name="s")
    f = functools.partial(
        pl.kernel,
        mesh=mesh,
        out_type=jax.ShapeDtypeStruct((B, L, DIM), jnp.float32),
        scratch_types=[
            pltpu.VMEM((N_STREAMS, S_ROWS), jnp.int32),
            pltpu.VMEM((L, DIM), jnp.float32),
            pltpu.VMEM((REPS, L, DIM), jnp.float32),
            pltpu.SemaphoreType.DMA,
        ],
        compiler_params=pltpu.CompilerParams(use_tc_tiling_on_sc=False),
    )(_body)
    return f(idx3, tok, pos)


def kernel(indices, token_table, pos_table):
    idx3 = indices.astype(jnp.int32).reshape(NW, N_STREAMS, S_ROWS)
    return _lookup(idx3, token_table, pos_table[:L])

# --- scband reference (transcript-rebuilt; emitter-appended) ---
"""Pipeline reference for scband-embeddings-23218593202575 (READ-ONLY COPY).

The authoritative reference and input builder live on the scoring server;
editing this copy changes nothing except your own understanding.
"""

import jax, jax.numpy as jnp
import numpy as np

VOCAB = 1000000
DIM = 32
B = 1024
L = 200

def setup_inputs(seed: int = 0) -> dict:
    key = jax.random.key(seed)
    k1, k2, k3 = jax.random.split(key, 3)
    indices = jax.random.randint(k1, (B, L), 0, VOCAB, dtype=jnp.int64 if jax.config.jax_enable_x64 else jnp.int32)
    token_table = jax.random.normal(k2, (VOCAB, DIM), dtype=jnp.float32) * 0.02
    pos_table = jax.random.normal(k3, (VOCAB, DIM), dtype=jnp.float32) * 0.02
    return {"indices": indices, "token_table": token_table, "pos_table": pos_table}

def reference(indices, token_table, pos_table):
    # tokens = token_embeddings(indices)
    tokens = jnp.take(token_table, indices, axis=0)  # [B, L, DIM]
    # positions = positional_embeddings(arange(L))
    seq_len = indices.shape[1]
    positions = jnp.take(pos_table, jnp.arange(seq_len), axis=0)  # [L, DIM]
    return tokens + positions[None, :, :]

if __name__ == "__main__":
    import jax
    _d = setup_inputs()
    print(jax.jit(kernel)(*tuple(_d.values())))

</pallas_src>

<mosaic_0001>
#map = affine_map<(d0, d1) -> (0, 0, 0)>
#map1 = affine_map<(d0, d1) -> (0, 0)>
module attributes {stable_mosaic.version = 14 : i64} {
  func.func @_body(%arg0: i32, %arg1: i32, %arg2: memref<32x64x100xi32, #tpu.memory_space<hbm>>, %arg3: memref<1000000x32xf32, #tpu.memory_space<hbm>>, %arg4: memref<200x32xf32, #tpu.memory_space<hbm>>, %arg5: memref<1024x200x32xf32, #tpu.memory_space<hbm>>, %arg6: memref<64x100xi32, #tpu.memory_space<vmem>>, %arg7: memref<200x32xf32, #tpu.memory_space<vmem>>, %arg8: memref<8x200x32xf32, #tpu.memory_space<vmem>>, %arg9: memref<!tpu.dma_semaphore, #tpu.memory_space<semaphore_mem>>) attributes {dimension_semantics = [#tpu.dimension_semantics<core_parallel>, #tpu.dimension_semantics<subcore_parallel>], iteration_bounds = array<i64: 2, 16>, scalar_prefetch = 0 : i64, scratch_operands = 4 : i64, tpu.core_type = #tpu.core_type<sc_vector_subcore>, window_params = [{transform_indices = #map}, {transform_indices = #map1}, {transform_indices = #map1}, {transform_indices = #map}]} {
    %mul3A = arith.constant 2 : i32
    %mul3A_0 = arith.muli %arg1, %mul3A : i32
    %add3A = arith.addi %mul3A_0, %arg0 : i32
    "tpu.region"() ({
      %run_scoped3A = tpu.sem_alloc : memref<!tpu.dma_semaphore, #tpu.memory_space<semaphore_mem>>
      %dma_start3A_1570 = arith.constant 0 : i32
      %dma_start3A_1571 = arith.constant 0 : i32
      %dma_start3A_1572 = tpu.memref_slice %arg2[%add3A, %dma_start3A_1570, %dma_start3A_1571] : memref<32x64x100xi32, #tpu.memory_space<hbm>> -> memref<1x64x100xi32, #tpu.memory_space<hbm>>
      %dma_start3A_1573 = tpu.memref_squeeze %dma_start3A_1572 : memref<1x64x100xi32, #tpu.memory_space<hbm>> -> memref<64x100xi32, #tpu.memory_space<hbm>>
      %dma_start3A_1574 = arith.constant 0 : i32
      %dma_start3A_1575 = arith.constant 0 : i32
      %dma_start3A_1576 = tpu.memref_slice %arg2[%add3A, %dma_start3A_1574, %dma_start3A_1575] : memref<32x64x100xi32, #tpu.memory_space<hbm>> -> memref<1x64x100xi32, #tpu.memory_space<hbm>>
      %dma_start3A_1577 = tpu.memref_squeeze %dma_start3A_1576 : memref<1x64x100xi32, #tpu.memory_space<hbm>> -> memref<64x100xi32, #tpu.memory_space<hbm>>
      tpu.enqueue_dma source(%dma_start3A_1577 : memref<64x100xi32, #tpu.memory_space<hbm>>) target(%arg6 : memref<64x100xi32, #tpu.memory_space<vmem>>) target_semaphore(%run_scoped3A : memref<!tpu.dma_semaphore, #tpu.memory_space<semaphore_mem>>)
      %dma_wait3A_1578 = arith.constant 0 : i32
      %dma_wait3A_1579 = arith.constant 0 : i32
      %dma_wait3A_1580 = tpu.memref_slice %arg2[%add3A, %dma_wait3A_1578, %dma_wait3A_1579] : memref<32x64x100xi32, #tpu.memory_space<hbm>> -> memref<1x64x100xi32, #tpu.memory_space<hbm>>
      %dma_wait3A_1581 = tpu.memref_squeeze %dma_wait3A_1580 : memref<1x64x100xi32, #tpu.memory_space<hbm>> -> memref<64x100xi32, #tpu.memory_space<hbm>>
      %dma_wait3A_1582 = arith.constant 0 : i32
      %dma_wait3A_1583 = arith.constant 0 : i32
      %dma_wait3A_1584 = tpu.memref_slice %arg2[%add3A, %dma_wait3A_1582, %dma_wait3A_1583] : memref<32x64x100xi32, #tpu.memory_space<hbm>> -> memref<1x64x100xi32, #tpu.memory_space<hbm>>
      %dma_wait3A_1585 = tpu.memref_squeeze %dma_wait3A_1584 : memref<1x64x100xi32, #tpu.memory_space<hbm>> -> memref<64x100xi32, #tpu.memory_space<hbm>>
      tpu.wait_dma2 semaphore(%run_scoped3A : memref<!tpu.dma_semaphore, #tpu.memory_space<semaphore_mem>>) src(%dma_wait3A_1585 : memref<64x100xi32, #tpu.memory_space<hbm>>) dst(%arg6 : memref<64x100xi32, #tpu.memory_space<vmem>>)
      tpu.yield
    }) : () -> ()
    "tpu.region"() ({
      %run_scoped3A = tpu.sem_alloc : memref<!tpu.dma_semaphore, #tpu.memory_space<semaphore_mem>>
      tpu.enqueue_dma source(%arg4 : memref<200x32xf32, #tpu.memory_space<hbm>>) target(%arg7 : memref<200x32xf32, #tpu.memory_space<vmem>>) target_semaphore(%run_scoped3A : memref<!tpu.dma_semaphore, #tpu.memory_space<semaphore_mem>>)
      tpu.wait_dma2 semaphore(%run_scoped3A : memref<!tpu.dma_semaphore, #tpu.memory_space<semaphore_mem>>) src(%arg4 : memref<200x32xf32, #tpu.memory_space<hbm>>) dst(%arg7 : memref<200x32xf32, #tpu.memory_space<vmem>>)
      tpu.yield
    }) : () -> ()
    %dma_start3A = arith.constant 0 : i32
    %dma_start3A_1 = arith.constant 0 : i32
    %dma_start3A_2 = arith.constant 0 : i32
    %dma_start3A_3 = arith.constant 0 : i32
    %dma_start3A_4 = tpu.memref_slice %arg8[%dma_start3A_1, %dma_start3A_2, %dma_start3A_3] : memref<8x200x32xf32, #tpu.memory_space<vmem>> -> memref<1x100x32xf32, #tpu.memory_space<vmem>>
    %dma_start3A_5 = tpu.memref_squeeze %dma_start3A_4 : memref<1x100x32xf32, #tpu.memory_space<vmem>> -> memref<100x32xf32, #tpu.memory_space<vmem>>
    %dma_start3A_6 = arith.constant 0 : i32
    %dma_start3A_7 = tpu.memref_slice %arg6[%dma_start3A, %dma_start3A_6] : memref<64x100xi32, #tpu.memory_space<vmem>> -> memref<1x100xi32, #tpu.memory_space<vmem>>
    %dma_start3A_8 = tpu.memref_squeeze %dma_start3A_7 : memref<1x100xi32, #tpu.memory_space<vmem>> -> memref<100xi32, #tpu.memory_space<vmem>>
    %dma_start3A_9 = arith.constant 0 : i32
    %dma_start3A_10 = arith.constant 0 : i32
    %dma_start3A_11 = tpu.memref_slice %arg3[%dma_start3A_9, %dma_start3A_10] : memref<1000000x32xf32, #tpu.memory_space<hbm>> -> memref<1000000x32xf32, #tpu.memory_space<hbm>>
    tpu.enqueue_indirect_dma source(%dma_start3A_11 : memref<1000000x32xf32, #tpu.memory_space<hbm>>) target(%dma_start3A_5 : memref<100x32xf32, #tpu.memory_space<vmem>>) offsets(%dma_start3A_8 : memref<100xi32, #tpu.memory_space<vmem>>) semaphore(%arg9 : memref<!tpu.dma_semaphore, #tpu.memory_space<semaphore_mem>>)
    %dma_start3A_12 = arith.constant 1 : i32
    %dma_start3A_13 = arith.constant 0 : i32
    %dma_start3A_14 = arith.constant 100 : i32
    %dma_start3A_15 = arith.constant 0 : i32
    %dma_start3A_16 = tpu.memref_slice %arg8[%dma_start3A_13, %dma_start3A_14, %dma_start3A_15] : memref<8x200x32xf32, #tpu.memory_space<vmem>> -> memref<1x100x32xf32, #tpu.memory_space<vmem>>
    %dma_start3A_17 = tpu.memref_squeeze %dma_start3A_16 : memref<1x100x32xf32, #tpu.memory_space<vmem>> -> memref<100x32xf32, #tpu.memory_space<vmem>>
    %dma_start3A_18 = arith.constant 0 : i32
    %dma_start3A_19 = tpu.memref_slice %arg6[%dma_start3A_12, %dma_start3A_18] : memref<64x100xi32, #tpu.memory_space<vmem>> -> memref<1x100xi32, #tpu.memory_space<vmem>>
    %dma_start3A_20 = tpu.memref_squeeze %dma_start3A_19 : memref<1x100xi32, #tpu.memory_space<vmem>> -> memref<100xi32, #tpu.memory_space<vmem>>
    %dma_start3A_21 = arith.constant 0 : i32
    %dma_start3A_22 = arith.constant 0 : i32
    %dma_start3A_23 = tpu.memref_slice %arg3[%dma_start3A_21, %dma_start3A_22] : memref<1000000x32xf32, #tpu.memory_space<hbm>> -> memref<1000000x32xf32, #tpu.memory_space<hbm>>
    tpu.enqueue_indirect_dma source(%dma_start3A_23 : memref<1000000x32xf32, #tpu.memory_space<hbm>>) target(%dma_start3A_17 : memref<100x32xf32, #tpu.memory_space<vmem>>) offsets(%dma_start3A_20 : memref<100xi32, #tpu.memory_space<vmem>>) semaphore(%arg9 : memref<!tpu.dma_semaphore, #tpu.memory_space<semaphore_mem>>)
    %dma_start3A_24 = arith.constant 2 : i32
    %dma_start3A_25 = arith.constant 1 : i32
    %dma_start3A_26 = arith.constant 0 : i32
    %dma_start3A_27 = arith.constant 0 : i32
    %dma_start3A_28 = tpu.memref_slice %arg8[%dma_start3A_25, %dma_start3A_26, %dma_start3A_27] : memref<8x200x32xf32, #tpu.memory_space<vmem>> -> memref<1x100x32xf32, #tpu.memory_space<vmem>>
    %dma_start3A_29 = tpu.memref_squeeze %dma_start3A_28 : memref<1x100x32xf32, #tpu.memory_space<vmem>> -> memref<100x32xf32, #tpu.memory_space<vmem>>
    %dma_start3A_30 = arith.constant 0 : i32
    %dma_start3A_31 = tpu.memref_slice %arg6[%dma_start3A_24, %dma_start3A_30] : memref<64x100xi32, #tpu.memory_space<vmem>> -> memref<1x100xi32, #tpu.memory_space<vmem>>
    %dma_start3A_32 = tpu.memref_squeeze %dma_start3A_31 : memref<1x100xi32, #tpu.memory_space<vmem>> -> memref<100xi32, #tpu.memory_space<vmem>>
    %dma_start3A_33 = arith.constant 0 : i32
    %dma_start3A_34 = arith.constant 0 : i32
    %dma_start3A_35 = tpu.memref_slice %arg3[%dma_start3A_33, %dma_start3A_34] : memref<1000000x32xf32, #tpu.memory_space<hbm>> -> memref<1000000x32xf32, #tpu.memory_space<hbm>>
    tpu.enqueue_indirect_dma source(%dma_start3A_35 : memref<1000000x32xf32, #tpu.memory_space<hbm>>) target(%dma_start3A_29 : memref<100x32xf32, #tpu.memory_space<vmem>>) offsets(%dma_start3A_32 : memref<100xi32, #tpu.memory_space<vmem>>) semaphore(%arg9 : memref<!tpu.dma_semaphore, #tpu.memory_space<semaphore_mem>>)
    %dma_start3A_36 = arith.constant 3 : i32
    %dma_start3A_37 = arith.constant 1 : i32
    %dma_start3A_38 = arith.constant 100 : i32
    %dma_start3A_39 = arith.constant 0 : i32
    %dma_start3A_40 = tpu.memref_slice %arg8[%dma_start3A_37, %dma_start3A_38, %dma_start3A_39] : memref<8x200x32xf32, #tpu.memory_space<vmem>> -> memref<1x100x32xf32, #tpu.memory_space<vmem>>
    %dma_start3A_41 = tpu.memref_squeeze %dma_start3A_40 : memref<1x100x32xf32, #tpu.memory_space<vmem>> -> memref<100x32xf32, #tpu.memory_space<vmem>>
    %dma_start3A_42 = arith.constant 0 : i32
    %dma_start3A_43 = tpu.memref_slice %arg6[%dma_start3A_36, %dma_start3A_42] : memref<64x100xi32, #tpu.memory_space<vmem>> -> memref<1x100xi32, #tpu.memory_space<vmem>>
    %dma_start3A_44 = tpu.memref_squeeze %dma_start3A_43 : memref<1x100xi32, #tpu.memory_space<vmem>> -> memref<100xi32, #tpu.memory_space<vmem>>
    %dma_start3A_45 = arith.constant 0 : i32
    %dma_start3A_46 = arith.constant 0 : i32
    %dma_start3A_47 = tpu.memref_slice %arg3[%dma_start3A_45, %dma_start3A_46] : memref<1000000x32xf32, #tpu.memory_space<hbm>> -> memref<1000000x32xf32, #tpu.memory_space<hbm>>
    tpu.enqueue_indirect_dma source(%dma_start3A_47 : memref<1000000x32xf32, #tpu.memory_space<hbm>>) target(%dma_start3A_41 : memref<100x32xf32, #tpu.memory_space<vmem>>) offsets(%dma_start3A_44 : memref<100xi32, #tpu.memory_space<vmem>>) semaphore(%arg9 : memref<!tpu.dma_semaphore, #tpu.memory_space<semaphore_mem>>)
    %dma_start3A_48 = arith.constant 4 : i32
    %dma_start3A_49 = arith.constant 2 : i32
    %dma_start3A_50 = arith.constant 0 : i32
    %dma_start3A_51 = arith.constant 0 : i32
    %dma_start3A_52 = tpu.memref_slice %arg8[%dma_start3A_49, %dma_start3A_50, %dma_start3A_51] : memref<8x200x32xf32, #tpu.memory_space<vmem>> -> memref<1x100x32xf32, #tpu.memory_space<vmem>>
    %dma_start3A_53 = tpu.memref_squeeze %dma_start3A_52 : memref<1x100x32xf32, #tpu.memory_space<vmem>> -> memref<100x32xf32, #tpu.memory_space<vmem>>
    %dma_start3A_54 = arith.constant 0 : i32
    %dma_start3A_55 = tpu.memref_slice %arg6[%dma_start3A_48, %dma_start3A_54] : memref<64x100xi32, #tpu.memory_space<vmem>> -> memref<1x100xi32, #tpu.memory_space<vmem>>
    %dma_start3A_56 = tpu.memref_squeeze %dma_start3A_55 : memref<1x100xi32, #tpu.memory_space<vmem>> -> memref<100xi32, #tpu.memory_space<vmem>>
    %dma_start3A_57 = arith.constant 0 : i32
    %dma_start3A_58 = arith.constant 0 : i32
    %dma_start3A_59 = tpu.memref_slice %arg3[%dma_start3A_57, %dma_start3A_58] : memref<1000000x32xf32, #tpu.memory_space<hbm>> -> memref<1000000x32xf32, #tpu.memory_space<hbm>>
    tpu.enqueue_indirect_dma source(%dma_start3A_59 : memref<1000000x32xf32, #tpu.memory_space<hbm>>) target(%dma_start3A_53 : memref<100x32xf32, #tpu.memory_space<vmem>>) offsets(%dma_start3A_56 : memref<100xi32, #tpu.memory_space<vmem>>) semaphore(%arg9 : memref<!tpu.dma_semaphore, #tpu.memory_space<semaphore_mem>>)
    %dma_start3A_60 = arith.constant 5 : i32
    %dma_start3A_61 = arith.constant 2 : i32
    %dma_start3A_62 = arith.constant 100 : i32
    %dma_start3A_63 = arith.constant 0 : i32
    %dma_start3A_64 = tpu.memref_slice %arg8[%dma_start3A_61, %dma_start3A_62, %dma_start3A_63] : memref<8x200x32xf32, #tpu.memory_space<vmem>> -> memref<1x100x32xf32, #tpu.memory_space<vmem>>
    %dma_start3A_65 = tpu.memref_squeeze %dma_start3A_64 : memref<1x100x32xf32, #tpu.memory_space<vmem>> -> memref<100x32xf32, #tpu.memory_space<vmem>>
    %dma_start3A_66 = arith.constant 0 : i32
    %dma_start3A_67 = tpu.memref_slice %arg6[%dma_start3A_60, %dma_start3A_66] : memref<64x100xi32, #tpu.memory_space<vmem>> -> memref<1x100xi32, #tpu.memory_space<vmem>>
    %dma_start3A_68 = tpu.memref_squeeze %dma_start3A_67 : memref<1x100xi32, #tpu.memory_space<vmem>> -> memref<100xi32, #tpu.memory_space<vmem>>
    %dma_start3A_69 = arith.constant 0 : i32
    %dma_start3A_70 = arith.constant 0 : i32
    %dma_start3A_71 = tpu.memref_slice %arg3[%dma_start3A_69, %dma_start3A_70] : memref<1000000x32xf32, #tpu.memory_space<hbm>> -> memref<1000000x32xf32, #tpu.memory_space<hbm>>
    tpu.enqueue_indirect_dma source(%dma_start3A_71 : memref<1000000x32xf32, #tpu.memory_space<hbm>>) target(%dma_start3A_65 : memref<100x32xf32, #tpu.memory_space<vmem>>) offsets(%dma_start3A_68 : memref<100xi32, #tpu.memory_space<vmem>>) semaphore(%arg9 : memref<!tpu.dma_semaphore, #tpu.memory_space<semaphore_mem>>)
    %dma_start3A_72 = arith.constant 6 : i32
    %dma_start3A_73 = arith.constant 3 : i32
    %dma_start3A_74 = arith.constant 0 : i32
    %dma_start3A_75 = arith.constant 0 : i32
    %dma_start3A_76 = tpu.memref_slice %arg8[%dma_start3A_73, %dma_start3A_74, %dma_start3A_75] : memref<8x200x32xf32, #tpu.memory_space<vmem>> -> memref<1x100x32xf32, #tpu.memory_space<vmem>>
    %dma_start3A_77 = tpu.memref_squeeze %dma_start3A_76 : memref<1x100x32xf32, #tpu.memory_space<vmem>> -> memref<100x32xf32, #tpu.memory_space<vmem>>
    %dma_start3A_78 = arith.constant 0 : i32
    %dma_start3A_79 = tpu.memref_slice %arg6[%dma_start3A_72, %dma_start3A_78] : memref<64x100xi32, #tpu.memory_space<vmem>> -> memref<1x100xi32, #tpu.memory_space<vmem>>
    %dma_start3A_80 = tpu.memref_squeeze %dma_start3A_79 : memref<1x100xi32, #tpu.memory_space<vmem>> -> memref<100xi32, #tpu.memory_space<vmem>>
    %dma_start3A_81 = arith.constant 0 : i32
    %dma_start3A_82 = arith.constant 0 : i32
    %dma_start3A_83 = tpu.memref_slice %arg3[%dma_start3A_81, %dma_start3A_82] : memref<1000000x32xf32, #tpu.memory_space<hbm>> -> memref<1000000x32xf32, #tpu.memory_space<hbm>>
    tpu.enqueue_indirect_dma source(%dma_start3A_83 : memref<1000000x32xf32, #tpu.memory_space<hbm>>) target(%dma_start3A_77 : memref<100x32xf32, #tpu.memory_space<vmem>>) offsets(%dma_start3A_80 : memref<100xi32, #tpu.memory_space<vmem>>) semaphore(%arg9 : memref<!tpu.dma_semaphore, #tpu.memory_space<semaphore_mem>>)
    %dma_start3A_84 = arith.constant 7 : i32
    %dma_start3A_85 = arith.constant 3 : i32
    %dma_start3A_86 = arith.constant 100 : i32
    %dma_start3A_87 = arith.constant 0 : i32
    %dma_start3A_88 = tpu.memref_slice %arg8[%dma_start3A_85, %dma_start3A_86, %dma_start3A_87] : memref<8x200x32xf32, #tpu.memory_space<vmem>> -> memref<1x100x32xf32, #tpu.memory_space<vmem>>
    %dma_start3A_89 = tpu.memref_squeeze %dma_start3A_88 : memref<1x100x32xf32, #tpu.memory_space<vmem>> -> memref<100x32xf32, #tpu.memory_space<vmem>>
    %dma_start3A_90 = arith.constant 0 : i32
    %dma_start3A_91 = tpu.memref_slice %arg6[%dma_start3A_84, %dma_start3A_90] : memref<64x100xi32, #tpu.memory_space<vmem>> -> memref<1x100xi32, #tpu.memory_space<vmem>>
    %dma_start3A_92 = tpu.memref_squeeze %dma_start3A_91 : memref<1x100xi32, #tpu.memory_space<vmem>> -> memref<100xi32, #tpu.memory_space<vmem>>
    %dma_start3A_93 = arith.constant 0 : i32
    %dma_start3A_94 = arith.constant 0 : i32
    %dma_start3A_95 = tpu.memref_slice %arg3[%dma_start3A_93, %dma_start3A_94] : memref<1000000x32xf32, #tpu.memory_space<hbm>> -> memref<1000000x32xf32, #tpu.memory_space<hbm>>
    tpu.enqueue_indirect_dma source(%dma_start3A_95 : memref<1000000x32xf32, #tpu.memory_space<hbm>>) target(%dma_start3A_89 : memref<100x32xf32, #tpu.memory_space<vmem>>) offsets(%dma_start3A_92 : memref<100xi32, #tpu.memory_space<vmem>>) semaphore(%arg9 : memref<!tpu.dma_semaphore, #tpu.memory_space<semaphore_mem>>)
    %dma_start3A_96 = arith.constant 8 : i32
    %dma_start3A_97 = arith.constant 4 : i32
    %dma_start3A_98 = arith.constant 0 : i32
    %dma_start3A_99 = arith.constant 0 : i32
    %dma_start3A_100 = tpu.memref_slice %arg8[%dma_start3A_97, %dma_start3A_98, %dma_start3A_99] : memref<8x200x32xf32, #tpu.memory_space<vmem>> -> memref<1x100x32xf32, #tpu.memory_space<vmem>>
    %dma_start3A_101 = tpu.memref_squeeze %dma_start3A_100 : memref<1x100x32xf32, #tpu.memory_space<vmem>> -> memref<100x32xf32, #tpu.memory_space<vmem>>
    %dma_start3A_102 = arith.constant 0 : i32
    %dma_start3A_103 = tpu.memref_slice %arg6[%dma_start3A_96, %dma_start3A_102] : memref<64x100xi32, #tpu.memory_space<vmem>> -> memref<1x100xi32, #tpu.memory_space<vmem>>
    %dma_start3A_104 = tpu.memref_squeeze %dma_start3A_103 : memref<1x100xi32, #tpu.memory_space<vmem>> -> memref<100xi32, #tpu.memory_space<vmem>>
    %dma_start3A_105 = arith.constant 0 : i32
    %dma_start3A_106 = arith.constant 0 : i32
    %dma_start3A_107 = tpu.memref_slice %arg3[%dma_start3A_105, %dma_start3A_106] : memref<1000000x32xf32, #tpu.memory_space<hbm>> -> memref<1000000x32xf32, #tpu.memory_space<hbm>>
    tpu.enqueue_indirect_dma source(%dma_start3A_107 : memref<1000000x32xf32, #tpu.memory_space<hbm>>) target(%dma_start3A_101 : memref<100x32xf32, #tpu.memory_space<vmem>>) offsets(%dma_start3A_104 : memref<100xi32, #tpu.memory_space<vmem>>) semaphore(%arg9 : memref<!tpu.dma_semaphore, #tpu.memory_space<semaphore_mem>>)
    %dma_start3A_108 = arith.constant 9 : i32
    %dma_start3A_109 = arith.constant 4 : i32
    %dma_start3A_110 = arith.constant 100 : i32
    %dma_start3A_111 = arith.constant 0 : i32
    %dma_start3A_112 = tpu.memref_slice %arg8[%dma_start3A_109, %dma_start3A_110, %dma_start3A_111] : memref<8x200x32xf32, #tpu.memory_space<vmem>> -> memref<1x100x32xf32, #tpu.memory_space<vmem>>
    %dma_start3A_113 = tpu.memref_squeeze %dma_start3A_112 : memref<1x100x32xf32, #tpu.memory_space<vmem>> -> memref<100x32xf32, #tpu.memory_space<vmem>>
    %dma_start3A_114 = arith.constant 0 : i32
    %dma_start3A_115 = tpu.memref_slice %arg6[%dma_start3A_108, %dma_start3A_114] : memref<64x100xi32, #tpu.memory_space<vmem>> -> memref<1x100xi32, #tpu.memory_space<vmem>>
    %dma_start3A_116 = tpu.memref_squeeze %dma_start3A_115 : memref<1x100xi32, #tpu.memory_space<vmem>> -> memref<100xi32, #tpu.memory_space<vmem>>
    %dma_start3A_117 = arith.constant 0 : i32
    %dma_start3A_118 = arith.constant 0 : i32
    %dma_start3A_119 = tpu.memref_slice %arg3[%dma_start3A_117, %dma_start3A_118] : memref<1000000x32xf32, #tpu.memory_space<hbm>> -> memref<1000000x32xf32, #tpu.memory_space<hbm>>
    tpu.enqueue_indirect_dma source(%dma_start3A_119 : memref<1000000x32xf32, #tpu.memory_space<hbm>>) target(%dma_start3A_113 : memref<100x32xf32, #tpu.memory_space<vmem>>) offsets(%dma_start3A_116 : memref<100xi32, #tpu.memory_space<vmem>>) semaphore(%arg9 : memref<!tpu.dma_semaphore, #tpu.memory_space<semaphore_mem>>)
    %dma_start3A_120 = arith.constant 10 : i32
    %dma_start3A_121 = arith.constant 5 : i32
    %dma_start3A_122 = arith.constant 0 : i32
    %dma_start3A_123 = arith.constant 0 : i32
    %dma_start3A_124 = tpu.memref_slice %arg8[%dma_start3A_121, %dma_start3A_122, %dma_start3A_123] : memref<8x200x32xf32, #tpu.memory_space<vmem>> -> memref<1x100x32xf32, #tpu.memory_space<vmem>>
    %dma_start3A_125 = tpu.memref_squeeze %dma_start3A_124 : memref<1x100x32xf32, #tpu.memory_space<vmem>> -> memref<100x32xf32, #tpu.memory_space<vmem>>
    %dma_start3A_126 = arith.constant 0 : i32
    %dma_start3A_127 = tpu.memref_slice %arg6[%dma_start3A_120, %dma_start3A_126] : memref<64x100xi32, #tpu.memory_space<vmem>> -> memref<1x100xi32, #tpu.memory_space<vmem>>
    %dma_start3A_128 = tpu.memref_squeeze %dma_start3A_127 : memref<1x100xi32, #tpu.memory_space<vmem>> -> memref<100xi32, #tpu.memory_space<vmem>>
    %dma_start3A_129 = arith.constant 0 : i32
    %dma_start3A_130 = arith.constant 0 : i32
    %dma_start3A_131 = tpu.memref_slice %arg3[%dma_start3A_129, %dma_start3A_130] : memref<1000000x32xf32, #tpu.memory_space<hbm>> -> memref<1000000x32xf32, #tpu.memory_space<hbm>>
    tpu.enqueue_indirect_dma source(%dma_start3A_131 : memref<1000000x32xf32, #tpu.memory_space<hbm>>) target(%dma_start3A_125 : memref<100x32xf32, #tpu.memory_space<vmem>>) offsets(%dma_start3A_128 : memref<100xi32, #tpu.memory_space<vmem>>) semaphore(%arg9 : memref<!tpu.dma_semaphore, #tpu.memory_space<semaphore_mem>>)
    %dma_start3A_132 = arith.constant 11 : i32
    %dma_start3A_133 = arith.constant 5 : i32
    %dma_start3A_134 = arith.constant 100 : i32
    %dma_start3A_135 = arith.constant 0 : i32
    %dma_start3A_136 = tpu.memref_slice %arg8[%dma_start3A_133, %dma_start3A_134, %dma_start3A_135] : memref<8x200x32xf32, #tpu.memory_space<vmem>> -> memref<1x100x32xf32, #tpu.memory_space<vmem>>
    %dma_start3A_137 = tpu.memref_squeeze %dma_start3A_136 : memref<1x100x32xf32, #tpu.memory_space<vmem>> -> memref<100x32xf32, #tpu.memory_space<vmem>>
    %dma_start3A_138 = arith.constant 0 : i32
    %dma_start3A_139 = tpu.memref_slice %arg6[%dma_start3A_132, %dma_start3A_138] : memref<64x100xi32, #tpu.memory_space<vmem>> -> memref<1x100xi32, #tpu.memory_space<vmem>>
    %dma_start3A_140 = tpu.memref_squeeze %dma_start3A_139 : memref<1x100xi32, #tpu.memory_space<vmem>> -> memref<100xi32, #tpu.memory_space<vmem>>
    %dma_start3A_141 = arith.constant 0 : i32
    %dma_start3A_142 = arith.constant 0 : i32
    %dma_start3A_143 = tpu.memref_slice %arg3[%dma_start3A_141, %dma_start3A_142] : memref<1000000x32xf32, #tpu.memory_space<hbm>> -> memref<1000000x32xf32, #tpu.memory_space<hbm>>
    tpu.enqueue_indirect_dma source(%dma_start3A_143 : memref<1000000x32xf32, #tpu.memory_space<hbm>>) target(%dma_start3A_137 : memref<100x32xf32, #tpu.memory_space<vmem>>) offsets(%dma_start3A_140 : memref<100xi32, #tpu.memory_space<vmem>>) semaphore(%arg9 : memref<!tpu.dma_semaphore, #tpu.memory_space<semaphore_mem>>)
    %dma_start3A_144 = arith.constant 12 : i32
    %dma_start3A_145 = arith.constant 6 : i32
    %dma_start3A_146 = arith.constant 0 : i32
    %dma_start3A_147 = arith.constant 0 : i32
    %dma_start3A_148 = tpu.memref_slice %arg8[%dma_start3A_145, %dma_start3A_146, %dma_start3A_147] : memref<8x200x32xf32, #tpu.memory_space<vmem>> -> memref<1x100x32xf32, #tpu.memory_space<vmem>>
    %dma_start3A_149 = tpu.memref_squeeze %dma_start3A_148 : memref<1x100x32xf32, #tpu.memory_space<vmem>> -> memref<100x32xf32, #tpu.memory_space<vmem>>
    %dma_start3A_150 = arith.constant 0 : i32
    %dma_start3A_151 = tpu.memref_slice %arg6[%dma_start3A_144, %dma_start3A_150] : memref<64x100xi32, #tpu.memory_space<vmem>> -> memref<1x100xi32, #tpu.memory_space<vmem>>
    %dma_start3A_152 = tpu.memref_squeeze %dma_start3A_151 : memref<1x100xi32, #tpu.memory_space<vmem>> -> memref<100xi32, #tpu.memory_space<vmem>>
    %dma_start3A_153 = arith.constant 0 : i32
    %dma_start3A_154 = arith.constant 0 : i32
    %dma_start3A_155 = tpu.memref_slice %arg3[%dma_start3A_153, %dma_start3A_154] : memref<1000000x32xf32, #tpu.memory_space<hbm>> -> memref<1000000x32xf32, #tpu.memory_space<hbm>>
    tpu.enqueue_indirect_dma source(%dma_start3A_155 : memref<1000000x32xf32, #tpu.memory_space<hbm>>) target(%dma_start3A_149 : memref<100x32xf32, #tpu.memory_space<vmem>>) offsets(%dma_start3A_152 : memref<100xi32, #tpu.memory_space<vmem>>) semaphore(%arg9 : memref<!tpu.dma_semaphore, #tpu.memory_space<semaphore_mem>>)
    %dma_start3A_156 = arith.constant 13 : i32
    %dma_start3A_157 = arith.constant 6 : i32
    %dma_start3A_158 = arith.constant 100 : i32
    %dma_start3A_159 = arith.constant 0 : i32
    %dma_start3A_160 = tpu.memref_slice %arg8[%dma_start3A_157, %dma_start3A_158, %dma_start3A_159] : memref<8x200x32xf32, #tpu.memory_space<vmem>> -> memref<1x100x32xf32, #tpu.memory_space<vmem>>
    %dma_start3A_161 = tpu.memref_squeeze %dma_start3A_160 : memref<1x100x32xf32, #tpu.memory_space<vmem>> -> memref<100x32xf32, #tpu.memory_space<vmem>>
    %dma_start3A_162 = arith.constant 0 : i32
    %dma_start3A_163 = tpu.memref_slice %arg6[%dma_start3A_156, %dma_start3A_162] : memref<64x100xi32, #tpu.memory_space<vmem>> -> memref<1x100xi32, #tpu.memory_space<vmem>>
    %dma_start3A_164 = tpu.memref_squeeze %dma_start3A_163 : memref<1x100xi32, #tpu.memory_space<vmem>> -> memref<100xi32, #tpu.memory_space<vmem>>
    %dma_start3A_165 = arith.constant 0 : i32
    %dma_start3A_166 = arith.constant 0 : i32
    %dma_start3A_167 = tpu.memref_slice %arg3[%dma_start3A_165, %dma_start3A_166] : memref<1000000x32xf32, #tpu.memory_space<hbm>> -> memref<1000000x32xf32, #tpu.memory_space<hbm>>
    tpu.enqueue_indirect_dma source(%dma_start3A_167 : memref<1000000x32xf32, #tpu.memory_space<hbm>>) target(%dma_start3A_161 : memref<100x32xf32, #tpu.memory_space<vmem>>) offsets(%dma_start3A_164 : memref<100xi32, #tpu.memory_space<vmem>>) semaphore(%arg9 : memref<!tpu.dma_semaphore, #tpu.memory_space<semaphore_mem>>)
    %dma_start3A_168 = arith.constant 14 : i32
    %dma_start3A_169 = arith.constant 7 : i32
    %dma_start3A_170 = arith.constant 0 : i32
    %dma_start3A_171 = arith.constant 0 : i32
    %dma_start3A_172 = tpu.memref_slice %arg8[%dma_start3A_169, %dma_start3A_170, %dma_start3A_171] : memref<8x200x32xf32, #tpu.memory_space<vmem>> -> memref<1x100x32xf32, #tpu.memory_space<vmem>>
    %dma_start3A_173 = tpu.memref_squeeze %dma_start3A_172 : memref<1x100x32xf32, #tpu.memory_space<vmem>> -> memref<100x32xf32, #tpu.memory_space<vmem>>
    %dma_start3A_174 = arith.constant 0 : i32
    %dma_start3A_175 = tpu.memref_slice %arg6[%dma_start3A_168, %dma_start3A_174] : memref<64x100xi32, #tpu.memory_space<vmem>> -> memref<1x100xi32, #tpu.memory_space<vmem>>
    %dma_start3A_176 = tpu.memref_squeeze %dma_start3A_175 : memref<1x100xi32, #tpu.memory_space<vmem>> -> memref<100xi32, #tpu.memory_space<vmem>>
    %dma_start3A_177 = arith.constant 0 : i32
    %dma_start3A_178 = arith.constant 0 : i32
    %dma_start3A_179 = tpu.memref_slice %arg3[%dma_start3A_177, %dma_start3A_178] : memref<1000000x32xf32, #tpu.memory_space<hbm>> -> memref<1000000x32xf32, #tpu.memory_space<hbm>>
    tpu.enqueue_indirect_dma source(%dma_start3A_179 : memref<1000000x32xf32, #tpu.memory_space<hbm>>) target(%dma_start3A_173 : memref<100x32xf32, #tpu.memory_space<vmem>>) offsets(%dma_start3A_176 : memref<100xi32, #tpu.memory_space<vmem>>) semaphore(%arg9 : memref<!tpu.dma_semaphore, #tpu.memory_space<semaphore_mem>>)
    %dma_start3A_180 = arith.constant 15 : i32
    %dma_start3A_181 = arith.constant 7 : i32
    %dma_start3A_182 = arith.constant 100 : i32
    %dma_start3A_183 = arith.constant 0 : i32
    %dma_start3A_184 = tpu.memref_slice %arg8[%dma_start3A_181, %dma_start3A_182, %dma_start3A_183] : memref<8x200x32xf32, #tpu.memory_space<vmem>> -> memref<1x100x32xf32, #tpu.memory_space<vmem>>
    %dma_start3A_185 = tpu.memref_squeeze %dma_start3A_184 : memref<1x100x32xf32, #tpu.memory_space<vmem>> -> memref<100x32xf32, #tpu.memory_space<vmem>>
    %dma_start3A_186 = arith.constant 0 : i32
    %dma_start3A_187 = tpu.memref_slice %arg6[%dma_start3A_180, %dma_start3A_186] : memref<64x100xi32, #tpu.memory_space<vmem>> -> memref<1x100xi32, #tpu.memory_space<vmem>>
    %dma_start3A_188 = tpu.memref_squeeze %dma_start3A_187 : memref<1x100xi32, #tpu.memory_space<vmem>> -> memref<100xi32, #tpu.memory_space<vmem>>
    %dma_start3A_189 = arith.constant 0 : i32
    %dma_start3A_190 = arith.constant 0 : i32
    %dma_start3A_191 = tpu.memref_slice %arg3[%dma_start3A_189, %dma_start3A_190] : memref<1000000x32xf32, #tpu.memory_space<hbm>> -> memref<1000000x32xf32, #tpu.memory_space<hbm>>
    tpu.enqueue_indirect_dma source(%dma_start3A_191 : memref<1000000x32xf32, #tpu.memory_space<hbm>>) target(%dma_start3A_185 : memref<100x32xf32, #tpu.memory_space<vmem>>) offsets(%dma_start3A_188 : memref<100xi32, #tpu.memory_space<vmem>>) semaphore(%arg9 : memref<!tpu.dma_semaphore, #tpu.memory_space<semaphore_mem>>)
    %dma_wait3A = arith.constant 0 : i32
    %dma_wait3A_192 = arith.constant 0 : i32
    %dma_wait3A_193 = arith.constant 0 : i32
    %dma_wait3A_194 = arith.constant 0 : i32
    %dma_wait3A_195 = tpu.memref_slice %arg8[%dma_wait3A_192, %dma_wait3A_193, %dma_wait3A_194] : memref<8x200x32xf32, #tpu.memory_space<vmem>> -> memref<1x100x32xf32, #tpu.memory_space<vmem>>
    %dma_wait3A_196 = tpu.memref_squeeze %dma_wait3A_195 : memref<1x100x32xf32, #tpu.memory_space<vmem>> -> memref<100x32xf32, #tpu.memory_space<vmem>>
    %dma_wait3A_197 = arith.constant 0 : i32
    %dma_wait3A_198 = tpu.memref_slice %arg6[%dma_wait3A, %dma_wait3A_197] : memref<64x100xi32, #tpu.memory_space<vmem>> -> memref<1x100xi32, #tpu.memory_space<vmem>>
    %dma_wait3A_199 = tpu.memref_squeeze %dma_wait3A_198 : memref<1x100xi32, #tpu.memory_space<vmem>> -> memref<100xi32, #tpu.memory_space<vmem>>
    %dma_wait3A_200 = arith.constant 0 : i32
    %dma_wait3A_201 = arith.constant 0 : i32
    %dma_wait3A_202 = tpu.memref_slice %arg3[%dma_wait3A_200, %dma_wait3A_201] : memref<1000000x32xf32, #tpu.memory_space<hbm>> -> memref<1000000x32xf32, #tpu.memory_space<hbm>>
    tpu.wait_indirect_dma semaphore(%arg9 : memref<!tpu.dma_semaphore, #tpu.memory_space<semaphore_mem>>) src(%dma_wait3A_202 : memref<1000000x32xf32, #tpu.memory_space<hbm>>) dst(%dma_wait3A_196 : memref<100x32xf32, #tpu.memory_space<vmem>>)
    %dma_wait3A_203 = arith.constant 1 : i32
    %dma_wait3A_204 = arith.constant 0 : i32
    %dma_wait3A_205 = arith.constant 100 : i32
    %dma_wait3A_206 = arith.constant 0 : i32
    %dma_wait3A_207 = tpu.memref_slice %arg8[%dma_wait3A_204, %dma_wait3A_205, %dma_wait3A_206] : memref<8x200x32xf32, #tpu.memory_space<vmem>> -> memref<1x100x32xf32, #tpu.memory_space<vmem>>
    %dma_wait3A_208 = tpu.memref_squeeze %dma_wait3A_207 : memref<1x100x32xf32, #tpu.memory_space<vmem>> -> memref<100x32xf32, #tpu.memory_space<vmem>>
    %dma_wait3A_209 = arith.constant 0 : i32
    %dma_wait3A_210 = tpu.memref_slice %arg6[%dma_wait3A_203, %dma_wait3A_209] : memref<64x100xi32, #tpu.memory_space<vmem>> -> memref<1x100xi32, #tpu.memory_space<vmem>>
    %dma_wait3A_211 = tpu.memref_squeeze %dma_wait3A_210 : memref<1x100xi32, #tpu.memory_space<vmem>> -> memref<100xi32, #tpu.memory_space<vmem>>
    %dma_wait3A_212 = arith.constant 0 : i32
    %dma_wait3A_213 = arith.constant 0 : i32
    %dma_wait3A_214 = tpu.memref_slice %arg3[%dma_wait3A_212, %dma_wait3A_213] : memref<1000000x32xf32, #tpu.memory_space<hbm>> -> memref<1000000x32xf32, #tpu.memory_space<hbm>>
    tpu.wait_indirect_dma semaphore(%arg9 : memref<!tpu.dma_semaphore, #tpu.memory_space<semaphore_mem>>) src(%dma_wait3A_214 : memref<1000000x32xf32, #tpu.memory_space<hbm>>) dst(%dma_wait3A_208 : memref<100x32xf32, #tpu.memory_space<vmem>>)
    %dma_wait3A_215 = arith.constant 2 : i32
    %dma_wait3A_216 = arith.constant 1 : i32
    %dma_wait3A_217 = arith.constant 0 : i32
    %dma_wait3A_218 = arith.constant 0 : i32
    %dma_wait3A_219 = tpu.memref_slice %arg8[%dma_wait3A_216, %dma_wait3A_217, %dma_wait3A_218] : memref<8x200x32xf32, #tpu.memory_space<vmem>> -> memref<1x100x32xf32, #tpu.memory_space<vmem>>
    %dma_wait3A_220 = tpu.memref_squeeze %dma_wait3A_219 : memref<1x100x32xf32, #tpu.memory_space<vmem>> -> memref<100x32xf32, #tpu.memory_space<vmem>>
    %dma_wait3A_221 = arith.constant 0 : i32
    %dma_wait3A_222 = tpu.memref_slice %arg6[%dma_wait3A_215, %dma_wait3A_221] : memref<64x100xi32, #tpu.memory_space<vmem>> -> memref<1x100xi32, #tpu.memory_space<vmem>>
    %dma_wait3A_223 = tpu.memref_squeeze %dma_wait3A_222 : memref<1x100xi32, #tpu.memory_space<vmem>> -> memref<100xi32, #tpu.memory_space<vmem>>
    %dma_wait3A_224 = arith.constant 0 : i32
    %dma_wait3A_225 = arith.constant 0 : i32
    %dma_wait3A_226 = tpu.memref_slice %arg3[%dma_wait3A_224, %dma_wait3A_225] : memref<1000000x32xf32, #tpu.memory_space<hbm>> -> memref<1000000x32xf32, #tpu.memory_space<hbm>>
    tpu.wait_indirect_dma semaphore(%arg9 : memref<!tpu.dma_semaphore, #tpu.memory_space<semaphore_mem>>) src(%dma_wait3A_226 : memref<1000000x32xf32, #tpu.memory_space<hbm>>) dst(%dma_wait3A_220 : memref<100x32xf32, #tpu.memory_space<vmem>>)
    %dma_wait3A_227 = arith.constant 3 : i32
    %dma_wait3A_228 = arith.constant 1 : i32
    %dma_wait3A_229 = arith.constant 100 : i32
    %dma_wait3A_230 = arith.constant 0 : i32
    %dma_wait3A_231 = tpu.memref_slice %arg8[%dma_wait3A_228, %dma_wait3A_229, %dma_wait3A_230] : memref<8x200x32xf32, #tpu.memory_space<vmem>> -> memref<1x100x32xf32, #tpu.memory_space<vmem>>
    %dma_wait3A_232 = tpu.memref_squeeze %dma_wait3A_231 : memref<1x100x32xf32, #tpu.memory_space<vmem>> -> memref<100x32xf32, #tpu.memory_space<vmem>>
    %dma_wait3A_233 = arith.constant 0 : i32
    %dma_wait3A_234 = tpu.memref_slice %arg6[%dma_wait3A_227, %dma_wait3A_233] : memref<64x100xi32, #tpu.memory_space<vmem>> -> memref<1x100xi32, #tpu.memory_space<vmem>>
    %dma_wait3A_235 = tpu.memref_squeeze %dma_wait3A_234 : memref<1x100xi32, #tpu.memory_space<vmem>> -> memref<100xi32, #tpu.memory_space<vmem>>
    %dma_wait3A_236 = arith.constant 0 : i32
    %dma_wait3A_237 = arith.constant 0 : i32
    %dma_wait3A_238 = tpu.memref_slice %arg3[%dma_wait3A_236, %dma_wait3A_237] : memref<1000000x32xf32, #tpu.memory_space<hbm>> -> memref<1000000x32xf32, #tpu.memory_space<hbm>>
    tpu.wait_indirect_dma semaphore(%arg9 : memref<!tpu.dma_semaphore, #tpu.memory_space<semaphore_mem>>) src(%dma_wait3A_238 : memref<1000000x32xf32, #tpu.memory_space<hbm>>) dst(%dma_wait3A_232 : memref<100x32xf32, #tpu.memory_space<vmem>>)
    %dma_wait3A_239 = arith.constant 4 : i32
    %dma_wait3A_240 = arith.constant 2 : i32
    %dma_wait3A_241 = arith.constant 0 : i32
    %dma_wait3A_242 = arith.constant 0 : i32
    %dma_wait3A_243 = tpu.memref_slice %arg8[%dma_wait3A_240, %dma_wait3A_241, %dma_wait3A_242] : memref<8x200x32xf32, #tpu.memory_space<vmem>> -> memref<1x100x32xf32, #tpu.memory_space<vmem>>
    %dma_wait3A_244 = tpu.memref_squeeze %dma_wait3A_243 : memref<1x100x32xf32, #tpu.memory_space<vmem>> -> memref<100x32xf32, #tpu.memory_space<vmem>>
    %dma_wait3A_245 = arith.constant 0 : i32
    %dma_wait3A_246 = tpu.memref_slice %arg6[%dma_wait3A_239, %dma_wait3A_245] : memref<64x100xi32, #tpu.memory_space<vmem>> -> memref<1x100xi32, #tpu.memory_space<vmem>>
    %dma_wait3A_247 = tpu.memref_squeeze %dma_wait3A_246 : memref<1x100xi32, #tpu.memory_space<vmem>> -> memref<100xi32, #tpu.memory_space<vmem>>
    %dma_wait3A_248 = arith.constant 0 : i32
    %dma_wait3A_249 = arith.constant 0 : i32
    %dma_wait3A_250 = tpu.memref_slice %arg3[%dma_wait3A_248, %dma_wait3A_249] : memref<1000000x32xf32, #tpu.memory_space<hbm>> -> memref<1000000x32xf32, #tpu.memory_space<hbm>>
    tpu.wait_indirect_dma semaphore(%arg9 : memref<!tpu.dma_semaphore, #tpu.memory_space<semaphore_mem>>) src(%dma_wait3A_250 : memref<1000000x32xf32, #tpu.memory_space<hbm>>) dst(%dma_wait3A_244 : memref<100x32xf32, #tpu.memory_space<vmem>>)
    %dma_wait3A_251 = arith.constant 5 : i32
    %dma_wait3A_252 = arith.constant 2 : i32
    %dma_wait3A_253 = arith.constant 100 : i32
    %dma_wait3A_254 = arith.constant 0 : i32
    %dma_wait3A_255 = tpu.memref_slice %arg8[%dma_wait3A_252, %dma_wait3A_253, %dma_wait3A_254] : memref<8x200x32xf32, #tpu.memory_space<vmem>> -> memref<1x100x32xf32, #tpu.memory_space<vmem>>
    %dma_wait3A_256 = tpu.memref_squeeze %dma_wait3A_255 : memref<1x100x32xf32, #tpu.memory_space<vmem>> -> memref<100x32xf32, #tpu.memory_space<vmem>>
    %dma_wait3A_257 = arith.constant 0 : i32
    %dma_wait3A_258 = tpu.memref_slice %arg6[%dma_wait3A_251, %dma_wait3A_257] : memref<64x100xi32, #tpu.memory_space<vmem>> -> memref<1x100xi32, #tpu.memory_space<vmem>>
    %dma_wait3A_259 = tpu.memref_squeeze %dma_wait3A_258 : memref<1x100xi32, #tpu.memory_space<vmem>> -> memref<100xi32, #tpu.memory_space<vmem>>
    %dma_wait3A_260 = arith.constant 0 : i32
    %dma_wait3A_261 = arith.constant 0 : i32
    %dma_wait3A_262 = tpu.memref_slice %arg3[%dma_wait3A_260, %dma_wait3A_261] : memref<1000000x32xf32, #tpu.memory_space<hbm>> -> memref<1000000x32xf32, #tpu.memory_space<hbm>>
    tpu.wait_indirect_dma semaphore(%arg9 : memref<!tpu.dma_semaphore, #tpu.memory_space<semaphore_mem>>) src(%dma_wait3A_262 : memref<1000000x32xf32, #tpu.memory_space<hbm>>) dst(%dma_wait3A_256 : memref<100x32xf32, #tpu.memory_space<vmem>>)
    %dma_wait3A_263 = arith.constant 6 : i32
    %dma_wait3A_264 = arith.constant 3 : i32
    %dma_wait3A_265 = arith.constant 0 : i32
    %dma_wait3A_266 = arith.constant 0 : i32
    %dma_wait3A_267 = tpu.memref_slice %arg8[%dma_wait3A_264, %dma_wait3A_265, %dma_wait3A_266] : memref<8x200x32xf32, #tpu.memory_space<vmem>> -> memref<1x100x32xf32, #tpu.memory_space<vmem>>
    %dma_wait3A_268 = tpu.memref_squeeze %dma_wait3A_267 : memref<1x100x32xf32, #tpu.memory_space<vmem>> -> memref<100x32xf32, #tpu.memory_space<vmem>>
    %dma_wait3A_269 = arith.constant 0 : i32
    %dma_wait3A_270 = tpu.memref_slice %arg6[%dma_wait3A_263, %dma_wait3A_269] : memref<64x100xi32, #tpu.memory_space<vmem>> -> memref<1x100xi32, #tpu.memory_space<vmem>>
    %dma_wait3A_271 = tpu.memref_squeeze %dma_wait3A_270 : memref<1x100xi32, #tpu.memory_space<vmem>> -> memref<100xi32, #tpu.memory_space<vmem>>
    %dma_wait3A_272 = arith.constant 0 : i32
    %dma_wait3A_273 = arith.constant 0 : i32
    %dma_wait3A_274 = tpu.memref_slice %arg3[%dma_wait3A_272, %dma_wait3A_273] : memref<1000000x32xf32, #tpu.memory_space<hbm>> -> memref<1000000x32xf32, #tpu.memory_space<hbm>>
    tpu.wait_indirect_dma semaphore(%arg9 : memref<!tpu.dma_semaphore, #tpu.memory_space<semaphore_mem>>) src(%dma_wait3A_274 : memref<1000000x32xf32, #tpu.memory_space<hbm>>) dst(%dma_wait3A_268 : memref<100x32xf32, #tpu.memory_space<vmem>>)
    %dma_wait3A_275 = arith.constant 7 : i32
    %dma_wait3A_276 = arith.constant 3 : i32
    %dma_wait3A_277 = arith.constant 100 : i32
    %dma_wait3A_278 = arith.constant 0 : i32
    %dma_wait3A_279 = tpu.memref_slice %arg8[%dma_wait3A_276, %dma_wait3A_277, %dma_wait3A_278] : memref<8x200x32xf32, #tpu.memory_space<vmem>> -> memref<1x100x32xf32, #tpu.memory_space<vmem>>
    %dma_wait3A_280 = tpu.memref_squeeze %dma_wait3A_279 : memref<1x100x32xf32, #tpu.memory_space<vmem>> -> memref<100x32xf32, #tpu.memory_space<vmem>>
    %dma_wait3A_281 = arith.constant 0 : i32
    %dma_wait3A_282 = tpu.memref_slice %arg6[%dma_wait3A_275, %dma_wait3A_281] : memref<64x100xi32, #tpu.memory_space<vmem>> -> memref<1x100xi32, #tpu.memory_space<vmem>>
    %dma_wait3A_283 = tpu.memref_squeeze %dma_wait3A_282 : memref<1x100xi32, #tpu.memory_space<vmem>> -> memref<100xi32, #tpu.memory_space<vmem>>
    %dma_wait3A_284 = arith.constant 0 : i32
    %dma_wait3A_285 = arith.constant 0 : i32
    %dma_wait3A_286 = tpu.memref_slice %arg3[%dma_wait3A_284, %dma_wait3A_285] : memref<1000000x32xf32, #tpu.memory_space<hbm>> -> memref<1000000x32xf32, #tpu.memory_space<hbm>>
    tpu.wait_indirect_dma semaphore(%arg9 : memref<!tpu.dma_semaphore, #tpu.memory_space<semaphore_mem>>) src(%dma_wait3A_286 : memref<1000000x32xf32, #tpu.memory_space<hbm>>) dst(%dma_wait3A_280 : memref<100x32xf32, #tpu.memory_space<vmem>>)
    %dma_wait3A_287 = arith.constant 8 : i32
    %dma_wait3A_288 = arith.constant 4 : i32
    %dma_wait3A_289 = arith.constant 0 : i32
    %dma_wait3A_290 = arith.constant 0 : i32
    %dma_wait3A_291 = tpu.memref_slice %arg8[%dma_wait3A_288, %dma_wait3A_289, %dma_wait3A_290] : memref<8x200x32xf32, #tpu.memory_space<vmem>> -> memref<1x100x32xf32, #tpu.memory_space<vmem>>
    %dma_wait3A_292 = tpu.memref_squeeze %dma_wait3A_291 : memref<1x100x32xf32, #tpu.memory_space<vmem>> -> memref<100x32xf32, #tpu.memory_space<vmem>>
    %dma_wait3A_293 = arith.constant 0 : i32
    %dma_wait3A_294 = tpu.memref_slice %arg6[%dma_wait3A_287, %dma_wait3A_293] : memref<64x100xi32, #tpu.memory_space<vmem>> -> memref<1x100xi32, #tpu.memory_space<vmem>>
    %dma_wait3A_295 = tpu.memref_squeeze %dma_wait3A_294 : memref<1x100xi32, #tpu.memory_space<vmem>> -> memref<100xi32, #tpu.memory_space<vmem>>
    %dma_wait3A_296 = arith.constant 0 : i32
    %dma_wait3A_297 = arith.constant 0 : i32
    %dma_wait3A_298 = tpu.memref_slice %arg3[%dma_wait3A_296, %dma_wait3A_297] : memref<1000000x32xf32, #tpu.memory_space<hbm>> -> memref<1000000x32xf32, #tpu.memory_space<hbm>>
    tpu.wait_indirect_dma semaphore(%arg9 : memref<!tpu.dma_semaphore, #tpu.memory_space<semaphore_mem>>) src(%dma_wait3A_298 : memref<1000000x32xf32, #tpu.memory_space<hbm>>) dst(%dma_wait3A_292 : memref<100x32xf32, #tpu.memory_space<vmem>>)
    %dma_wait3A_299 = arith.constant 9 : i32
    %dma_wait3A_300 = arith.constant 4 : i32
    %dma_wait3A_301 = arith.constant 100 : i32
    %dma_wait3A_302 = arith.constant 0 : i32
    %dma_wait3A_303 = tpu.memref_slice %arg8[%dma_wait3A_300, %dma_wait3A_301, %dma_wait3A_302] : memref<8x200x32xf32, #tpu.memory_space<vmem>> -> memref<1x100x32xf32, #tpu.memory_space<vmem>>
    %dma_wait3A_304 = tpu.memref_squeeze %dma_wait3A_303 : memref<1x100x32xf32, #tpu.memory_space<vmem>> -> memref<100x32xf32, #tpu.memory_space<vmem>>
    %dma_wait3A_305 = arith.constant 0 : i32
    %dma_wait3A_306 = tpu.memref_slice %arg6[%dma_wait3A_299, %dma_wait3A_305] : memref<64x100xi32, #tpu.memory_space<vmem>> -> memref<1x100xi32, #tpu.memory_space<vmem>>
    %dma_wait3A_307 = tpu.memref_squeeze %dma_wait3A_306 : memref<1x100xi32, #tpu.memory_space<vmem>> -> memref<100xi32, #tpu.memory_space<vmem>>
    %dma_wait3A_308 = arith.constant 0 : i32
    %dma_wait3A_309 = arith.constant 0 : i32
    %dma_wait3A_310 = tpu.memref_slice %arg3[%dma_wait3A_308, %dma_wait3A_309] : memref<1000000x32xf32, #tpu.memory_space<hbm>> -> memref<1000000x32xf32, #tpu.memory_space<hbm>>
    tpu.wait_indirect_dma semaphore(%arg9 : memref<!tpu.dma_semaphore, #tpu.memory_space<semaphore_mem>>) src(%dma_wait3A_310 : memref<1000000x32xf32, #tpu.memory_space<hbm>>) dst(%dma_wait3A_304 : memref<100x32xf32, #tpu.memory_space<vmem>>)
    %dma_wait3A_311 = arith.constant 10 : i32
    %dma_wait3A_312 = arith.constant 5 : i32
    %dma_wait3A_313 = arith.constant 0 : i32
    %dma_wait3A_314 = arith.constant 0 : i32
    %dma_wait3A_315 = tpu.memref_slice %arg8[%dma_wait3A_312, %dma_wait3A_313, %dma_wait3A_314] : memref<8x200x32xf32, #tpu.memory_space<vmem>> -> memref<1x100x32xf32, #tpu.memory_space<vmem>>
    %dma_wait3A_316 = tpu.memref_squeeze %dma_wait3A_315 : memref<1x100x32xf32, #tpu.memory_space<vmem>> -> memref<100x32xf32, #tpu.memory_space<vmem>>
    %dma_wait3A_317 = arith.constant 0 : i32
    %dma_wait3A_318 = tpu.memref_slice %arg6[%dma_wait3A_311, %dma_wait3A_317] : memref<64x100xi32, #tpu.memory_space<vmem>> -> memref<1x100xi32, #tpu.memory_space<vmem>>
    %dma_wait3A_319 = tpu.memref_squeeze %dma_wait3A_318 : memref<1x100xi32, #tpu.memory_space<vmem>> -> memref<100xi32, #tpu.memory_space<vmem>>
    %dma_wait3A_320 = arith.constant 0 : i32
    %dma_wait3A_321 = arith.constant 0 : i32
    %dma_wait3A_322 = tpu.memref_slice %arg3[%dma_wait3A_320, %dma_wait3A_321] : memref<1000000x32xf32, #tpu.memory_space<hbm>> -> memref<1000000x32xf32, #tpu.memory_space<hbm>>
    tpu.wait_indirect_dma semaphore(%arg9 : memref<!tpu.dma_semaphore, #tpu.memory_space<semaphore_mem>>) src(%dma_wait3A_322 : memref<1000000x32xf32, #tpu.memory_space<hbm>>) dst(%dma_wait3A_316 : memref<100x32xf32, #tpu.memory_space<vmem>>)
    %dma_wait3A_323 = arith.constant 11 : i32
    %dma_wait3A_324 = arith.constant 5 : i32
    %dma_wait3A_325 = arith.constant 100 : i32
    %dma_wait3A_326 = arith.constant 0 : i32
    %dma_wait3A_327 = tpu.memref_slice %arg8[%dma_wait3A_324, %dma_wait3A_325, %dma_wait3A_326] : memref<8x200x32xf32, #tpu.memory_space<vmem>> -> memref<1x100x32xf32, #tpu.memory_space<vmem>>
    %dma_wait3A_328 = tpu.memref_squeeze %dma_wait3A_327 : memref<1x100x32xf32, #tpu.memory_space<vmem>> -> memref<100x32xf32, #tpu.memory_space<vmem>>
    %dma_wait3A_329 = arith.constant 0 : i32
    %dma_wait3A_330 = tpu.memref_slice %arg6[%dma_wait3A_323, %dma_wait3A_329] : memref<64x100xi32, #tpu.memory_space<vmem>> -> memref<1x100xi32, #tpu.memory_space<vmem>>
    %dma_wait3A_331 = tpu.memref_squeeze %dma_wait3A_330 : memref<1x100xi32, #tpu.memory_space<vmem>> -> memref<100xi32, #tpu.memory_space<vmem>>
    %dma_wait3A_332 = arith.constant 0 : i32
    %dma_wait3A_333 = arith.constant 0 : i32
    %dma_wait3A_334 = tpu.memref_slice %arg3[%dma_wait3A_332, %dma_wait3A_333] : memref<1000000x32xf32, #tpu.memory_space<hbm>> -> memref<1000000x32xf32, #tpu.memory_space<hbm>>
    tpu.wait_indirect_dma semaphore(%arg9 : memref<!tpu.dma_semaphore, #tpu.memory_space<semaphore_mem>>) src(%dma_wait3A_334 : memref<1000000x32xf32, #tpu.memory_space<hbm>>) dst(%dma_wait3A_328 : memref<100x32xf32, #tpu.memory_space<vmem>>)
    %dma_wait3A_335 = arith.constant 12 : i32
    %dma_wait3A_336 = arith.constant 6 : i32
    %dma_wait3A_337 = arith.constant 0 : i32
    %dma_wait3A_338 = arith.constant 0 : i32
    %dma_wait3A_339 = tpu.memref_slice %arg8[%dma_wait3A_336, %dma_wait3A_337, %dma_wait3A_338] : memref<8x200x32xf32, #tpu.memory_space<vmem>> -> memref<1x100x32xf32, #tpu.memory_space<vmem>>
    %dma_wait3A_340 = tpu.memref_squeeze %dma_wait3A_339 : memref<1x100x32xf32, #tpu.memory_space<vmem>> -> memref<100x32xf32, #tpu.memory_space<vmem>>
    %dma_wait3A_341 = arith.constant 0 : i32
    %dma_wait3A_342 = tpu.memref_slice %arg6[%dma_wait3A_335, %dma_wait3A_341] : memref<64x100xi32, #tpu.memory_space<vmem>> -> memref<1x100xi32, #tpu.memory_space<vmem>>
    %dma_wait3A_343 = tpu.memref_squeeze %dma_wait3A_342 : memref<1x100xi32, #tpu.memory_space<vmem>> -> memref<100xi32, #tpu.memory_space<vmem>>
    %dma_wait3A_344 = arith.constant 0 : i32
    %dma_wait3A_345 = arith.constant 0 : i32
    %dma_wait3A_346 = tpu.memref_slice %arg3[%dma_wait3A_344, %dma_wait3A_345] : memref<1000000x32xf32, #tpu.memory_space<hbm>> -> memref<1000000x32xf32, #tpu.memory_space<hbm>>
    tpu.wait_indirect_dma semaphore(%arg9 : memref<!tpu.dma_semaphore, #tpu.memory_space<semaphore_mem>>) src(%dma_wait3A_346 : memref<1000000x32xf32, #tpu.memory_space<hbm>>) dst(%dma_wait3A_340 : memref<100x32xf32, #tpu.memory_space<vmem>>)
    %dma_wait3A_347 = arith.constant 13 : i32
    %dma_wait3A_348 = arith.constant 6 : i32
    %dma_wait3A_349 = arith.constant 100 : i32
    %dma_wait3A_350 = arith.constant 0 : i32
    %dma_wait3A_351 = tpu.memref_slice %arg8[%dma_wait3A_348, %dma_wait3A_349, %dma_wait3A_350] : memref<8x200x32xf32, #tpu.memory_space<vmem>> -> memref<1x100x32xf32, #tpu.memory_space<vmem>>
    %dma_wait3A_352 = tpu.memref_squeeze %dma_wait3A_351 : memref<1x100x32xf32, #tpu.memory_space<vmem>> -> memref<100x32xf32, #tpu.memory_space<vmem>>
    %dma_wait3A_353 = arith.constant 0 : i32
    %dma_wait3A_354 = tpu.memref_slice %arg6[%dma_wait3A_347, %dma_wait3A_353] : memref<64x100xi32, #tpu.memory_space<vmem>> -> memref<1x100xi32, #tpu.memory_space<vmem>>
    %dma_wait3A_355 = tpu.memref_squeeze %dma_wait3A_354 : memref<1x100xi32, #tpu.memory_space<vmem>> -> memref<100xi32, #tpu.memory_space<vmem>>
    %dma_wait3A_356 = arith.constant 0 : i32
    %dma_wait3A_357 = arith.constant 0 : i32
    %dma_wait3A_358 = tpu.memref_slice %arg3[%dma_wait3A_356, %dma_wait3A_357] : memref<1000000x32xf32, #tpu.memory_space<hbm>> -> memref<1000000x32xf32, #tpu.memory_space<hbm>>
    tpu.wait_indirect_dma semaphore(%arg9 : memref<!tpu.dma_semaphore, #tpu.memory_space<semaphore_mem>>) src(%dma_wait3A_358 : memref<1000000x32xf32, #tpu.memory_space<hbm>>) dst(%dma_wait3A_352 : memref<100x32xf32, #tpu.memory_space<vmem>>)
    %dma_wait3A_359 = arith.constant 14 : i32
    %dma_wait3A_360 = arith.constant 7 : i32
    %dma_wait3A_361 = arith.constant 0 : i32
    %dma_wait3A_362 = arith.constant 0 : i32
    %dma_wait3A_363 = tpu.memref_slice %arg8[%dma_wait3A_360, %dma_wait3A_361, %dma_wait3A_362] : memref<8x200x32xf32, #tpu.memory_space<vmem>> -> memref<1x100x32xf32, #tpu.memory_space<vmem>>
    %dma_wait3A_364 = tpu.memref_squeeze %dma_wait3A_363 : memref<1x100x32xf32, #tpu.memory_space<vmem>> -> memref<100x32xf32, #tpu.memory_space<vmem>>
    %dma_wait3A_365 = arith.constant 0 : i32
    %dma_wait3A_366 = tpu.memref_slice %arg6[%dma_wait3A_359, %dma_wait3A_365] : memref<64x100xi32, #tpu.memory_space<vmem>> -> memref<1x100xi32, #tpu.memory_space<vmem>>
    %dma_wait3A_367 = tpu.memref_squeeze %dma_wait3A_366 : memref<1x100xi32, #tpu.memory_space<vmem>> -> memref<100xi32, #tpu.memory_space<vmem>>
    %dma_wait3A_368 = arith.constant 0 : i32
    %dma_wait3A_369 = arith.constant 0 : i32
    %dma_wait3A_370 = tpu.memref_slice %arg3[%dma_wait3A_368, %dma_wait3A_369] : memref<1000000x32xf32, #tpu.memory_space<hbm>> -> memref<1000000x32xf32, #tpu.memory_space<hbm>>
    tpu.wait_indirect_dma semaphore(%arg9 : memref<!tpu.dma_semaphore, #tpu.memory_space<semaphore_mem>>) src(%dma_wait3A_370 : memref<1000000x32xf32, #tpu.memory_space<hbm>>) dst(%dma_wait3A_364 : memref<100x32xf32, #tpu.memory_space<vmem>>)
    %dma_wait3A_371 = arith.constant 15 : i32
    %dma_wait3A_372 = arith.constant 7 : i32
    %dma_wait3A_373 = arith.constant 100 : i32
    %dma_wait3A_374 = arith.constant 0 : i32
    %dma_wait3A_375 = tpu.memref_slice %arg8[%dma_wait3A_372, %dma_wait3A_373, %dma_wait3A_374] : memref<8x200x32xf32, #tpu.memory_space<vmem>> -> memref<1x100x32xf32, #tpu.memory_space<vmem>>
    %dma_wait3A_376 = tpu.memref_squeeze %dma_wait3A_375 : memref<1x100x32xf32, #tpu.memory_space<vmem>> -> memref<100x32xf32, #tpu.memory_space<vmem>>
    %dma_wait3A_377 = arith.constant 0 : i32
    %dma_wait3A_378 = tpu.memref_slice %arg6[%dma_wait3A_371, %dma_wait3A_377] : memref<64x100xi32, #tpu.memory_space<vmem>> -> memref<1x100xi32, #tpu.memory_space<vmem>>
    %dma_wait3A_379 = tpu.memref_squeeze %dma_wait3A_378 : memref<1x100xi32, #tpu.memory_space<vmem>> -> memref<100xi32, #tpu.memory_space<vmem>>
    %dma_wait3A_380 = arith.constant 0 : i32
    %dma_wait3A_381 = arith.constant 0 : i32
    %dma_wait3A_382 = tpu.memref_slice %arg3[%dma_wait3A_380, %dma_wait3A_381] : memref<1000000x32xf32, #tpu.memory_space<hbm>> -> memref<1000000x32xf32, #tpu.memory_space<hbm>>
    tpu.wait_indirect_dma semaphore(%arg9 : memref<!tpu.dma_semaphore, #tpu.memory_space<semaphore_mem>>) src(%dma_wait3A_382 : memref<1000000x32xf32, #tpu.memory_space<hbm>>) dst(%dma_wait3A_376 : memref<100x32xf32, #tpu.memory_space<vmem>>)
    %scan3A = arith.constant 0 : i32
    %scan3A_383 = arith.constant 200 : i32
    %scan3A_384 = arith.addi %scan3A, %scan3A_383 : i32
    %scan3A_385 = arith.constant 1 : i32
    scf.for %scan3A_1570 = %scan3A to %scan3A_384 step %scan3A_385  : i32 {
      %get3A = arith.index_cast %scan3A_1570 : i32 to index
      %get3A_1571 = arith.constant 0 : index
      %get3A_1572 = tpu.vector_load %arg7[%get3A, %get3A_1571] {strides = array<i32>} : memref<200x32xf32, #tpu.memory_space<vmem>>, vector<1x16xf32>,
      %get3A_1573 = vector.shape_cast %get3A_1572 : vector<1x16xf32> to vector<16xf32>
      %get3A_1574 = arith.index_cast %scan3A_1570 : i32 to index
      %get3A_1575 = arith.constant 16 : index
      %get3A_1576 = tpu.vector_load %arg7[%get3A_1574, %get3A_1575] {strides = array<i32>} : memref<200x32xf32, #tpu.memory_space<vmem>>, vector<1x16xf32>,
      %get3A_1577 = vector.shape_cast %get3A_1576 : vector<1x16xf32> to vector<16xf32>
      %swap3A = arith.constant 0 : i32
      %swap3A_1578 = arith.index_cast %swap3A : i32 to index
      %swap3A_1579 = arith.index_cast %scan3A_1570 : i32 to index
      %swap3A_1580 = arith.constant 0 : index
      %swap3A_1581 = tpu.vector_load %arg8[%swap3A_1578, %swap3A_1579, %swap3A_1580] {strides = array<i32>} : memref<8x200x32xf32, #tpu.memory_space<vmem>>, vector<1x1x16xf32>,
      %swap3A_1582 = vector.shape_cast %swap3A_1581 : vector<1x1x16xf32> to vector<16xf32>
      %swap3A_1583 = vector.shape_cast %get3A_1573 : vector<16xf32> to vector<1x1x16xf32>
      tpu.vector_store %arg8[%swap3A_1578, %swap3A_1579, %swap3A_1580], %swap3A_1583 {add = true, strides = array<i32>} : memref<8x200x32xf32, #tpu.memory_space<vmem>>, vector<1x1x16xf32>,
      %swap3A_1584 = arith.constant 0 : i32
      %swap3A_1585 = arith.index_cast %swap3A_1584 : i32 to index
      %swap3A_1586 = arith.index_cast %scan3A_1570 : i32 to index
      %swap3A_1587 = arith.constant 16 : index
      %swap3A_1588 = tpu.vector_load %arg8[%swap3A_1585, %swap3A_1586, %swap3A_1587] {strides = array<i32>} : memref<8x200x32xf32, #tpu.memory_space<vmem>>, vector<1x1x16xf32>,
      %swap3A_1589 = vector.shape_cast %swap3A_1588 : vector<1x1x16xf32> to vector<16xf32>
      %swap3A_1590 = vector.shape_cast %get3A_1577 : vector<16xf32> to vector<1x1x16xf32>
      tpu.vector_store %arg8[%swap3A_1585, %swap3A_1586, %swap3A_1587], %swap3A_1590 {add = true, strides = array<i32>} : memref<8x200x32xf32, #tpu.memory_space<vmem>>, vector<1x1x16xf32>,
      %swap3A_1591 = arith.constant 1 : i32
      %swap3A_1592 = arith.index_cast %swap3A_1591 : i32 to index
      %swap3A_1593 = arith.index_cast %scan3A_1570 : i32 to index
      %swap3A_1594 = arith.constant 0 : index
      %swap3A_1595 = tpu.vector_load %arg8[%swap3A_1592, %swap3A_1593, %swap3A_1594] {strides = array<i32>} : memref<8x200x32xf32, #tpu.memory_space<vmem>>, vector<1x1x16xf32>,
      %swap3A_1596 = vector.shape_cast %swap3A_1595 : vector<1x1x16xf32> to vector<16xf32>
      %swap3A_1597 = vector.shape_cast %get3A_1573 : vector<16xf32> to vector<1x1x16xf32>
      tpu.vector_store %arg8[%swap3A_1592, %swap3A_1593, %swap3A_1594], %swap3A_1597 {add = true, strides = array<i32>} : memref<8x200x32xf32, #tpu.memory_space<vmem>>, vector<1x1x16xf32>,
      %swap3A_1598 = arith.constant 1 : i32
      %swap3A_1599 = arith.index_cast %swap3A_1598 : i32 to index
      %swap3A_1600 = arith.index_cast %scan3A_1570 : i32 to index
      %swap3A_1601 = arith.constant 16 : index
      %swap3A_1602 = tpu.vector_load %arg8[%swap3A_1599, %swap3A_1600, %swap3A_1601] {strides = array<i32>} : memref<8x200x32xf32, #tpu.memory_space<vmem>>, vector<1x1x16xf32>,
      %swap3A_1603 = vector.shape_cast %swap3A_1602 : vector<1x1x16xf32> to vector<16xf32>
      %swap3A_1604 = vector.shape_cast %get3A_1577 : vector<16xf32> to vector<1x1x16xf32>
      tpu.vector_store %arg8[%swap3A_1599, %swap3A_1600, %swap3A_1601], %swap3A_1604 {add = true, strides = array<i32>} : memref<8x200x32xf32, #tpu.memory_space<vmem>>, vector<1x1x16xf32>,
      %swap3A_1605 = arith.constant 2 : i32
      %swap3A_1606 = arith.index_cast %swap3A_1605 : i32 to index
      %swap3A_1607 = arith.index_cast %scan3A_1570 : i32 to index
      %swap3A_1608 = arith.constant 0 : index
      %swap3A_1609 = tpu.vector_load %arg8[%swap3A_1606, %swap3A_1607, %swap3A_1608] {strides = array<i32>} : memref<8x200x32xf32, #tpu.memory_space<vmem>>, vector<1x1x16xf32>,
      %swap3A_1610 = vector.shape_cast %swap3A_1609 : vector<1x1x16xf32> to vector<16xf32>
      %swap3A_1611 = vector.shape_cast %get3A_1573 : vector<16xf32> to vector<1x1x16xf32>
      tpu.vector_store %arg8[%swap3A_1606, %swap3A_1607, %swap3A_1608], %swap3A_1611 {add = true, strides = array<i32>} : memref<8x200x32xf32, #tpu.memory_space<vmem>>, vector<1x1x16xf32>,
      %swap3A_1612 = arith.constant 2 : i32
      %swap3A_1613 = arith.index_cast %swap3A_1612 : i32 to index
      %swap3A_1614 = arith.index_cast %scan3A_1570 : i32 to index
      %swap3A_1615 = arith.constant 16 : index
      %swap3A_1616 = tpu.vector_load %arg8[%swap3A_1613, %swap3A_1614, %swap3A_1615] {strides = array<i32>} : memref<8x200x32xf32, #tpu.memory_space<vmem>>, vector<1x1x16xf32>,
      %swap3A_1617 = vector.shape_cast %swap3A_1616 : vector<1x1x16xf32> to vector<16xf32>
      %swap3A_1618 = vector.shape_cast %get3A_1577 : vector<16xf32> to vector<1x1x16xf32>
      tpu.vector_store %arg8[%swap3A_1613, %swap3A_1614, %swap3A_1615], %swap3A_1618 {add = true, strides = array<i32>} : memref<8x200x32xf32, #tpu.memory_space<vmem>>, vector<1x1x16xf32>,
      %swap3A_1619 = arith.constant 3 : i32
      %swap3A_1620 = arith.index_cast %swap3A_1619 : i32 to index
      %swap3A_1621 = arith.index_cast %scan3A_1570 : i32 to index
      %swap3A_1622 = arith.constant 0 : index
      %swap3A_1623 = tpu.vector_load %arg8[%swap3A_1620, %swap3A_1621, %swap3A_1622] {strides = array<i32>} : memref<8x200x32xf32, #tpu.memory_space<vmem>>, vector<1x1x16xf32>,
      %swap3A_1624 = vector.shape_cast %swap3A_1623 : vector<1x1x16xf32> to vector<16xf32>
      %swap3A_1625 = vector.shape_cast %get3A_1573 : vector<16xf32> to vector<1x1x16xf32>
      tpu.vector_store %arg8[%swap3A_1620, %swap3A_1621, %swap3A_1622], %swap3A_1625 {add = true, strides = array<i32>} : memref<8x200x32xf32, #tpu.memory_space<vmem>>, vector<1x1x16xf32>,
      %swap3A_1626 = arith.constant 3 : i32
      %swap3A_1627 = arith.index_cast %swap3A_1626 : i32 to index
      %swap3A_1628 = arith.index_cast %scan3A_1570 : i32 to index
      %swap3A_1629 = arith.constant 16 : index
      %swap3A_1630 = tpu.vector_load %arg8[%swap3A_1627, %swap3A_1628, %swap3A_1629] {strides = array<i32>} : memref<8x200x32xf32, #tpu.memory_space<vmem>>, vector<1x1x16xf32>,
      %swap3A_1631 = vector.shape_cast %swap3A_1630 : vector<1x1x16xf32> to vector<16xf32>
      %swap3A_1632 = vector.shape_cast %get3A_1577 : vector<16xf32> to vector<1x1x16xf32>
      tpu.vector_store %arg8[%swap3A_1627, %swap3A_1628, %swap3A_1629], %swap3A_1632 {add = true, strides = array<i32>} : memref<8x200x32xf32, #tpu.memory_space<vmem>>, vector<1x1x16xf32>,
      %swap3A_1633 = arith.constant 4 : i32
      %swap3A_1634 = arith.index_cast %swap3A_1633 : i32 to index
      %swap3A_1635 = arith.index_cast %scan3A_1570 : i32 to index
      %swap3A_1636 = arith.constant 0 : index
      %swap3A_1637 = tpu.vector_load %arg8[%swap3A_1634, %swap3A_1635, %swap3A_1636] {strides = array<i32>} : memref<8x200x32xf32, #tpu.memory_space<vmem>>, vector<1x1x16xf32>,
      %swap3A_1638 = vector.shape_cast %swap3A_1637 : vector<1x1x16xf32> to vector<16xf32>
      %swap3A_1639 = vector.shape_cast %get3A_1573 : vector<16xf32> to vector<1x1x16xf32>
      tpu.vector_store %arg8[%swap3A_1634, %swap3A_1635, %swap3A_1636], %swap3A_1639 {add = true, strides = array<i32>} : memref<8x200x32xf32, #tpu.memory_space<vmem>>, vector<1x1x16xf32>,
      %swap3A_1640 = arith.constant 4 : i32
      %swap3A_1641 = arith.index_cast %swap3A_1640 : i32 to index
      %swap3A_1642 = arith.index_cast %scan3A_1570 : i32 to index
      %swap3A_1643 = arith.constant 16 : index
      %swap3A_1644 = tpu.vector_load %arg8[%swap3A_1641, %swap3A_1642, %swap3A_1643] {strides = array<i32>} : memref<8x200x32xf32, #tpu.memory_space<vmem>>, vector<1x1x16xf32>,
      %swap3A_1645 = vector.shape_cast %swap3A_1644 : vector<1x1x16xf32> to vector<16xf32>
      %swap3A_1646 = vector.shape_cast %get3A_1577 : vector<16xf32> to vector<1x1x16xf32>
      tpu.vector_store %arg8[%swap3A_1641, %swap3A_1642, %swap3A_1643], %swap3A_1646 {add = true, strides = array<i32>} : memref<8x200x32xf32, #tpu.memory_space<vmem>>, vector<1x1x16xf32>,
      %swap3A_1647 = arith.constant 5 : i32
      %swap3A_1648 = arith.index_cast %swap3A_1647 : i32 to index
      %swap3A_1649 = arith.index_cast %scan3A_1570 : i32 to index
      %swap3A_1650 = arith.constant 0 : index
      %swap3A_1651 = tpu.vector_load %arg8[%swap3A_1648, %swap3A_1649, %swap3A_1650] {strides = array<i32>} : memref<8x200x32xf32, #tpu.memory_space<vmem>>, vector<1x1x16xf32>,
      %swap3A_1652 = vector.shape_cast %swap3A_1651 : vector<1x1x16xf32> to vector<16xf32>
      %swap3A_1653 = vector.shape_cast %get3A_1573 : vector<16xf32> to vector<1x1x16xf32>
      tpu.vector_store %arg8[%swap3A_1648, %swap3A_1649, %swap3A_1650], %swap3A_1653 {add = true, strides = array<i32>} : memref<8x200x32xf32, #tpu.memory_space<vmem>>, vector<1x1x16xf32>,
      %swap3A_1654 = arith.constant 5 : i32
      %swap3A_1655 = arith.index_cast %swap3A_1654 : i32 to index
      %swap3A_1656 = arith.index_cast %scan3A_1570 : i32 to index
      %swap3A_1657 = arith.constant 16 : index
      %swap3A_1658 = tpu.vector_load %arg8[%swap3A_1655, %swap3A_1656, %swap3A_1657] {strides = array<i32>} : memref<8x200x32xf32, #tpu.memory_space<vmem>>, vector<1x1x16xf32>,
      %swap3A_1659 = vector.shape_cast %swap3A_1658 : vector<1x1x16xf32> to vector<16xf32>
      %swap3A_1660 = vector.shape_cast %get3A_1577 : vector<16xf32> to vector<1x1x16xf32>
      tpu.vector_store %arg8[%swap3A_1655, %swap3A_1656, %swap3A_1657], %swap3A_1660 {add = true, strides = array<i32>} : memref<8x200x32xf32, #tpu.memory_space<vmem>>, vector<1x1x16xf32>,
      %swap3A_1661 = arith.constant 6 : i32
      %swap3A_1662 = arith.index_cast %swap3A_1661 : i32 to index
      %swap3A_1663 = arith.index_cast %scan3A_1570 : i32 to index
      %swap3A_1664 = arith.constant 0 : index
      %swap3A_1665 = tpu.vector_load %arg8[%swap3A_1662, %swap3A_1663, %swap3A_1664] {strides = array<i32>} : memref<8x200x32xf32, #tpu.memory_space<vmem>>, vector<1x1x16xf32>,
      %swap3A_1666 = vector.shape_cast %swap3A_1665 : vector<1x1x16xf32> to vector<16xf32>
      %swap3A_1667 = vector.shape_cast %get3A_1573 : vector<16xf32> to vector<1x1x16xf32>
      tpu.vector_store %arg8[%swap3A_1662, %swap3A_1663, %swap3A_1664], %swap3A_1667 {add = true, strides = array<i32>} : memref<8x200x32xf32, #tpu.memory_space<vmem>>, vector<1x1x16xf32>,
      %swap3A_1668 = arith.constant 6 : i32
      %swap3A_1669 = arith.index_cast %swap3A_1668 : i32 to index
      %swap3A_1670 = arith.index_cast %scan3A_1570 : i32 to index
      %swap3A_1671 = arith.constant 16 : index
      %swap3A_1672 = tpu.vector_load %arg8[%swap3A_1669, %swap3A_1670, %swap3A_1671] {strides = array<i32>} : memref<8x200x32xf32, #tpu.memory_space<vmem>>, vector<1x1x16xf32>,
      %swap3A_1673 = vector.shape_cast %swap3A_1672 : vector<1x1x16xf32> to vector<16xf32>
      %swap3A_1674 = vector.shape_cast %get3A_1577 : vector<16xf32> to vector<1x1x16xf32>
      tpu.vector_store %arg8[%swap3A_1669, %swap3A_1670, %swap3A_1671], %swap3A_1674 {add = true, strides = array<i32>} : memref<8x200x32xf32, #tpu.memory_space<vmem>>, vector<1x1x16xf32>,
      %swap3A_1675 = arith.constant 7 : i32
      %swap3A_1676 = arith.index_cast %swap3A_1675 : i32 to index
      %swap3A_1677 = arith.index_cast %scan3A_1570 : i32 to index
      %swap3A_1678 = arith.constant 0 : index
      %swap3A_1679 = tpu.vector_load %arg8[%swap3A_1676, %swap3A_1677, %swap3A_1678] {strides = array<i32>} : memref<8x200x32xf32, #tpu.memory_space<vmem>>, vector<1x1x16xf32>,
      %swap3A_1680 = vector.shape_cast %swap3A_1679 : vector<1x1x16xf32> to vector<16xf32>
      %swap3A_1681 = vector.shape_cast %get3A_1573 : vector<16xf32> to vector<1x1x16xf32>
      tpu.vector_store %arg8[%swap3A_1676, %swap3A_1677, %swap3A_1678], %swap3A_1681 {add = true, strides = array<i32>} : memref<8x200x32xf32, #tpu.memory_space<vmem>>, vector<1x1x16xf32>,
      %swap3A_1682 = arith.constant 7 : i32
      %swap3A_1683 = arith.index_cast %swap3A_1682 : i32 to index
      %swap3A_1684 = arith.index_cast %scan3A_1570 : i32 to index
      %swap3A_1685 = arith.constant 16 : index
      %swap3A_1686 = tpu.vector_load %arg8[%swap3A_1683, %swap3A_1684, %swap3A_1685] {strides = array<i32>} : memref<8x200x32xf32, #tpu.memory_space<vmem>>, vector<1x1x16xf32>,
      %swap3A_1687 = vector.shape_cast %swap3A_1686 : vector<1x1x16xf32> to vector<16xf32>
      %swap3A_1688 = vector.shape_cast %get3A_1577 : vector<16xf32> to vector<1x1x16xf32>
      tpu.vector_store %arg8[%swap3A_1683, %swap3A_1684, %swap3A_1685], %swap3A_1688 {add = true, strides = array<i32>} : memref<8x200x32xf32, #tpu.memory_space<vmem>>, vector<1x1x16xf32>,
    }
    %scan3A_386 = arith.constant 200 : i32
    %mul3A_387 = arith.constant 32 : i32
    %mul3A_388 = arith.muli %add3A, %mul3A_387 : i32
    %add3A_389 = arith.constant 0 : i32
    %add3A_390 = arith.addi %mul3A_388, %add3A_389 : i32
    "tpu.region"() ({
      %run_scoped3A = tpu.sem_alloc : memref<!tpu.dma_semaphore, #tpu.memory_space<semaphore_mem>>
      %dma_start3A_1570 = arith.constant 0 : i32
      %dma_start3A_1571 = arith.constant 0 : i32
      %dma_start3A_1572 = tpu.memref_slice %arg5[%add3A_390, %dma_start3A_1570, %dma_start3A_1571] : memref<1024x200x32xf32, #tpu.memory_space<hbm>> -> memref<8x200x32xf32, #tpu.memory_space<hbm>>
      %dma_start3A_1573 = arith.constant 0 : i32
      %dma_start3A_1574 = arith.constant 0 : i32
      %dma_start3A_1575 = tpu.memref_slice %arg5[%add3A_390, %dma_start3A_1573, %dma_start3A_1574] : memref<1024x200x32xf32, #tpu.memory_space<hbm>> -> memref<8x200x32xf32, #tpu.memory_space<hbm>>
      tpu.enqueue_dma source(%arg8 : memref<8x200x32xf32, #tpu.memory_space<vmem>>) target(%dma_start3A_1575 : memref<8x200x32xf32, #tpu.memory_space<hbm>>) target_semaphore(%run_scoped3A : memref<!tpu.dma_semaphore, #tpu.memory_space<semaphore_mem>>)
      %dma_wait3A_1576 = arith.constant 0 : i32
      %dma_wait3A_1577 = arith.constant 0 : i32
      %dma_wait3A_1578 = tpu.memref_slice %arg5[%add3A_390, %dma_wait3A_1576, %dma_wait3A_1577] : memref<1024x200x32xf32, #tpu.memory_space<hbm>> -> memref<8x200x32xf32, #tpu.memory_space<hbm>>
      %dma_wait3A_1579 = arith.constant 0 : i32
      %dma_wait3A_1580 = arith.constant 0 : i32
      %dma_wait3A_1581 = tpu.memref_slice %arg5[%add3A_390, %dma_wait3A_1579, %dma_wait3A_1580] : memref<1024x200x32xf32, #tpu.memory_space<hbm>> -> memref<8x200x32xf32, #tpu.memory_space<hbm>>
      tpu.wait_dma2 semaphore(%run_scoped3A : memref<!tpu.dma_semaphore, #tpu.memory_space<semaphore_mem>>) src(%arg8 : memref<8x200x32xf32, #tpu.memory_space<vmem>>) dst(%dma_wait3A_1581 : memref<8x200x32xf32, #tpu.memory_space<hbm>>)
      tpu.yield
    }) : () -> ()
    %dma_start3A_391 = arith.constant 16 : i32
    %dma_start3A_392 = arith.constant 0 : i32
    %dma_start3A_393 = arith.constant 0 : i32
    %dma_start3A_394 = arith.constant 0 : i32
    %dma_start3A_395 = tpu.memref_slice %arg8[%dma_start3A_392, %dma_start3A_393, %dma_start3A_394] : memref<8x200x32xf32, #tpu.memory_space<vmem>> -> memref<1x100x32xf32, #tpu.memory_space<vmem>>
    %dma_start3A_396 = tpu.memref_squeeze %dma_start3A_395 : memref<1x100x32xf32, #tpu.memory_space<vmem>> -> memref<100x32xf32, #tpu.memory_space<vmem>>
    %dma_start3A_397 = arith.constant 0 : i32
    %dma_start3A_398 = tpu.memref_slice %arg6[%dma_start3A_391, %dma_start3A_397] : memref<64x100xi32, #tpu.memory_space<vmem>> -> memref<1x100xi32, #tpu.memory_space<vmem>>
    %dma_start3A_399 = tpu.memref_squeeze %dma_start3A_398 : memref<1x100xi32, #tpu.memory_space<vmem>> -> memref<100xi32, #tpu.memory_space<vmem>>
    %dma_start3A_400 = arith.constant 0 : i32
    %dma_start3A_401 = arith.constant 0 : i32
    %dma_start3A_402 = tpu.memref_slice %arg3[%dma_start3A_400, %dma_start3A_401] : memref<1000000x32xf32, #tpu.memory_space<hbm>> -> memref<1000000x32xf32, #tpu.memory_space<hbm>>
    tpu.enqueue_indirect_dma source(%dma_start3A_402 : memref<1000000x32xf32, #tpu.memory_space<hbm>>) target(%dma_start3A_396 : memref<100x32xf32, #tpu.memory_space<vmem>>) offsets(%dma_start3A_399 : memref<100xi32, #tpu.memory_space<vmem>>) semaphore(%arg9 : memref<!tpu.dma_semaphore, #tpu.memory_space<semaphore_mem>>)
    %dma_start3A_403 = arith.constant 17 : i32
    %dma_start3A_404 = arith.constant 0 : i32
    %dma_start3A_405 = arith.constant 100 : i32
    %dma_start3A_406 = arith.constant 0 : i32
    %dma_start3A_407 = tpu.memref_slice %arg8[%dma_start3A_404, %dma_start3A_405, %dma_start3A_406] : memref<8x200x32xf32, #tpu.memory_space<vmem>> -> memref<1x100x32xf32, #tpu.memory_space<vmem>>
    %dma_start3A_408 = tpu.memref_squeeze %dma_start3A_407 : memref<1x100x32xf32, #tpu.memory_space<vmem>> -> memref<100x32xf32, #tpu.memory_space<vmem>>
    %dma_start3A_409 = arith.constant 0 : i32
    %dma_start3A_410 = tpu.memref_slice %arg6[%dma_start3A_403, %dma_start3A_409] : memref<64x100xi32, #tpu.memory_space<vmem>> -> memref<1x100xi32, #tpu.memory_space<vmem>>
    %dma_start3A_411 = tpu.memref_squeeze %dma_start3A_410 : memref<1x100xi32, #tpu.memory_space<vmem>> -> memref<100xi32, #tpu.memory_space<vmem>>
    %dma_start3A_412 = arith.constant 0 : i32
    %dma_start3A_413 = arith.constant 0 : i32
    %dma_start3A_414 = tpu.memref_slice %arg3[%dma_start3A_412, %dma_start3A_413] : memref<1000000x32xf32, #tpu.memory_space<hbm>> -> memref<1000000x32xf32, #tpu.memory_space<hbm>>
    tpu.enqueue_indirect_dma source(%dma_start3A_414 : memref<1000000x32xf32, #tpu.memory_space<hbm>>) target(%dma_start3A_408 : memref<100x32xf32, #tpu.memory_space<vmem>>) offsets(%dma_start3A_411 : memref<100xi32, #tpu.memory_space<vmem>>) semaphore(%arg9 : memref<!tpu.dma_semaphore, #tpu.memory_space<semaphore_mem>>)
    %dma_start3A_415 = arith.constant 18 : i32
    %dma_start3A_416 = arith.constant 1 : i32
    %dma_start3A_417 = arith.constant 0 : i32
    %dma_start3A_418 = arith.constant 0 : i32
    %dma_start3A_419 = tpu.memref_slice %arg8[%dma_start3A_416, %dma_start3A_417, %dma_start3A_418] : memref<8x200x32xf32, #tpu.memory_space<vmem>> -> memref<1x100x32xf32, #tpu.memory_space<vmem>>
    %dma_start3A_420 = tpu.memref_squeeze %dma_start3A_419 : memref<1x100x32xf32, #tpu.memory_space<vmem>> -> memref<100x32xf32, #tpu.memory_space<vmem>>
    %dma_start3A_421 = arith.constant 0 : i32
    %dma_start3A_422 = tpu.memref_slice %arg6[%dma_start3A_415, %dma_start3A_421] : memref<64x100xi32, #tpu.memory_space<vmem>> -> memref<1x100xi32, #tpu.memory_space<vmem>>
    %dma_start3A_423 = tpu.memref_squeeze %dma_start3A_422 : memref<1x100xi32, #tpu.memory_space<vmem>> -> memref<100xi32, #tpu.memory_space<vmem>>
    %dma_start3A_424 = arith.constant 0 : i32
    %dma_start3A_425 = arith.constant 0 : i32
    %dma_start3A_426 = tpu.memref_slice %arg3[%dma_start3A_424, %dma_start3A_425] : memref<1000000x32xf32, #tpu.memory_space<hbm>> -> memref<1000000x32xf32, #tpu.memory_space<hbm>>
    tpu.enqueue_indirect_dma source(%dma_start3A_426 : memref<1000000x32xf32, #tpu.memory_space<hbm>>) target(%dma_start3A_420 : memref<100x32xf32, #tpu.memory_space<vmem>>) offsets(%dma_start3A_423 : memref<100xi32, #tpu.memory_space<vmem>>) semaphore(%arg9 : memref<!tpu.dma_semaphore, #tpu.memory_space<semaphore_mem>>)
    %dma_start3A_427 = arith.constant 19 : i32
    %dma_start3A_428 = arith.constant 1 : i32
    %dma_start3A_429 = arith.constant 100 : i32
    %dma_start3A_430 = arith.constant 0 : i32
    %dma_start3A_431 = tpu.memref_slice %arg8[%dma_start3A_428, %dma_start3A_429, %dma_start3A_430] : memref<8x200x32xf32, #tpu.memory_space<vmem>> -> memref<1x100x32xf32, #tpu.memory_space<vmem>>
    %dma_start3A_432 = tpu.memref_squeeze %dma_start3A_431 : memref<1x100x32xf32, #tpu.memory_space<vmem>> -> memref<100x32xf32, #tpu.memory_space<vmem>>
    %dma_start3A_433 = arith.constant 0 : i32
    %dma_start3A_434 = tpu.memref_slice %arg6[%dma_start3A_427, %dma_start3A_433] : memref<64x100xi32, #tpu.memory_space<vmem>> -> memref<1x100xi32, #tpu.memory_space<vmem>>
    %dma_start3A_435 = tpu.memref_squeeze %dma_start3A_434 : memref<1x100xi32, #tpu.memory_space<vmem>> -> memref<100xi32, #tpu.memory_space<vmem>>
    %dma_start3A_436 = arith.constant 0 : i32
    %dma_start3A_437 = arith.constant 0 : i32
    %dma_start3A_438 = tpu.memref_slice %arg3[%dma_start3A_436, %dma_start3A_437] : memref<1000000x32xf32, #tpu.memory_space<hbm>> -> memref<1000000x32xf32, #tpu.memory_space<hbm>>
    tpu.enqueue_indirect_dma source(%dma_start3A_438 : memref<1000000x32xf32, #tpu.memory_space<hbm>>) target(%dma_start3A_432 : memref<100x32xf32, #tpu.memory_space<vmem>>) offsets(%dma_start3A_435 : memref<100xi32, #tpu.memory_space<vmem>>) semaphore(%arg9 : memref<!tpu.dma_semaphore, #tpu.memory_space<semaphore_mem>>)
    %dma_start3A_439 = arith.constant 20 : i32
    %dma_start3A_440 = arith.constant 2 : i32
    %dma_start3A_441 = arith.constant 0 : i32
    %dma_start3A_442 = arith.constant 0 : i32
    %dma_start3A_443 = tpu.memref_slice %arg8[%dma_start3A_440, %dma_start3A_441, %dma_start3A_442] : memref<8x200x32xf32, #tpu.memory_space<vmem>> -> memref<1x100x32xf32, #tpu.memory_space<vmem>>
    %dma_start3A_444 = tpu.memref_squeeze %dma_start3A_443 : memref<1x100x32xf32, #tpu.memory_space<vmem>> -> memref<100x32xf32, #tpu.memory_space<vmem>>
    %dma_start3A_445 = arith.constant 0 : i32
    %dma_start3A_446 = tpu.memref_slice %arg6[%dma_start3A_439, %dma_start3A_445] : memref<64x100xi32, #tpu.memory_space<vmem>> -> memref<1x100xi32, #tpu.memory_space<vmem>>
    %dma_start3A_447 = tpu.memref_squeeze %dma_start3A_446 : memref<1x100xi32, #tpu.memory_space<vmem>> -> memref<100xi32, #tpu.memory_space<vmem>>
    %dma_start3A_448 = arith.constant 0 : i32
    %dma_start3A_449 = arith.constant 0 : i32
    %dma_start3A_450 = tpu.memref_slice %arg3[%dma_start3A_448, %dma_start3A_449] : memref<1000000x32xf32, #tpu.memory_space<hbm>> -> memref<1000000x32xf32, #tpu.memory_space<hbm>>
    tpu.enqueue_indirect_dma source(%dma_start3A_450 : memref<1000000x32xf32, #tpu.memory_space<hbm>>) target(%dma_start3A_444 : memref<100x32xf32, #tpu.memory_space<vmem>>) offsets(%dma_start3A_447 : memref<100xi32, #tpu.memory_space<vmem>>) semaphore(%arg9 : memref<!tpu.dma_semaphore, #tpu.memory_space<semaphore_mem>>)
    %dma_start3A_451 = arith.constant 21 : i32
    %dma_start3A_452 = arith.constant 2 : i32
    %dma_start3A_453 = arith.constant 100 : i32
    %dma_start3A_454 = arith.constant 0 : i32
    %dma_start3A_455 = tpu.memref_slice %arg8[%dma_start3A_452, %dma_start3A_453, %dma_start3A_454] : memref<8x200x32xf32, #tpu.memory_space<vmem>> -> memref<1x100x32xf32, #tpu.memory_space<vmem>>
    %dma_start3A_456 = tpu.memref_squeeze %dma_start3A_455 : memref<1x100x32xf32, #tpu.memory_space<vmem>> -> memref<100x32xf32, #tpu.memory_space<vmem>>
    %dma_start3A_457 = arith.constant 0 : i32
    %dma_start3A_458 = tpu.memref_slice %arg6[%dma_start3A_451, %dma_start3A_457] : memref<64x100xi32, #tpu.memory_space<vmem>> -> memref<1x100xi32, #tpu.memory_space<vmem>>
    %dma_start3A_459 = tpu.memref_squeeze %dma_start3A_458 : memref<1x100xi32, #tpu.memory_space<vmem>> -> memref<100xi32, #tpu.memory_space<vmem>>
    %dma_start3A_460 = arith.constant 0 : i32
    %dma_start3A_461 = arith.constant 0 : i32
    %dma_start3A_462 = tpu.memref_slice %arg3[%dma_start3A_460, %dma_start3A_461] : memref<1000000x32xf32, #tpu.memory_space<hbm>> -> memref<1000000x32xf32, #tpu.memory_space<hbm>>
    tpu.enqueue_indirect_dma source(%dma_start3A_462 : memref<1000000x32xf32, #tpu.memory_space<hbm>>) target(%dma_start3A_456 : memref<100x32xf32, #tpu.memory_space<vmem>>) offsets(%dma_start3A_459 : memref<100xi32, #tpu.memory_space<vmem>>) semaphore(%arg9 : memref<!tpu.dma_semaphore, #tpu.memory_space<semaphore_mem>>)
    %dma_start3A_463 = arith.constant 22 : i32
    %dma_start3A_464 = arith.constant 3 : i32
    %dma_start3A_465 = arith.constant 0 : i32
    %dma_start3A_466 = arith.constant 0 : i32
    %dma_start3A_467 = tpu.memref_slice %arg8[%dma_start3A_464, %dma_start3A_465, %dma_start3A_466] : memref<8x200x32xf32, #tpu.memory_space<vmem>> -> memref<1x100x32xf32, #tpu.memory_space<vmem>>
    %dma_start3A_468 = tpu.memref_squeeze %dma_start3A_467 : memref<1x100x32xf32, #tpu.memory_space<vmem>> -> memref<100x32xf32, #tpu.memory_space<vmem>>
    %dma_start3A_469 = arith.constant 0 : i32
    %dma_start3A_470 = tpu.memref_slice %arg6[%dma_start3A_463, %dma_start3A_469] : memref<64x100xi32, #tpu.memory_space<vmem>> -> memref<1x100xi32, #tpu.memory_space<vmem>>
    %dma_start3A_471 = tpu.memref_squeeze %dma_start3A_470 : memref<1x100xi32, #tpu.memory_space<vmem>> -> memref<100xi32, #tpu.memory_space<vmem>>
    %dma_start3A_472 = arith.constant 0 : i32
    %dma_start3A_473 = arith.constant 0 : i32
    %dma_start3A_474 = tpu.memref_slice %arg3[%dma_start3A_472, %dma_start3A_473] : memref<1000000x32xf32, #tpu.memory_space<hbm>> -> memref<1000000x32xf32, #tpu.memory_space<hbm>>
    tpu.enqueue_indirect_dma source(%dma_start3A_474 : memref<1000000x32xf32, #tpu.memory_space<hbm>>) target(%dma_start3A_468 : memref<100x32xf32, #tpu.memory_space<vmem>>) offsets(%dma_start3A_471 : memref<100xi32, #tpu.memory_space<vmem>>) semaphore(%arg9 : memref<!tpu.dma_semaphore, #tpu.memory_space<semaphore_mem>>)
    %dma_start3A_475 = arith.constant 23 : i32
    %dma_start3A_476 = arith.constant 3 : i32
    %dma_start3A_477 = arith.constant 100 : i32
    %dma_start3A_478 = arith.constant 0 : i32
    %dma_start3A_479 = tpu.memref_slice %arg8[%dma_start3A_476, %dma_start3A_477, %dma_start3A_478] : memref<8x200x32xf32, #tpu.memory_space<vmem>> -> memref<1x100x32xf32, #tpu.memory_space<vmem>>
    %dma_start3A_480 = tpu.memref_squeeze %dma_start3A_479 : memref<1x100x32xf32, #tpu.memory_space<vmem>> -> memref<100x32xf32, #tpu.memory_space<vmem>>
    %dma_start3A_481 = arith.constant 0 : i32
    %dma_start3A_482 = tpu.memref_slice %arg6[%dma_start3A_475, %dma_start3A_481] : memref<64x100xi32, #tpu.memory_space<vmem>> -> memref<1x100xi32, #tpu.memory_space<vmem>>
    %dma_start3A_483 = tpu.memref_squeeze %dma_start3A_482 : memref<1x100xi32, #tpu.memory_space<vmem>> -> memref<100xi32, #tpu.memory_space<vmem>>
    %dma_start3A_484 = arith.constant 0 : i32
    %dma_start3A_485 = arith.constant 0 : i32
    %dma_start3A_486 = tpu.memref_slice %arg3[%dma_start3A_484, %dma_start3A_485] : memref<1000000x32xf32, #tpu.memory_space<hbm>> -> memref<1000000x32xf32, #tpu.memory_space<hbm>>
    tpu.enqueue_indirect_dma source(%dma_start3A_486 : memref<1000000x32xf32, #tpu.memory_space<hbm>>) target(%dma_start3A_480 : memref<100x32xf32, #tpu.memory_space<vmem>>) offsets(%dma_start3A_483 : memref<100xi32, #tpu.memory_space<vmem>>) semaphore(%arg9 : memref<!tpu.dma_semaphore, #tpu.memory_space<semaphore_mem>>)
    %dma_start3A_487 = arith.constant 24 : i32
    %dma_start3A_488 = arith.constant 4 : i32
    %dma_start3A_489 = arith.constant 0 : i32
    %dma_start3A_490 = arith.constant 0 : i32
    %dma_start3A_491 = tpu.memref_slice %arg8[%dma_start3A_488, %dma_start3A_489, %dma_start3A_490] : memref<8x200x32xf32, #tpu.memory_space<vmem>> -> memref<1x100x32xf32, #tpu.memory_space<vmem>>
    %dma_start3A_492 = tpu.memref_squeeze %dma_start3A_491 : memref<1x100x32xf32, #tpu.memory_space<vmem>> -> memref<100x32xf32, #tpu.memory_space<vmem>>
    %dma_start3A_493 = arith.constant 0 : i32
    %dma_start3A_494 = tpu.memref_slice %arg6[%dma_start3A_487, %dma_start3A_493] : memref<64x100xi32, #tpu.memory_space<vmem>> -> memref<1x100xi32, #tpu.memory_space<vmem>>
    %dma_start3A_495 = tpu.memref_squeeze %dma_start3A_494 : memref<1x100xi32, #tpu.memory_space<vmem>> -> memref<100xi32, #tpu.memory_space<vmem>>
    %dma_start3A_496 = arith.constant 0 : i32
    %dma_start3A_497 = arith.constant 0 : i32
    %dma_start3A_498 = tpu.memref_slice %arg3[%dma_start3A_496, %dma_start3A_497] : memref<1000000x32xf32, #tpu.memory_space<hbm>> -> memref<1000000x32xf32, #tpu.memory_space<hbm>>
    tpu.enqueue_indirect_dma source(%dma_start3A_498 : memref<1000000x32xf32, #tpu.memory_space<hbm>>) target(%dma_start3A_492 : memref<100x32xf32, #tpu.memory_space<vmem>>) offsets(%dma_start3A_495 : memref<100xi32, #tpu.memory_space<vmem>>) semaphore(%arg9 : memref<!tpu.dma_semaphore, #tpu.memory_space<semaphore_mem>>)
    %dma_start3A_499 = arith.constant 25 : i32
    %dma_start3A_500 = arith.constant 4 : i32
    %dma_start3A_501 = arith.constant 100 : i32
    %dma_start3A_502 = arith.constant 0 : i32
    %dma_start3A_503 = tpu.memref_slice %arg8[%dma_start3A_500, %dma_start3A_501, %dma_start3A_502] : memref<8x200x32xf32, #tpu.memory_space<vmem>> -> memref<1x100x32xf32, #tpu.memory_space<vmem>>
    %dma_start3A_504 = tpu.memref_squeeze %dma_start3A_503 : memref<1x100x32xf32, #tpu.memory_space<vmem>> -> memref<100x32xf32, #tpu.memory_space<vmem>>
    %dma_start3A_505 = arith.constant 0 : i32
    %dma_start3A_506 = tpu.memref_slice %arg6[%dma_start3A_499, %dma_start3A_505] : memref<64x100xi32, #tpu.memory_space<vmem>> -> memref<1x100xi32, #tpu.memory_space<vmem>>
    %dma_start3A_507 = tpu.memref_squeeze %dma_start3A_506 : memref<1x100xi32, #tpu.memory_space<vmem>> -> memref<100xi32, #tpu.memory_space<vmem>>
    %dma_start3A_508 = arith.constant 0 : i32
    %dma_start3A_509 = arith.constant 0 : i32
    %dma_start3A_510 = tpu.memref_slice %arg3[%dma_start3A_508, %dma_start3A_509] : memref<1000000x32xf32, #tpu.memory_space<hbm>> -> memref<1000000x32xf32, #tpu.memory_space<hbm>>
    tpu.enqueue_indirect_dma source(%dma_start3A_510 : memref<1000000x32xf32, #tpu.memory_space<hbm>>) target(%dma_start3A_504 : memref<100x32xf32, #tpu.memory_space<vmem>>) offsets(%dma_start3A_507 : memref<100xi32, #tpu.memory_space<vmem>>) semaphore(%arg9 : memref<!tpu.dma_semaphore, #tpu.memory_space<semaphore_mem>>)
    %dma_start3A_511 = arith.constant 26 : i32
    %dma_start3A_512 = arith.constant 5 : i32
    %dma_start3A_513 = arith.constant 0 : i32
    %dma_start3A_514 = arith.constant 0 : i32
    %dma_start3A_515 = tpu.memref_slice %arg8[%dma_start3A_512, %dma_start3A_513, %dma_start3A_514] : memref<8x200x32xf32, #tpu.memory_space<vmem>> -> memref<1x100x32xf32, #tpu.memory_space<vmem>>
    %dma_start3A_516 = tpu.memref_squeeze %dma_start3A_515 : memref<1x100x32xf32, #tpu.memory_space<vmem>> -> memref<100x32xf32, #tpu.memory_space<vmem>>
    %dma_start3A_517 = arith.constant 0 : i32
    %dma_start3A_518 = tpu.memref_slice %arg6[%dma_start3A_511, %dma_start3A_517] : memref<64x100xi32, #tpu.memory_space<vmem>> -> memref<1x100xi32, #tpu.memory_space<vmem>>
    %dma_start3A_519 = tpu.memref_squeeze %dma_start3A_518 : memref<1x100xi32, #tpu.memory_space<vmem>> -> memref<100xi32, #tpu.memory_space<vmem>>
    %dma_start3A_520 = arith.constant 0 : i32
    %dma_start3A_521 = arith.constant 0 : i32
    %dma_start3A_522 = tpu.memref_slice %arg3[%dma_start3A_520, %dma_start3A_521] : memref<1000000x32xf32, #tpu.memory_space<hbm>> -> memref<1000000x32xf32, #tpu.memory_space<hbm>>
    tpu.enqueue_indirect_dma source(%dma_start3A_522 : memref<1000000x32xf32, #tpu.memory_space<hbm>>) target(%dma_start3A_516 : memref<100x32xf32, #tpu.memory_space<vmem>>) offsets(%dma_start3A_519 : memref<100xi32, #tpu.memory_space<vmem>>) semaphore(%arg9 : memref<!tpu.dma_semaphore, #tpu.memory_space<semaphore_mem>>)
    %dma_start3A_523 = arith.constant 27 : i32
    %dma_start3A_524 = arith.constant 5 : i32
    %dma_start3A_525 = arith.constant 100 : i32
    %dma_start3A_526 = arith.constant 0 : i32
    %dma_start3A_527 = tpu.memref_slice %arg8[%dma_start3A_524, %dma_start3A_525, %dma_start3A_526] : memref<8x200x32xf32, #tpu.memory_space<vmem>> -> memref<1x100x32xf32, #tpu.memory_space<vmem>>
    %dma_start3A_528 = tpu.memref_squeeze %dma_start3A_527 : memref<1x100x32xf32, #tpu.memory_space<vmem>> -> memref<100x32xf32, #tpu.memory_space<vmem>>
    %dma_start3A_529 = arith.constant 0 : i32
    %dma_start3A_530 = tpu.memref_slice %arg6[%dma_start3A_523, %dma_start3A_529] : memref<64x100xi32, #tpu.memory_space<vmem>> -> memref<1x100xi32, #tpu.memory_space<vmem>>
    %dma_start3A_531 = tpu.memref_squeeze %dma_start3A_530 : memref<1x100xi32, #tpu.memory_space<vmem>> -> memref<100xi32, #tpu.memory_space<vmem>>
    %dma_start3A_532 = arith.constant 0 : i32
    %dma_start3A_533 = arith.constant 0 : i32
    %dma_start3A_534 = tpu.memref_slice %arg3[%dma_start3A_532, %dma_start3A_533] : memref<1000000x32xf32, #tpu.memory_space<hbm>> -> memref<1000000x32xf32, #tpu.memory_space<hbm>>
    tpu.enqueue_indirect_dma source(%dma_start3A_534 : memref<1000000x32xf32, #tpu.memory_space<hbm>>) target(%dma_start3A_528 : memref<100x32xf32, #tpu.memory_space<vmem>>) offsets(%dma_start3A_531 : memref<100xi32, #tpu.memory_space<vmem>>) semaphore(%arg9 : memref<!tpu.dma_semaphore, #tpu.memory_space<semaphore_mem>>)
    %dma_start3A_535 = arith.constant 28 : i32
    %dma_start3A_536 = arith.constant 6 : i32
    %dma_start3A_537 = arith.constant 0 : i32
    %dma_start3A_538 = arith.constant 0 : i32
    %dma_start3A_539 = tpu.memref_slice %arg8[%dma_start3A_536, %dma_start3A_537, %dma_start3A_538] : memref<8x200x32xf32, #tpu.memory_space<vmem>> -> memref<1x100x32xf32, #tpu.memory_space<vmem>>
    %dma_start3A_540 = tpu.memref_squeeze %dma_start3A_539 : memref<1x100x32xf32, #tpu.memory_space<vmem>> -> memref<100x32xf32, #tpu.memory_space<vmem>>
    %dma_start3A_541 = arith.constant 0 : i32
    %dma_start3A_542 = tpu.memref_slice %arg6[%dma_start3A_535, %dma_start3A_541] : memref<64x100xi32, #tpu.memory_space<vmem>> -> memref<1x100xi32, #tpu.memory_space<vmem>>
    %dma_start3A_543 = tpu.memref_squeeze %dma_start3A_542 : memref<1x100xi32, #tpu.memory_space<vmem>> -> memref<100xi32, #tpu.memory_space<vmem>>
    %dma_start3A_544 = arith.constant 0 : i32
    %dma_start3A_545 = arith.constant 0 : i32
    %dma_start3A_546 = tpu.memref_slice %arg3[%dma_start3A_544, %dma_start3A_545] : memref<1000000x32xf32, #tpu.memory_space<hbm>> -> memref<1000000x32xf32, #tpu.memory_space<hbm>>
    tpu.enqueue_indirect_dma source(%dma_start3A_546 : memref<1000000x32xf32, #tpu.memory_space<hbm>>) target(%dma_start3A_540 : memref<100x32xf32, #tpu.memory_space<vmem>>) offsets(%dma_start3A_543 : memref<100xi32, #tpu.memory_space<vmem>>) semaphore(%arg9 : memref<!tpu.dma_semaphore, #tpu.memory_space<semaphore_mem>>)
    %dma_start3A_547 = arith.constant 29 : i32
    %dma_start3A_548 = arith.constant 6 : i32
    %dma_start3A_549 = arith.constant 100 : i32
    %dma_start3A_550 = arith.constant 0 : i32
    %dma_start3A_551 = tpu.memref_slice %arg8[%dma_start3A_548, %dma_start3A_549, %dma_start3A_550] : memref<8x200x32xf32, #tpu.memory_space<vmem>> -> memref<1x100x32xf32, #tpu.memory_space<vmem>>
    %dma_start3A_552 = tpu.memref_squeeze %dma_start3A_551 : memref<1x100x32xf32, #tpu.memory_space<vmem>> -> memref<100x32xf32, #tpu.memory_space<vmem>>
    %dma_start3A_553 = arith.constant 0 : i32
    %dma_start3A_554 = tpu.memref_slice %arg6[%dma_start3A_547, %dma_start3A_553] : memref<64x100xi32, #tpu.memory_space<vmem>> -> memref<1x100xi32, #tpu.memory_space<vmem>>
    %dma_start3A_555 = tpu.memref_squeeze %dma_start3A_554 : memref<1x100xi32, #tpu.memory_space<vmem>> -> memref<100xi32, #tpu.memory_space<vmem>>
    %dma_start3A_556 = arith.constant 0 : i32
    %dma_start3A_557 = arith.constant 0 : i32
    %dma_start3A_558 = tpu.memref_slice %arg3[%dma_start3A_556, %dma_start3A_557] : memref<1000000x32xf32, #tpu.memory_space<hbm>> -> memref<1000000x32xf32, #tpu.memory_space<hbm>>
    tpu.enqueue_indirect_dma source(%dma_start3A_558 : memref<1000000x32xf32, #tpu.memory_space<hbm>>) target(%dma_start3A_552 : memref<100x32xf32, #tpu.memory_space<vmem>>) offsets(%dma_start3A_555 : memref<100xi32, #tpu.memory_space<vmem>>) semaphore(%arg9 : memref<!tpu.dma_semaphore, #tpu.memory_space<semaphore_mem>>)
    %dma_start3A_559 = arith.constant 30 : i32
    %dma_start3A_560 = arith.constant 7 : i32
    %dma_start3A_561 = arith.constant 0 : i32
    %dma_start3A_562 = arith.constant 0 : i32
    %dma_start3A_563 = tpu.memref_slice %arg8[%dma_start3A_560, %dma_start3A_561, %dma_start3A_562] : memref<8x200x32xf32, #tpu.memory_space<vmem>> -> memref<1x100x32xf32, #tpu.memory_space<vmem>>
    %dma_start3A_564 = tpu.memref_squeeze %dma_start3A_563 : memref<1x100x32xf32, #tpu.memory_space<vmem>> -> memref<100x32xf32, #tpu.memory_space<vmem>>
    %dma_start3A_565 = arith.constant 0 : i32
    %dma_start3A_566 = tpu.memref_slice %arg6[%dma_start3A_559, %dma_start3A_565] : memref<64x100xi32, #tpu.memory_space<vmem>> -> memref<1x100xi32, #tpu.memory_space<vmem>>
    %dma_start3A_567 = tpu.memref_squeeze %dma_start3A_566 : memref<1x100xi32, #tpu.memory_space<vmem>> -> memref<100xi32, #tpu.memory_space<vmem>>
    %dma_start3A_568 = arith.constant 0 : i32
    %dma_start3A_569 = arith.constant 0 : i32
    %dma_start3A_570 = tpu.memref_slice %arg3[%dma_start3A_568, %dma_start3A_569] : memref<1000000x32xf32, #tpu.memory_space<hbm>> -> memref<1000000x32xf32, #tpu.memory_space<hbm>>
    tpu.enqueue_indirect_dma source(%dma_start3A_570 : memref<1000000x32xf32, #tpu.memory_space<hbm>>) target(%dma_start3A_564 : memref<100x32xf32, #tpu.memory_space<vmem>>) offsets(%dma_start3A_567 : memref<100xi32, #tpu.memory_space<vmem>>) semaphore(%arg9 : memref<!tpu.dma_semaphore, #tpu.memory_space<semaphore_mem>>)
    %dma_start3A_571 = arith.constant 31 : i32
    %dma_start3A_572 = arith.constant 7 : i32
    %dma_start3A_573 = arith.constant 100 : i32
    %dma_start3A_574 = arith.constant 0 : i32
    %dma_start3A_575 = tpu.memref_slice %arg8[%dma_start3A_572, %dma_start3A_573, %dma_start3A_574] : memref<8x200x32xf32, #tpu.memory_space<vmem>> -> memref<1x100x32xf32, #tpu.memory_space<vmem>>
    %dma_start3A_576 = tpu.memref_squeeze %dma_start3A_575 : memref<1x100x32xf32, #tpu.memory_space<vmem>> -> memref<100x32xf32, #tpu.memory_space<vmem>>
    %dma_start3A_577 = arith.constant 0 : i32
    %dma_start3A_578 = tpu.memref_slice %arg6[%dma_start3A_571, %dma_start3A_577] : memref<64x100xi32, #tpu.memory_space<vmem>> -> memref<1x100xi32, #tpu.memory_space<vmem>>
    %dma_start3A_579 = tpu.memref_squeeze %dma_start3A_578 : memref<1x100xi32, #tpu.memory_space<vmem>> -> memref<100xi32, #tpu.memory_space<vmem>>
    %dma_start3A_580 = arith.constant 0 : i32
    %dma_start3A_581 = arith.constant 0 : i32
    %dma_start3A_582 = tpu.memref_slice %arg3[%dma_start3A_580, %dma_start3A_581] : memref<1000000x32xf32, #tpu.memory_space<hbm>> -> memref<1000000x32xf32, #tpu.memory_space<hbm>>
    tpu.enqueue_indirect_dma source(%dma_start3A_582 : memref<1000000x32xf32, #tpu.memory_space<hbm>>) target(%dma_start3A_576 : memref<100x32xf32, #tpu.memory_space<vmem>>) offsets(%dma_start3A_579 : memref<100xi32, #tpu.memory_space<vmem>>) semaphore(%arg9 : memref<!tpu.dma_semaphore, #tpu.memory_space<semaphore_mem>>)
    %dma_wait3A_583 = arith.constant 16 : i32
    %dma_wait3A_584 = arith.constant 0 : i32
    %dma_wait3A_585 = arith.constant 0 : i32
    %dma_wait3A_586 = arith.constant 0 : i32
    %dma_wait3A_587 = tpu.memref_slice %arg8[%dma_wait3A_584, %dma_wait3A_585, %dma_wait3A_586] : memref<8x200x32xf32, #tpu.memory_space<vmem>> -> memref<1x100x32xf32, #tpu.memory_space<vmem>>
    %dma_wait3A_588 = tpu.memref_squeeze %dma_wait3A_587 : memref<1x100x32xf32, #tpu.memory_space<vmem>> -> memref<100x32xf32, #tpu.memory_space<vmem>>
    %dma_wait3A_589 = arith.constant 0 : i32
    %dma_wait3A_590 = tpu.memref_slice %arg6[%dma_wait3A_583, %dma_wait3A_589] : memref<64x100xi32, #tpu.memory_space<vmem>> -> memref<1x100xi32, #tpu.memory_space<vmem>>
    %dma_wait3A_591 = tpu.memref_squeeze %dma_wait3A_590 : memref<1x100xi32, #tpu.memory_space<vmem>> -> memref<100xi32, #tpu.memory_space<vmem>>
    %dma_wait3A_592 = arith.constant 0 : i32
    %dma_wait3A_593 = arith.constant 0 : i32
    %dma_wait3A_594 = tpu.memref_slice %arg3[%dma_wait3A_592, %dma_wait3A_593] : memref<1000000x32xf32, #tpu.memory_space<hbm>> -> memref<1000000x32xf32, #tpu.memory_space<hbm>>
    tpu.wait_indirect_dma semaphore(%arg9 : memref<!tpu.dma_semaphore, #tpu.memory_space<semaphore_mem>>) src(%dma_wait3A_594 : memref<1000000x32xf32, #tpu.memory_space<hbm>>) dst(%dma_wait3A_588 : memref<100x32xf32, #tpu.memory_space<vmem>>)
    %dma_wait3A_595 = arith.constant 17 : i32
    %dma_wait3A_596 = arith.constant 0 : i32
    %dma_wait3A_597 = arith.constant 100 : i32
    %dma_wait3A_598 = arith.constant 0 : i32
    %dma_wait3A_599 = tpu.memref_slice %arg8[%dma_wait3A_596, %dma_wait3A_597, %dma_wait3A_598] : memref<8x200x32xf32, #tpu.memory_space<vmem>> -> memref<1x100x32xf32, #tpu.memory_space<vmem>>
    %dma_wait3A_600 = tpu.memref_squeeze %dma_wait3A_599 : memref<1x100x32xf32, #tpu.memory_space<vmem>> -> memref<100x32xf32, #tpu.memory_space<vmem>>
    %dma_wait3A_601 = arith.constant 0 : i32
    %dma_wait3A_602 = tpu.memref_slice %arg6[%dma_wait3A_595, %dma_wait3A_601] : memref<64x100xi32, #tpu.memory_space<vmem>> -> memref<1x100xi32, #tpu.memory_space<vmem>>
    %dma_wait3A_603 = tpu.memref_squeeze %dma_wait3A_602 : memref<1x100xi32, #tpu.memory_space<vmem>> -> memref<100xi32, #tpu.memory_space<vmem>>
    %dma_wait3A_604 = arith.constant 0 : i32
    %dma_wait3A_605 = arith.constant 0 : i32
    %dma_wait3A_606 = tpu.memref_slice %arg3[%dma_wait3A_604, %dma_wait3A_605] : memref<1000000x32xf32, #tpu.memory_space<hbm>> -> memref<1000000x32xf32, #tpu.memory_space<hbm>>
    tpu.wait_indirect_dma semaphore(%arg9 : memref<!tpu.dma_semaphore, #tpu.memory_space<semaphore_mem>>) src(%dma_wait3A_606 : memref<1000000x32xf32, #tpu.memory_space<hbm>>) dst(%dma_wait3A_600 : memref<100x32xf32, #tpu.memory_space<vmem>>)
    %dma_wait3A_607 = arith.constant 18 : i32
    %dma_wait3A_608 = arith.constant 1 : i32
    %dma_wait3A_609 = arith.constant 0 : i32
    %dma_wait3A_610 = arith.constant 0 : i32
    %dma_wait3A_611 = tpu.memref_slice %arg8[%dma_wait3A_608, %dma_wait3A_609, %dma_wait3A_610] : memref<8x200x32xf32, #tpu.memory_space<vmem>> -> memref<1x100x32xf32, #tpu.memory_space<vmem>>
    %dma_wait3A_612 = tpu.memref_squeeze %dma_wait3A_611 : memref<1x100x32xf32, #tpu.memory_space<vmem>> -> memref<100x32xf32, #tpu.memory_space<vmem>>
    %dma_wait3A_613 = arith.constant 0 : i32
    %dma_wait3A_614 = tpu.memref_slice %arg6[%dma_wait3A_607, %dma_wait3A_613] : memref<64x100xi32, #tpu.memory_space<vmem>> -> memref<1x100xi32, #tpu.memory_space<vmem>>
    %dma_wait3A_615 = tpu.memref_squeeze %dma_wait3A_614 : memref<1x100xi32, #tpu.memory_space<vmem>> -> memref<100xi32, #tpu.memory_space<vmem>>
    %dma_wait3A_616 = arith.constant 0 : i32
    %dma_wait3A_617 = arith.constant 0 : i32
    %dma_wait3A_618 = tpu.memref_slice %arg3[%dma_wait3A_616, %dma_wait3A_617] : memref<1000000x32xf32, #tpu.memory_space<hbm>> -> memref<1000000x32xf32, #tpu.memory_space<hbm>>
    tpu.wait_indirect_dma semaphore(%arg9 : memref<!tpu.dma_semaphore, #tpu.memory_space<semaphore_mem>>) src(%dma_wait3A_618 : memref<1000000x32xf32, #tpu.memory_space<hbm>>) dst(%dma_wait3A_612 : memref<100x32xf32, #tpu.memory_space<vmem>>)
    %dma_wait3A_619 = arith.constant 19 : i32
    %dma_wait3A_620 = arith.constant 1 : i32
    %dma_wait3A_621 = arith.constant 100 : i32
    %dma_wait3A_622 = arith.constant 0 : i32
    %dma_wait3A_623 = tpu.memref_slice %arg8[%dma_wait3A_620, %dma_wait3A_621, %dma_wait3A_622] : memref<8x200x32xf32, #tpu.memory_space<vmem>> -> memref<1x100x32xf32, #tpu.memory_space<vmem>>
    %dma_wait3A_624 = tpu.memref_squeeze %dma_wait3A_623 : memref<1x100x32xf32, #tpu.memory_space<vmem>> -> memref<100x32xf32, #tpu.memory_space<vmem>>
    %dma_wait3A_625 = arith.constant 0 : i32
    %dma_wait3A_626 = tpu.memref_slice %arg6[%dma_wait3A_619, %dma_wait3A_625] : memref<64x100xi32, #tpu.memory_space<vmem>> -> memref<1x100xi32, #tpu.memory_space<vmem>>
    %dma_wait3A_627 = tpu.memref_squeeze %dma_wait3A_626 : memref<1x100xi32, #tpu.memory_space<vmem>> -> memref<100xi32, #tpu.memory_space<vmem>>
    %dma_wait3A_628 = arith.constant 0 : i32
    %dma_wait3A_629 = arith.constant 0 : i32
    %dma_wait3A_630 = tpu.memref_slice %arg3[%dma_wait3A_628, %dma_wait3A_629] : memref<1000000x32xf32, #tpu.memory_space<hbm>> -> memref<1000000x32xf32, #tpu.memory_space<hbm>>
    tpu.wait_indirect_dma semaphore(%arg9 : memref<!tpu.dma_semaphore, #tpu.memory_space<semaphore_mem>>) src(%dma_wait3A_630 : memref<1000000x32xf32, #tpu.memory_space<hbm>>) dst(%dma_wait3A_624 : memref<100x32xf32, #tpu.memory_space<vmem>>)
    %dma_wait3A_631 = arith.constant 20 : i32
    %dma_wait3A_632 = arith.constant 2 : i32
    %dma_wait3A_633 = arith.constant 0 : i32
    %dma_wait3A_634 = arith.constant 0 : i32
    %dma_wait3A_635 = tpu.memref_slice %arg8[%dma_wait3A_632, %dma_wait3A_633, %dma_wait3A_634] : memref<8x200x32xf32, #tpu.memory_space<vmem>> -> memref<1x100x32xf32, #tpu.memory_space<vmem>>
    %dma_wait3A_636 = tpu.memref_squeeze %dma_wait3A_635 : memref<1x100x32xf32, #tpu.memory_space<vmem>> -> memref<100x32xf32, #tpu.memory_space<vmem>>
    %dma_wait3A_637 = arith.constant 0 : i32
    %dma_wait3A_638 = tpu.memref_slice %arg6[%dma_wait3A_631, %dma_wait3A_637] : memref<64x100xi32, #tpu.memory_space<vmem>> -> memref<1x100xi32, #tpu.memory_space<vmem>>
    %dma_wait3A_639 = tpu.memref_squeeze %dma_wait3A_638 : memref<1x100xi32, #tpu.memory_space<vmem>> -> memref<100xi32, #tpu.memory_space<vmem>>
    %dma_wait3A_640 = arith.constant 0 : i32
    %dma_wait3A_641 = arith.constant 0 : i32
    %dma_wait3A_642 = tpu.memref_slice %arg3[%dma_wait3A_640, %dma_wait3A_641] : memref<1000000x32xf32, #tpu.memory_space<hbm>> -> memref<1000000x32xf32, #tpu.memory_space<hbm>>
    tpu.wait_indirect_dma semaphore(%arg9 : memref<!tpu.dma_semaphore, #tpu.memory_space<semaphore_mem>>) src(%dma_wait3A_642 : memref<1000000x32xf32, #tpu.memory_space<hbm>>) dst(%dma_wait3A_636 : memref<100x32xf32, #tpu.memory_space<vmem>>)
    %dma_wait3A_643 = arith.constant 21 : i32
    %dma_wait3A_644 = arith.constant 2 : i32
    %dma_wait3A_645 = arith.constant 100 : i32
    %dma_wait3A_646 = arith.constant 0 : i32
    %dma_wait3A_647 = tpu.memref_slice %arg8[%dma_wait3A_644, %dma_wait3A_645, %dma_wait3A_646] : memref<8x200x32xf32, #tpu.memory_space<vmem>> -> memref<1x100x32xf32, #tpu.memory_space<vmem>>
    %dma_wait3A_648 = tpu.memref_squeeze %dma_wait3A_647 : memref<1x100x32xf32, #tpu.memory_space<vmem>> -> memref<100x32xf32, #tpu.memory_space<vmem>>
    %dma_wait3A_649 = arith.constant 0 : i32
    %dma_wait3A_650 = tpu.memref_slice %arg6[%dma_wait3A_643, %dma_wait3A_649] : memref<64x100xi32, #tpu.memory_space<vmem>> -> memref<1x100xi32, #tpu.memory_space<vmem>>
    %dma_wait3A_651 = tpu.memref_squeeze %dma_wait3A_650 : memref<1x100xi32, #tpu.memory_space<vmem>> -> memref<100xi32, #tpu.memory_space<vmem>>
    %dma_wait3A_652 = arith.constant 0 : i32
    %dma_wait3A_653 = arith.constant 0 : i32
    %dma_wait3A_654 = tpu.memref_slice %arg3[%dma_wait3A_652, %dma_wait3A_653] : memref<1000000x32xf32, #tpu.memory_space<hbm>> -> memref<1000000x32xf32, #tpu.memory_space<hbm>>
    tpu.wait_indirect_dma semaphore(%arg9 : memref<!tpu.dma_semaphore, #tpu.memory_space<semaphore_mem>>) src(%dma_wait3A_654 : memref<1000000x32xf32, #tpu.memory_space<hbm>>) dst(%dma_wait3A_648 : memref<100x32xf32, #tpu.memory_space<vmem>>)
    %dma_wait3A_655 = arith.constant 22 : i32
    %dma_wait3A_656 = arith.constant 3 : i32
    %dma_wait3A_657 = arith.constant 0 : i32
    %dma_wait3A_658 = arith.constant 0 : i32
    %dma_wait3A_659 = tpu.memref_slice %arg8[%dma_wait3A_656, %dma_wait3A_657, %dma_wait3A_658] : memref<8x200x32xf32, #tpu.memory_space<vmem>> -> memref<1x100x32xf32, #tpu.memory_space<vmem>>
    %dma_wait3A_660 = tpu.memref_squeeze %dma_wait3A_659 : memref<1x100x32xf32, #tpu.memory_space<vmem>> -> memref<100x32xf32, #tpu.memory_space<vmem>>
    %dma_wait3A_661 = arith.constant 0 : i32
    %dma_wait3A_662 = tpu.memref_slice %arg6[%dma_wait3A_655, %dma_wait3A_661] : memref<64x100xi32, #tpu.memory_space<vmem>> -> memref<1x100xi32, #tpu.memory_space<vmem>>
    %dma_wait3A_663 = tpu.memref_squeeze %dma_wait3A_662 : memref<1x100xi32, #tpu.memory_space<vmem>> -> memref<100xi32, #tpu.memory_space<vmem>>
    %dma_wait3A_664 = arith.constant 0 : i32
    %dma_wait3A_665 = arith.constant 0 : i32
    %dma_wait3A_666 = tpu.memref_slice %arg3[%dma_wait3A_664, %dma_wait3A_665] : memref<1000000x32xf32, #tpu.memory_space<hbm>> -> memref<1000000x32xf32, #tpu.memory_space<hbm>>
    tpu.wait_indirect_dma semaphore(%arg9 : memref<!tpu.dma_semaphore, #tpu.memory_space<semaphore_mem>>) src(%dma_wait3A_666 : memref<1000000x32xf32, #tpu.memory_space<hbm>>) dst(%dma_wait3A_660 : memref<100x32xf32, #tpu.memory_space<vmem>>)
    %dma_wait3A_667 = arith.constant 23 : i32
    %dma_wait3A_668 = arith.constant 3 : i32
    %dma_wait3A_669 = arith.constant 100 : i32
    %dma_wait3A_670 = arith.constant 0 : i32
    %dma_wait3A_671 = tpu.memref_slice %arg8[%dma_wait3A_668, %dma_wait3A_669, %dma_wait3A_670] : memref<8x200x32xf32, #tpu.memory_space<vmem>> -> memref<1x100x32xf32, #tpu.memory_space<vmem>>
    %dma_wait3A_672 = tpu.memref_squeeze %dma_wait3A_671 : memref<1x100x32xf32, #tpu.memory_space<vmem>> -> memref<100x32xf32, #tpu.memory_space<vmem>>
    %dma_wait3A_673 = arith.constant 0 : i32
    %dma_wait3A_674 = tpu.memref_slice %arg6[%dma_wait3A_667, %dma_wait3A_673] : memref<64x100xi32, #tpu.memory_space<vmem>> -> memref<1x100xi32, #tpu.memory_space<vmem>>
    %dma_wait3A_675 = tpu.memref_squeeze %dma_wait3A_674 : memref<1x100xi32, #tpu.memory_space<vmem>> -> memref<100xi32, #tpu.memory_space<vmem>>
    %dma_wait3A_676 = arith.constant 0 : i32
    %dma_wait3A_677 = arith.constant 0 : i32
    %dma_wait3A_678 = tpu.memref_slice %arg3[%dma_wait3A_676, %dma_wait3A_677] : memref<1000000x32xf32, #tpu.memory_space<hbm>> -> memref<1000000x32xf32, #tpu.memory_space<hbm>>
    tpu.wait_indirect_dma semaphore(%arg9 : memref<!tpu.dma_semaphore, #tpu.memory_space<semaphore_mem>>) src(%dma_wait3A_678 : memref<1000000x32xf32, #tpu.memory_space<hbm>>) dst(%dma_wait3A_672 : memref<100x32xf32, #tpu.memory_space<vmem>>)
    %dma_wait3A_679 = arith.constant 24 : i32
    %dma_wait3A_680 = arith.constant 4 : i32
    %dma_wait3A_681 = arith.constant 0 : i32
    %dma_wait3A_682 = arith.constant 0 : i32
    %dma_wait3A_683 = tpu.memref_slice %arg8[%dma_wait3A_680, %dma_wait3A_681, %dma_wait3A_682] : memref<8x200x32xf32, #tpu.memory_space<vmem>> -> memref<1x100x32xf32, #tpu.memory_space<vmem>>
    %dma_wait3A_684 = tpu.memref_squeeze %dma_wait3A_683 : memref<1x100x32xf32, #tpu.memory_space<vmem>> -> memref<100x32xf32, #tpu.memory_space<vmem>>
    %dma_wait3A_685 = arith.constant 0 : i32
    %dma_wait3A_686 = tpu.memref_slice %arg6[%dma_wait3A_679, %dma_wait3A_685] : memref<64x100xi32, #tpu.memory_space<vmem>> -> memref<1x100xi32, #tpu.memory_space<vmem>>
    %dma_wait3A_687 = tpu.memref_squeeze %dma_wait3A_686 : memref<1x100xi32, #tpu.memory_space<vmem>> -> memref<100xi32, #tpu.memory_space<vmem>>
    %dma_wait3A_688 = arith.constant 0 : i32
    %dma_wait3A_689 = arith.constant 0 : i32
    %dma_wait3A_690 = tpu.memref_slice %arg3[%dma_wait3A_688, %dma_wait3A_689] : memref<1000000x32xf32, #tpu.memory_space<hbm>> -> memref<1000000x32xf32, #tpu.memory_space<hbm>>
    tpu.wait_indirect_dma semaphore(%arg9 : memref<!tpu.dma_semaphore, #tpu.memory_space<semaphore_mem>>) src(%dma_wait3A_690 : memref<1000000x32xf32, #tpu.memory_space<hbm>>) dst(%dma_wait3A_684 : memref<100x32xf32, #tpu.memory_space<vmem>>)
    %dma_wait3A_691 = arith.constant 25 : i32
    %dma_wait3A_692 = arith.constant 4 : i32
    %dma_wait3A_693 = arith.constant 100 : i32
    %dma_wait3A_694 = arith.constant 0 : i32
    %dma_wait3A_695 = tpu.memref_slice %arg8[%dma_wait3A_692, %dma_wait3A_693, %dma_wait3A_694] : memref<8x200x32xf32, #tpu.memory_space<vmem>> -> memref<1x100x32xf32, #tpu.memory_space<vmem>>
    %dma_wait3A_696 = tpu.memref_squeeze %dma_wait3A_695 : memref<1x100x32xf32, #tpu.memory_space<vmem>> -> memref<100x32xf32, #tpu.memory_space<vmem>>
    %dma_wait3A_697 = arith.constant 0 : i32
    %dma_wait3A_698 = tpu.memref_slice %arg6[%dma_wait3A_691, %dma_wait3A_697] : memref<64x100xi32, #tpu.memory_space<vmem>> -> memref<1x100xi32, #tpu.memory_space<vmem>>
    %dma_wait3A_699 = tpu.memref_squeeze %dma_wait3A_698 : memref<1x100xi32, #tpu.memory_space<vmem>> -> memref<100xi32, #tpu.memory_space<vmem>>
    %dma_wait3A_700 = arith.constant 0 : i32
    %dma_wait3A_701 = arith.constant 0 : i32
    %dma_wait3A_702 = tpu.memref_slice %arg3[%dma_wait3A_700, %dma_wait3A_701] : memref<1000000x32xf32, #tpu.memory_space<hbm>> -> memref<1000000x32xf32, #tpu.memory_space<hbm>>
    tpu.wait_indirect_dma semaphore(%arg9 : memref<!tpu.dma_semaphore, #tpu.memory_space<semaphore_mem>>) src(%dma_wait3A_702 : memref<1000000x32xf32, #tpu.memory_space<hbm>>) dst(%dma_wait3A_696 : memref<100x32xf32, #tpu.memory_space<vmem>>)
    %dma_wait3A_703 = arith.constant 26 : i32
    %dma_wait3A_704 = arith.constant 5 : i32
    %dma_wait3A_705 = arith.constant 0 : i32
    %dma_wait3A_706 = arith.constant 0 : i32
    %dma_wait3A_707 = tpu.memref_slice %arg8[%dma_wait3A_704, %dma_wait3A_705, %dma_wait3A_706] : memref<8x200x32xf32, #tpu.memory_space<vmem>> -> memref<1x100x32xf32, #tpu.memory_space<vmem>>
    %dma_wait3A_708 = tpu.memref_squeeze %dma_wait3A_707 : memref<1x100x32xf32, #tpu.memory_space<vmem>> -> memref<100x32xf32, #tpu.memory_space<vmem>>
    %dma_wait3A_709 = arith.constant 0 : i32
    %dma_wait3A_710 = tpu.memref_slice %arg6[%dma_wait3A_703, %dma_wait3A_709] : memref<64x100xi32, #tpu.memory_space<vmem>> -> memref<1x100xi32, #tpu.memory_space<vmem>>
    %dma_wait3A_711 = tpu.memref_squeeze %dma_wait3A_710 : memref<1x100xi32, #tpu.memory_space<vmem>> -> memref<100xi32, #tpu.memory_space<vmem>>
    %dma_wait3A_712 = arith.constant 0 : i32
    %dma_wait3A_713 = arith.constant 0 : i32
    %dma_wait3A_714 = tpu.memref_slice %arg3[%dma_wait3A_712, %dma_wait3A_713] : memref<1000000x32xf32, #tpu.memory_space<hbm>> -> memref<1000000x32xf32, #tpu.memory_space<hbm>>
    tpu.wait_indirect_dma semaphore(%arg9 : memref<!tpu.dma_semaphore, #tpu.memory_space<semaphore_mem>>) src(%dma_wait3A_714 : memref<1000000x32xf32, #tpu.memory_space<hbm>>) dst(%dma_wait3A_708 : memref<100x32xf32, #tpu.memory_space<vmem>>)
    %dma_wait3A_715 = arith.constant 27 : i32
    %dma_wait3A_716 = arith.constant 5 : i32
    %dma_wait3A_717 = arith.constant 100 : i32
    %dma_wait3A_718 = arith.constant 0 : i32
    %dma_wait3A_719 = tpu.memref_slice %arg8[%dma_wait3A_716, %dma_wait3A_717, %dma_wait3A_718] : memref<8x200x32xf32, #tpu.memory_space<vmem>> -> memref<1x100x32xf32, #tpu.memory_space<vmem>>
    %dma_wait3A_720 = tpu.memref_squeeze %dma_wait3A_719 : memref<1x100x32xf32, #tpu.memory_space<vmem>> -> memref<100x32xf32, #tpu.memory_space<vmem>>
    %dma_wait3A_721 = arith.constant 0 : i32
    %dma_wait3A_722 = tpu.memref_slice %arg6[%dma_wait3A_715, %dma_wait3A_721] : memref<64x100xi32, #tpu.memory_space<vmem>> -> memref<1x100xi32, #tpu.memory_space<vmem>>
    %dma_wait3A_723 = tpu.memref_squeeze %dma_wait3A_722 : memref<1x100xi32, #tpu.memory_space<vmem>> -> memref<100xi32, #tpu.memory_space<vmem>>
    %dma_wait3A_724 = arith.constant 0 : i32
    %dma_wait3A_725 = arith.constant 0 : i32
    %dma_wait3A_726 = tpu.memref_slice %arg3[%dma_wait3A_724, %dma_wait3A_725] : memref<1000000x32xf32, #tpu.memory_space<hbm>> -> memref<1000000x32xf32, #tpu.memory_space<hbm>>
    tpu.wait_indirect_dma semaphore(%arg9 : memref<!tpu.dma_semaphore, #tpu.memory_space<semaphore_mem>>) src(%dma_wait3A_726 : memref<1000000x32xf32, #tpu.memory_space<hbm>>) dst(%dma_wait3A_720 : memref<100x32xf32, #tpu.memory_space<vmem>>)
    %dma_wait3A_727 = arith.constant 28 : i32
    %dma_wait3A_728 = arith.constant 6 : i32
    %dma_wait3A_729 = arith.constant 0 : i32
    %dma_wait3A_730 = arith.constant 0 : i32
    %dma_wait3A_731 = tpu.memref_slice %arg8[%dma_wait3A_728, %dma_wait3A_729, %dma_wait3A_730] : memref<8x200x32xf32, #tpu.memory_space<vmem>> -> memref<1x100x32xf32, #tpu.memory_space<vmem>>
    %dma_wait3A_732 = tpu.memref_squeeze %dma_wait3A_731 : memref<1x100x32xf32, #tpu.memory_space<vmem>> -> memref<100x32xf32, #tpu.memory_space<vmem>>
    %dma_wait3A_733 = arith.constant 0 : i32
    %dma_wait3A_734 = tpu.memref_slice %arg6[%dma_wait3A_727, %dma_wait3A_733] : memref<64x100xi32, #tpu.memory_space<vmem>> -> memref<1x100xi32, #tpu.memory_space<vmem>>
    %dma_wait3A_735 = tpu.memref_squeeze %dma_wait3A_734 : memref<1x100xi32, #tpu.memory_space<vmem>> -> memref<100xi32, #tpu.memory_space<vmem>>
    %dma_wait3A_736 = arith.constant 0 : i32
    %dma_wait3A_737 = arith.constant 0 : i32
    %dma_wait3A_738 = tpu.memref_slice %arg3[%dma_wait3A_736, %dma_wait3A_737] : memref<1000000x32xf32, #tpu.memory_space<hbm>> -> memref<1000000x32xf32, #tpu.memory_space<hbm>>
    tpu.wait_indirect_dma semaphore(%arg9 : memref<!tpu.dma_semaphore, #tpu.memory_space<semaphore_mem>>) src(%dma_wait3A_738 : memref<1000000x32xf32, #tpu.memory_space<hbm>>) dst(%dma_wait3A_732 : memref<100x32xf32, #tpu.memory_space<vmem>>)
    %dma_wait3A_739 = arith.constant 29 : i32
    %dma_wait3A_740 = arith.constant 6 : i32
    %dma_wait3A_741 = arith.constant 100 : i32
    %dma_wait3A_742 = arith.constant 0 : i32
    %dma_wait3A_743 = tpu.memref_slice %arg8[%dma_wait3A_740, %dma_wait3A_741, %dma_wait3A_742] : memref<8x200x32xf32, #tpu.memory_space<vmem>> -> memref<1x100x32xf32, #tpu.memory_space<vmem>>
    %dma_wait3A_744 = tpu.memref_squeeze %dma_wait3A_743 : memref<1x100x32xf32, #tpu.memory_space<vmem>> -> memref<100x32xf32, #tpu.memory_space<vmem>>
    %dma_wait3A_745 = arith.constant 0 : i32
    %dma_wait3A_746 = tpu.memref_slice %arg6[%dma_wait3A_739, %dma_wait3A_745] : memref<64x100xi32, #tpu.memory_space<vmem>> -> memref<1x100xi32, #tpu.memory_space<vmem>>
    %dma_wait3A_747 = tpu.memref_squeeze %dma_wait3A_746 : memref<1x100xi32, #tpu.memory_space<vmem>> -> memref<100xi32, #tpu.memory_space<vmem>>
    %dma_wait3A_748 = arith.constant 0 : i32
    %dma_wait3A_749 = arith.constant 0 : i32
    %dma_wait3A_750 = tpu.memref_slice %arg3[%dma_wait3A_748, %dma_wait3A_749] : memref<1000000x32xf32, #tpu.memory_space<hbm>> -> memref<1000000x32xf32, #tpu.memory_space<hbm>>
    tpu.wait_indirect_dma semaphore(%arg9 : memref<!tpu.dma_semaphore, #tpu.memory_space<semaphore_mem>>) src(%dma_wait3A_750 : memref<1000000x32xf32, #tpu.memory_space<hbm>>) dst(%dma_wait3A_744 : memref<100x32xf32, #tpu.memory_space<vmem>>)
    %dma_wait3A_751 = arith.constant 30 : i32
    %dma_wait3A_752 = arith.constant 7 : i32
    %dma_wait3A_753 = arith.constant 0 : i32
    %dma_wait3A_754 = arith.constant 0 : i32
    %dma_wait3A_755 = tpu.memref_slice %arg8[%dma_wait3A_752, %dma_wait3A_753, %dma_wait3A_754] : memref<8x200x32xf32, #tpu.memory_space<vmem>> -> memref<1x100x32xf32, #tpu.memory_space<vmem>>
    %dma_wait3A_756 = tpu.memref_squeeze %dma_wait3A_755 : memref<1x100x32xf32, #tpu.memory_space<vmem>> -> memref<100x32xf32, #tpu.memory_space<vmem>>
    %dma_wait3A_757 = arith.constant 0 : i32
    %dma_wait3A_758 = tpu.memref_slice %arg6[%dma_wait3A_751, %dma_wait3A_757] : memref<64x100xi32, #tpu.memory_space<vmem>> -> memref<1x100xi32, #tpu.memory_space<vmem>>
    %dma_wait3A_759 = tpu.memref_squeeze %dma_wait3A_758 : memref<1x100xi32, #tpu.memory_space<vmem>> -> memref<100xi32, #tpu.memory_space<vmem>>
    %dma_wait3A_760 = arith.constant 0 : i32
    %dma_wait3A_761 = arith.constant 0 : i32
    %dma_wait3A_762 = tpu.memref_slice %arg3[%dma_wait3A_760, %dma_wait3A_761] : memref<1000000x32xf32, #tpu.memory_space<hbm>> -> memref<1000000x32xf32, #tpu.memory_space<hbm>>
    tpu.wait_indirect_dma semaphore(%arg9 : memref<!tpu.dma_semaphore, #tpu.memory_space<semaphore_mem>>) src(%dma_wait3A_762 : memref<1000000x32xf32, #tpu.memory_space<hbm>>) dst(%dma_wait3A_756 : memref<100x32xf32, #tpu.memory_space<vmem>>)
    %dma_wait3A_763 = arith.constant 31 : i32
    %dma_wait3A_764 = arith.constant 7 : i32
    %dma_wait3A_765 = arith.constant 100 : i32
    %dma_wait3A_766 = arith.constant 0 : i32
    %dma_wait3A_767 = tpu.memref_slice %arg8[%dma_wait3A_764, %dma_wait3A_765, %dma_wait3A_766] : memref<8x200x32xf32, #tpu.memory_space<vmem>> -> memref<1x100x32xf32, #tpu.memory_space<vmem>>
    %dma_wait3A_768 = tpu.memref_squeeze %dma_wait3A_767 : memref<1x100x32xf32, #tpu.memory_space<vmem>> -> memref<100x32xf32, #tpu.memory_space<vmem>>
    %dma_wait3A_769 = arith.constant 0 : i32
    %dma_wait3A_770 = tpu.memref_slice %arg6[%dma_wait3A_763, %dma_wait3A_769] : memref<64x100xi32, #tpu.memory_space<vmem>> -> memref<1x100xi32, #tpu.memory_space<vmem>>
    %dma_wait3A_771 = tpu.memref_squeeze %dma_wait3A_770 : memref<1x100xi32, #tpu.memory_space<vmem>> -> memref<100xi32, #tpu.memory_space<vmem>>
    %dma_wait3A_772 = arith.constant 0 : i32
    %dma_wait3A_773 = arith.constant 0 : i32
    %dma_wait3A_774 = tpu.memref_slice %arg3[%dma_wait3A_772, %dma_wait3A_773] : memref<1000000x32xf32, #tpu.memory_space<hbm>> -> memref<1000000x32xf32, #tpu.memory_space<hbm>>
    tpu.wait_indirect_dma semaphore(%arg9 : memref<!tpu.dma_semaphore, #tpu.memory_space<semaphore_mem>>) src(%dma_wait3A_774 : memref<1000000x32xf32, #tpu.memory_space<hbm>>) dst(%dma_wait3A_768 : memref<100x32xf32, #tpu.memory_space<vmem>>)
    %scan3A_775 = arith.constant 0 : i32
    %scan3A_776 = arith.constant 200 : i32
    %scan3A_777 = arith.addi %scan3A_775, %scan3A_776 : i32
    %scan3A_778 = arith.constant 1 : i32
    scf.for %scan3A_1570 = %scan3A_775 to %scan3A_777 step %scan3A_778  : i32 {
      %get3A = arith.index_cast %scan3A_1570 : i32 to index
      %get3A_1571 = arith.constant 0 : index
      %get3A_1572 = tpu.vector_load %arg7[%get3A, %get3A_1571] {strides = array<i32>} : memref<200x32xf32, #tpu.memory_space<vmem>>, vector<1x16xf32>,
      %get3A_1573 = vector.shape_cast %get3A_1572 : vector<1x16xf32> to vector<16xf32>
      %get3A_1574 = arith.index_cast %scan3A_1570 : i32 to index
      %get3A_1575 = arith.constant 16 : index
      %get3A_1576 = tpu.vector_load %arg7[%get3A_1574, %get3A_1575] {strides = array<i32>} : memref<200x32xf32, #tpu.memory_space<vmem>>, vector<1x16xf32>,
      %get3A_1577 = vector.shape_cast %get3A_1576 : vector<1x16xf32> to vector<16xf32>
      %swap3A = arith.constant 0 : i32
      %swap3A_1578 = arith.index_cast %swap3A : i32 to index
      %swap3A_1579 = arith.index_cast %scan3A_1570 : i32 to index
      %swap3A_1580 = arith.constant 0 : index
      %swap3A_1581 = tpu.vector_load %arg8[%swap3A_1578, %swap3A_1579, %swap3A_1580] {strides = array<i32>} : memref<8x200x32xf32, #tpu.memory_space<vmem>>, vector<1x1x16xf32>,
      %swap3A_1582 = vector.shape_cast %swap3A_1581 : vector<1x1x16xf32> to vector<16xf32>
      %swap3A_1583 = vector.shape_cast %get3A_1573 : vector<16xf32> to vector<1x1x16xf32>
      tpu.vector_store %arg8[%swap3A_1578, %swap3A_1579, %swap3A_1580], %swap3A_1583 {add = true, strides = array<i32>} : memref<8x200x32xf32, #tpu.memory_space<vmem>>, vector<1x1x16xf32>,
      %swap3A_1584 = arith.constant 0 : i32
      %swap3A_1585 = arith.index_cast %swap3A_1584 : i32 to index
      %swap3A_1586 = arith.index_cast %scan3A_1570 : i32 to index
      %swap3A_1587 = arith.constant 16 : index
      %swap3A_1588 = tpu.vector_load %arg8[%swap3A_1585, %swap3A_1586, %swap3A_1587] {strides = array<i32>} : memref<8x200x32xf32, #tpu.memory_space<vmem>>, vector<1x1x16xf32>,
      %swap3A_1589 = vector.shape_cast %swap3A_1588 : vector<1x1x16xf32> to vector<16xf32>
      %swap3A_1590 = vector.shape_cast %get3A_1577 : vector<16xf32> to vector<1x1x16xf32>
      tpu.vector_store %arg8[%swap3A_1585, %swap3A_1586, %swap3A_1587], %swap3A_1590 {add = true, strides = array<i32>} : memref<8x200x32xf32, #tpu.memory_space<vmem>>, vector<1x1x16xf32>,
      %swap3A_1591 = arith.constant 1 : i32
      %swap3A_1592 = arith.index_cast %swap3A_1591 : i32 to index
      %swap3A_1593 = arith.index_cast %scan3A_1570 : i32 to index
      %swap3A_1594 = arith.constant 0 : index
      %swap3A_1595 = tpu.vector_load %arg8[%swap3A_1592, %swap3A_1593, %swap3A_1594] {strides = array<i32>} : memref<8x200x32xf32, #tpu.memory_space<vmem>>, vector<1x1x16xf32>,
      %swap3A_1596 = vector.shape_cast %swap3A_1595 : vector<1x1x16xf32> to vector<16xf32>
      %swap3A_1597 = vector.shape_cast %get3A_1573 : vector<16xf32> to vector<1x1x16xf32>
      tpu.vector_store %arg8[%swap3A_1592, %swap3A_1593, %swap3A_1594], %swap3A_1597 {add = true, strides = array<i32>} : memref<8x200x32xf32, #tpu.memory_space<vmem>>, vector<1x1x16xf32>,
      %swap3A_1598 = arith.constant 1 : i32
      %swap3A_1599 = arith.index_cast %swap3A_1598 : i32 to index
      %swap3A_1600 = arith.index_cast %scan3A_1570 : i32 to index
      %swap3A_1601 = arith.constant 16 : index
      %swap3A_1602 = tpu.vector_load %arg8[%swap3A_1599, %swap3A_1600, %swap3A_1601] {strides = array<i32>} : memref<8x200x32xf32, #tpu.memory_space<vmem>>, vector<1x1x16xf32>,
      %swap3A_1603 = vector.shape_cast %swap3A_1602 : vector<1x1x16xf32> to vector<16xf32>
      %swap3A_1604 = vector.shape_cast %get3A_1577 : vector<16xf32> to vector<1x1x16xf32>
      tpu.vector_store %arg8[%swap3A_1599, %swap3A_1600, %swap3A_1601], %swap3A_1604 {add = true, strides = array<i32>} : memref<8x200x32xf32, #tpu.memory_space<vmem>>, vector<1x1x16xf32>,
      %swap3A_1605 = arith.constant 2 : i32
      %swap3A_1606 = arith.index_cast %swap3A_1605 : i32 to index
      %swap3A_1607 = arith.index_cast %scan3A_1570 : i32 to index
      %swap3A_1608 = arith.constant 0 : index
      %swap3A_1609 = tpu.vector_load %arg8[%swap3A_1606, %swap3A_1607, %swap3A_1608] {strides = array<i32>} : memref<8x200x32xf32, #tpu.memory_space<vmem>>, vector<1x1x16xf32>,
      %swap3A_1610 = vector.shape_cast %swap3A_1609 : vector<1x1x16xf32> to vector<16xf32>
      %swap3A_1611 = vector.shape_cast %get3A_1573 : vector<16xf32> to vector<1x1x16xf32>
      tpu.vector_store %arg8[%swap3A_1606, %swap3A_1607, %swap3A_1608], %swap3A_1611 {add = true, strides = array<i32>} : memref<8x200x32xf32, #tpu.memory_space<vmem>>, vector<1x1x16xf32>,
      %swap3A_1612 = arith.constant 2 : i32
      %swap3A_1613 = arith.index_cast %swap3A_1612 : i32 to index
      %swap3A_1614 = arith.index_cast %scan3A_1570 : i32 to index
      %swap3A_1615 = arith.constant 16 : index
      %swap3A_1616 = tpu.vector_load %arg8[%swap3A_1613, %swap3A_1614, %swap3A_1615] {strides = array<i32>} : memref<8x200x32xf32, #tpu.memory_space<vmem>>, vector<1x1x16xf32>,
      %swap3A_1617 = vector.shape_cast %swap3A_1616 : vector<1x1x16xf32> to vector<16xf32>
      %swap3A_1618 = vector.shape_cast %get3A_1577 : vector<16xf32> to vector<1x1x16xf32>
      tpu.vector_store %arg8[%swap3A_1613, %swap3A_1614, %swap3A_1615], %swap3A_1618 {add = true, strides = array<i32>} : memref<8x200x32xf32, #tpu.memory_space<vmem>>, vector<1x1x16xf32>,
      %swap3A_1619 = arith.constant 3 : i32
      %swap3A_1620 = arith.index_cast %swap3A_1619 : i32 to index
      %swap3A_1621 = arith.index_cast %scan3A_1570 : i32 to index
      %swap3A_1622 = arith.constant 0 : index
      %swap3A_1623 = tpu.vector_load %arg8[%swap3A_1620, %swap3A_1621, %swap3A_1622] {strides = array<i32>} : memref<8x200x32xf32, #tpu.memory_space<vmem>>, vector<1x1x16xf32>,
      %swap3A_1624 = vector.shape_cast %swap3A_1623 : vector<1x1x16xf32> to vector<16xf32>
      %swap3A_1625 = vector.shape_cast %get3A_1573 : vector<16xf32> to vector<1x1x16xf32>
      tpu.vector_store %arg8[%swap3A_1620, %swap3A_1621, %swap3A_1622], %swap3A_1625 {add = true, strides = array<i32>} : memref<8x200x32xf32, #tpu.memory_space<vmem>>, vector<1x1x16xf32>,
      %swap3A_1626 = arith.constant 3 : i32
      %swap3A_1627 = arith.index_cast %swap3A_1626 : i32 to index
      %swap3A_1628 = arith.index_cast %scan3A_1570 : i32 to index
      %swap3A_1629 = arith.constant 16 : index
      %swap3A_1630 = tpu.vector_load %arg8[%swap3A_1627, %swap3A_1628, %swap3A_1629] {strides = array<i32>} : memref<8x200x32xf32, #tpu.memory_space<vmem>>, vector<1x1x16xf32>,
      %swap3A_1631 = vector.shape_cast %swap3A_1630 : vector<1x1x16xf32> to vector<16xf32>
      %swap3A_1632 = vector.shape_cast %get3A_1577 : vector<16xf32> to vector<1x1x16xf32>
      tpu.vector_store %arg8[%swap3A_1627, %swap3A_1628, %swap3A_1629], %swap3A_1632 {add = true, strides = array<i32>} : memref<8x200x32xf32, #tpu.memory_space<vmem>>, vector<1x1x16xf32>,
      %swap3A_1633 = arith.constant 4 : i32
      %swap3A_1634 = arith.index_cast %swap3A_1633 : i32 to index
      %swap3A_1635 = arith.index_cast %scan3A_1570 : i32 to index
      %swap3A_1636 = arith.constant 0 : index
      %swap3A_1637 = tpu.vector_load %arg8[%swap3A_1634, %swap3A_1635, %swap3A_1636] {strides = array<i32>} : memref<8x200x32xf32, #tpu.memory_space<vmem>>, vector<1x1x16xf32>,
      %swap3A_1638 = vector.shape_cast %swap3A_1637 : vector<1x1x16xf32> to vector<16xf32>
      %swap3A_1639 = vector.shape_cast %get3A_1573 : vector<16xf32> to vector<1x1x16xf32>
      tpu.vector_store %arg8[%swap3A_1634, %swap3A_1635, %swap3A_1636], %swap3A_1639 {add = true, strides = array<i32>} : memref<8x200x32xf32, #tpu.memory_space<vmem>>, vector<1x1x16xf32>,
      %swap3A_1640 = arith.constant 4 : i32
      %swap3A_1641 = arith.index_cast %swap3A_1640 : i32 to index
      %swap3A_1642 = arith.index_cast %scan3A_1570 : i32 to index
      %swap3A_1643 = arith.constant 16 : index
      %swap3A_1644 = tpu.vector_load %arg8[%swap3A_1641, %swap3A_1642, %swap3A_1643] {strides = array<i32>} : memref<8x200x32xf32, #tpu.memory_space<vmem>>, vector<1x1x16xf32>,
      %swap3A_1645 = vector.shape_cast %swap3A_1644 : vector<1x1x16xf32> to vector<16xf32>
      %swap3A_1646 = vector.shape_cast %get3A_1577 : vector<16xf32> to vector<1x1x16xf32>
      tpu.vector_store %arg8[%swap3A_1641, %swap3A_1642, %swap3A_1643], %swap3A_1646 {add = true, strides = array<i32>} : memref<8x200x32xf32, #tpu.memory_space<vmem>>, vector<1x1x16xf32>,
      %swap3A_1647 = arith.constant 5 : i32
      %swap3A_1648 = arith.index_cast %swap3A_1647 : i32 to index
      %swap3A_1649 = arith.index_cast %scan3A_1570 : i32 to index
      %swap3A_1650 = arith.constant 0 : index
      %swap3A_1651 = tpu.vector_load %arg8[%swap3A_1648, %swap3A_1649, %swap3A_1650] {strides = array<i32>} : memref<8x200x32xf32, #tpu.memory_space<vmem>>, vector<1x1x16xf32>,
      %swap3A_1652 = vector.shape_cast %swap3A_1651 : vector<1x1x16xf32> to vector<16xf32>
      %swap3A_1653 = vector.shape_cast %get3A_1573 : vector<16xf32> to vector<1x1x16xf32>
      tpu.vector_store %arg8[%swap3A_1648, %swap3A_1649, %swap3A_1650], %swap3A_1653 {add = true, strides = array<i32>} : memref<8x200x32xf32, #tpu.memory_space<vmem>>, vector<1x1x16xf32>,
      %swap3A_1654 = arith.constant 5 : i32
      %swap3A_1655 = arith.index_cast %swap3A_1654 : i32 to index
      %swap3A_1656 = arith.index_cast %scan3A_1570 : i32 to index
      %swap3A_1657 = arith.constant 16 : index
      %swap3A_1658 = tpu.vector_load %arg8[%swap3A_1655, %swap3A_1656, %swap3A_1657] {strides = array<i32>} : memref<8x200x32xf32, #tpu.memory_space<vmem>>, vector<1x1x16xf32>,
      %swap3A_1659 = vector.shape_cast %swap3A_1658 : vector<1x1x16xf32> to vector<16xf32>
      %swap3A_1660 = vector.shape_cast %get3A_1577 : vector<16xf32> to vector<1x1x16xf32>
      tpu.vector_store %arg8[%swap3A_1655, %swap3A_1656, %swap3A_1657], %swap3A_1660 {add = true, strides = array<i32>} : memref<8x200x32xf32, #tpu.memory_space<vmem>>, vector<1x1x16xf32>,
      %swap3A_1661 = arith.constant 6 : i32
      %swap3A_1662 = arith.index_cast %swap3A_1661 : i32 to index
      %swap3A_1663 = arith.index_cast %scan3A_1570 : i32 to index
      %swap3A_1664 = arith.constant 0 : index
      %swap3A_1665 = tpu.vector_load %arg8[%swap3A_1662, %swap3A_1663, %swap3A_1664] {strides = array<i32>} : memref<8x200x32xf32, #tpu.memory_space<vmem>>, vector<1x1x16xf32>,
      %swap3A_1666 = vector.shape_cast %swap3A_1665 : vector<1x1x16xf32> to vector<16xf32>
      %swap3A_1667 = vector.shape_cast %get3A_1573 : vector<16xf32> to vector<1x1x16xf32>
      tpu.vector_store %arg8[%swap3A_1662, %swap3A_1663, %swap3A_1664], %swap3A_1667 {add = true, strides = array<i32>} : memref<8x200x32xf32, #tpu.memory_space<vmem>>, vector<1x1x16xf32>,
      %swap3A_1668 = arith.constant 6 : i32
      %swap3A_1669 = arith.index_cast %swap3A_1668 : i32 to index
      %swap3A_1670 = arith.index_cast %scan3A_1570 : i32 to index
      %swap3A_1671 = arith.constant 16 : index
      %swap3A_1672 = tpu.vector_load %arg8[%swap3A_1669, %swap3A_1670, %swap3A_1671] {strides = array<i32>} : memref<8x200x32xf32, #tpu.memory_space<vmem>>, vector<1x1x16xf32>,
      %swap3A_1673 = vector.shape_cast %swap3A_1672 : vector<1x1x16xf32> to vector<16xf32>
      %swap3A_1674 = vector.shape_cast %get3A_1577 : vector<16xf32> to vector<1x1x16xf32>
      tpu.vector_store %arg8[%swap3A_1669, %swap3A_1670, %swap3A_1671], %swap3A_1674 {add = true, strides = array<i32>} : memref<8x200x32xf32, #tpu.memory_space<vmem>>, vector<1x1x16xf32>,
      %swap3A_1675 = arith.constant 7 : i32
      %swap3A_1676 = arith.index_cast %swap3A_1675 : i32 to index
      %swap3A_1677 = arith.index_cast %scan3A_1570 : i32 to index
      %swap3A_1678 = arith.constant 0 : index
      %swap3A_1679 = tpu.vector_load %arg8[%swap3A_1676, %swap3A_1677, %swap3A_1678] {strides = array<i32>} : memref<8x200x32xf32, #tpu.memory_space<vmem>>, vector<1x1x16xf32>,
      %swap3A_1680 = vector.shape_cast %swap3A_1679 : vector<1x1x16xf32> to vector<16xf32>
      %swap3A_1681 = vector.shape_cast %get3A_1573 : vector<16xf32> to vector<1x1x16xf32>
      tpu.vector_store %arg8[%swap3A_1676, %swap3A_1677, %swap3A_1678], %swap3A_1681 {add = true, strides = array<i32>} : memref<8x200x32xf32, #tpu.memory_space<vmem>>, vector<1x1x16xf32>,
      %swap3A_1682 = arith.constant 7 : i32
      %swap3A_1683 = arith.index_cast %swap3A_1682 : i32 to index
      %swap3A_1684 = arith.index_cast %scan3A_1570 : i32 to index
      %swap3A_1685 = arith.constant 16 : index
      %swap3A_1686 = tpu.vector_load %arg8[%swap3A_1683, %swap3A_1684, %swap3A_1685] {strides = array<i32>} : memref<8x200x32xf32, #tpu.memory_space<vmem>>, vector<1x1x16xf32>,
      %swap3A_1687 = vector.shape_cast %swap3A_1686 : vector<1x1x16xf32> to vector<16xf32>
      %swap3A_1688 = vector.shape_cast %get3A_1577 : vector<16xf32> to vector<1x1x16xf32>
      tpu.vector_store %arg8[%swap3A_1683, %swap3A_1684, %swap3A_1685], %swap3A_1688 {add = true, strides = array<i32>} : memref<8x200x32xf32, #tpu.memory_space<vmem>>, vector<1x1x16xf32>,
    }
    %scan3A_779 = arith.constant 200 : i32
    %mul3A_780 = arith.constant 32 : i32
    %mul3A_781 = arith.muli %add3A, %mul3A_780 : i32
    %add3A_782 = arith.constant 8 : i32
    %add3A_783 = arith.addi %mul3A_781, %add3A_782 : i32
    "tpu.region"() ({
      %run_scoped3A = tpu.sem_alloc : memref<!tpu.dma_semaphore, #tpu.memory_space<semaphore_mem>>
      %dma_start3A_1570 = arith.constant 0 : i32
      %dma_start3A_1571 = arith.constant 0 : i32
      %dma_start3A_1572 = tpu.memref_slice %arg5[%add3A_783, %dma_start3A_1570, %dma_start3A_1571] : memref<1024x200x32xf32, #tpu.memory_space<hbm>> -> memref<8x200x32xf32, #tpu.memory_space<hbm>>
      %dma_start3A_1573 = arith.constant 0 : i32
      %dma_start3A_1574 = arith.constant 0 : i32
      %dma_start3A_1575 = tpu.memref_slice %arg5[%add3A_783, %dma_start3A_1573, %dma_start3A_1574] : memref<1024x200x32xf32, #tpu.memory_space<hbm>> -> memref<8x200x32xf32, #tpu.memory_space<hbm>>
      tpu.enqueue_dma source(%arg8 : memref<8x200x32xf32, #tpu.memory_space<vmem>>) target(%dma_start3A_1575 : memref<8x200x32xf32, #tpu.memory_space<hbm>>) target_semaphore(%run_scoped3A : memref<!tpu.dma_semaphore, #tpu.memory_space<semaphore_mem>>)
      %dma_wait3A_1576 = arith.constant 0 : i32
      %dma_wait3A_1577 = arith.constant 0 : i32
      %dma_wait3A_1578 = tpu.memref_slice %arg5[%add3A_783, %dma_wait3A_1576, %dma_wait3A_1577] : memref<1024x200x32xf32, #tpu.memory_space<hbm>> -> memref<8x200x32xf32, #tpu.memory_space<hbm>>
      %dma_wait3A_1579 = arith.constant 0 : i32
      %dma_wait3A_1580 = arith.constant 0 : i32
      %dma_wait3A_1581 = tpu.memref_slice %arg5[%add3A_783, %dma_wait3A_1579, %dma_wait3A_1580] : memref<1024x200x32xf32, #tpu.memory_space<hbm>> -> memref<8x200x32xf32, #tpu.memory_space<hbm>>
      tpu.wait_dma2 semaphore(%run_scoped3A : memref<!tpu.dma_semaphore, #tpu.memory_space<semaphore_mem>>) src(%arg8 : memref<8x200x32xf32, #tpu.memory_space<vmem>>) dst(%dma_wait3A_1581 : memref<8x200x32xf32, #tpu.memory_space<hbm>>)
      tpu.yield
    }) : () -> ()
    %dma_start3A_784 = arith.constant 32 : i32
    %dma_start3A_785 = arith.constant 0 : i32
    %dma_start3A_786 = arith.constant 0 : i32
    %dma_start3A_787 = arith.constant 0 : i32
    %dma_start3A_788 = tpu.memref_slice %arg8[%dma_start3A_785, %dma_start3A_786, %dma_start3A_787] : memref<8x200x32xf32, #tpu.memory_space<vmem>> -> memref<1x100x32xf32, #tpu.memory_space<vmem>>
    %dma_start3A_789 = tpu.memref_squeeze %dma_start3A_788 : memref<1x100x32xf32, #tpu.memory_space<vmem>> -> memref<100x32xf32, #tpu.memory_space<vmem>>
    %dma_start3A_790 = arith.constant 0 : i32
    %dma_start3A_791 = tpu.memref_slice %arg6[%dma_start3A_784, %dma_start3A_790] : memref<64x100xi32, #tpu.memory_space<vmem>> -> memref<1x100xi32, #tpu.memory_space<vmem>>
    %dma_start3A_792 = tpu.memref_squeeze %dma_start3A_791 : memref<1x100xi32, #tpu.memory_space<vmem>> -> memref<100xi32, #tpu.memory_space<vmem>>
    %dma_start3A_793 = arith.constant 0 : i32
    %dma_start3A_794 = arith.constant 0 : i32
    %dma_start3A_795 = tpu.memref_slice %arg3[%dma_start3A_793, %dma_start3A_794] : memref<1000000x32xf32, #tpu.memory_space<hbm>> -> memref<1000000x32xf32, #tpu.memory_space<hbm>>
    tpu.enqueue_indirect_dma source(%dma_start3A_795 : memref<1000000x32xf32, #tpu.memory_space<hbm>>) target(%dma_start3A_789 : memref<100x32xf32, #tpu.memory_space<vmem>>) offsets(%dma_start3A_792 : memref<100xi32, #tpu.memory_space<vmem>>) semaphore(%arg9 : memref<!tpu.dma_semaphore, #tpu.memory_space<semaphore_mem>>)
    %dma_start3A_796 = arith.constant 33 : i32
    %dma_start3A_797 = arith.constant 0 : i32
    %dma_start3A_798 = arith.constant 100 : i32
    %dma_start3A_799 = arith.constant 0 : i32
    %dma_start3A_800 = tpu.memref_slice %arg8[%dma_start3A_797, %dma_start3A_798, %dma_start3A_799] : memref<8x200x32xf32, #tpu.memory_space<vmem>> -> memref<1x100x32xf32, #tpu.memory_space<vmem>>
    %dma_start3A_801 = tpu.memref_squeeze %dma_start3A_800 : memref<1x100x32xf32, #tpu.memory_space<vmem>> -> memref<100x32xf32, #tpu.memory_space<vmem>>
    %dma_start3A_802 = arith.constant 0 : i32
    %dma_start3A_803 = tpu.memref_slice %arg6[%dma_start3A_796, %dma_start3A_802] : memref<64x100xi32, #tpu.memory_space<vmem>> -> memref<1x100xi32, #tpu.memory_space<vmem>>
    %dma_start3A_804 = tpu.memref_squeeze %dma_start3A_803 : memref<1x100xi32, #tpu.memory_space<vmem>> -> memref<100xi32, #tpu.memory_space<vmem>>
    %dma_start3A_805 = arith.constant 0 : i32
    %dma_start3A_806 = arith.constant 0 : i32
    %dma_start3A_807 = tpu.memref_slice %arg3[%dma_start3A_805, %dma_start3A_806] : memref<1000000x32xf32, #tpu.memory_space<hbm>> -> memref<1000000x32xf32, #tpu.memory_space<hbm>>
    tpu.enqueue_indirect_dma source(%dma_start3A_807 : memref<1000000x32xf32, #tpu.memory_space<hbm>>) target(%dma_start3A_801 : memref<100x32xf32, #tpu.memory_space<vmem>>) offsets(%dma_start3A_804 : memref<100xi32, #tpu.memory_space<vmem>>) semaphore(%arg9 : memref<!tpu.dma_semaphore, #tpu.memory_space<semaphore_mem>>)
    %dma_start3A_808 = arith.constant 34 : i32
    %dma_start3A_809 = arith.constant 1 : i32
    %dma_start3A_810 = arith.constant 0 : i32
    %dma_start3A_811 = arith.constant 0 : i32
    %dma_start3A_812 = tpu.memref_slice %arg8[%dma_start3A_809, %dma_start3A_810, %dma_start3A_811] : memref<8x200x32xf32, #tpu.memory_space<vmem>> -> memref<1x100x32xf32, #tpu.memory_space<vmem>>
    %dma_start3A_813 = tpu.memref_squeeze %dma_start3A_812 : memref<1x100x32xf32, #tpu.memory_space<vmem>> -> memref<100x32xf32, #tpu.memory_space<vmem>>
    %dma_start3A_814 = arith.constant 0 : i32
    %dma_start3A_815 = tpu.memref_slice %arg6[%dma_start3A_808, %dma_start3A_814] : memref<64x100xi32, #tpu.memory_space<vmem>> -> memref<1x100xi32, #tpu.memory_space<vmem>>
    %dma_start3A_816 = tpu.memref_squeeze %dma_start3A_815 : memref<1x100xi32, #tpu.memory_space<vmem>> -> memref<100xi32, #tpu.memory_space<vmem>>
    %dma_start3A_817 = arith.constant 0 : i32
    %dma_start3A_818 = arith.constant 0 : i32
    %dma_start3A_819 = tpu.memref_slice %arg3[%dma_start3A_817, %dma_start3A_818] : memref<1000000x32xf32, #tpu.memory_space<hbm>> -> memref<1000000x32xf32, #tpu.memory_space<hbm>>
    tpu.enqueue_indirect_dma source(%dma_start3A_819 : memref<1000000x32xf32, #tpu.memory_space<hbm>>) target(%dma_start3A_813 : memref<100x32xf32, #tpu.memory_space<vmem>>) offsets(%dma_start3A_816 : memref<100xi32, #tpu.memory_space<vmem>>) semaphore(%arg9 : memref<!tpu.dma_semaphore, #tpu.memory_space<semaphore_mem>>)
    %dma_start3A_820 = arith.constant 35 : i32
    %dma_start3A_821 = arith.constant 1 : i32
    %dma_start3A_822 = arith.constant 100 : i32
    %dma_start3A_823 = arith.constant 0 : i32
    %dma_start3A_824 = tpu.memref_slice %arg8[%dma_start3A_821, %dma_start3A_822, %dma_start3A_823] : memref<8x200x32xf32, #tpu.memory_space<vmem>> -> memref<1x100x32xf32, #tpu.memory_space<vmem>>
    %dma_start3A_825 = tpu.memref_squeeze %dma_start3A_824 : memref<1x100x32xf32, #tpu.memory_space<vmem>> -> memref<100x32xf32, #tpu.memory_space<vmem>>
    %dma_start3A_826 = arith.constant 0 : i32
    %dma_start3A_827 = tpu.memref_slice %arg6[%dma_start3A_820, %dma_start3A_826] : memref<64x100xi32, #tpu.memory_space<vmem>> -> memref<1x100xi32, #tpu.memory_space<vmem>>
    %dma_start3A_828 = tpu.memref_squeeze %dma_start3A_827 : memref<1x100xi32, #tpu.memory_space<vmem>> -> memref<100xi32, #tpu.memory_space<vmem>>
    %dma_start3A_829 = arith.constant 0 : i32
    %dma_start3A_830 = arith.constant 0 : i32
    %dma_start3A_831 = tpu.memref_slice %arg3[%dma_start3A_829, %dma_start3A_830] : memref<1000000x32xf32, #tpu.memory_space<hbm>> -> memref<1000000x32xf32, #tpu.memory_space<hbm>>
    tpu.enqueue_indirect_dma source(%dma_start3A_831 : memref<1000000x32xf32, #tpu.memory_space<hbm>>) target(%dma_start3A_825 : memref<100x32xf32, #tpu.memory_space<vmem>>) offsets(%dma_start3A_828 : memref<100xi32, #tpu.memory_space<vmem>>) semaphore(%arg9 : memref<!tpu.dma_semaphore, #tpu.memory_space<semaphore_mem>>)
    %dma_start3A_832 = arith.constant 36 : i32
    %dma_start3A_833 = arith.constant 2 : i32
    %dma_start3A_834 = arith.constant 0 : i32
    %dma_start3A_835 = arith.constant 0 : i32
    %dma_start3A_836 = tpu.memref_slice %arg8[%dma_start3A_833, %dma_start3A_834, %dma_start3A_835] : memref<8x200x32xf32, #tpu.memory_space<vmem>> -> memref<1x100x32xf32, #tpu.memory_space<vmem>>
    %dma_start3A_837 = tpu.memref_squeeze %dma_start3A_836 : memref<1x100x32xf32, #tpu.memory_space<vmem>> -> memref<100x32xf32, #tpu.memory_space<vmem>>
    %dma_start3A_838 = arith.constant 0 : i32
    %dma_start3A_839 = tpu.memref_slice %arg6[%dma_start3A_832, %dma_start3A_838] : memref<64x100xi32, #tpu.memory_space<vmem>> -> memref<1x100xi32, #tpu.memory_space<vmem>>
    %dma_start3A_840 = tpu.memref_squeeze %dma_start3A_839 : memref<1x100xi32, #tpu.memory_space<vmem>> -> memref<100xi32, #tpu.memory_space<vmem>>
    %dma_start3A_841 = arith.constant 0 : i32
    %dma_start3A_842 = arith.constant 0 : i32
    %dma_start3A_843 = tpu.memref_slice %arg3[%dma_start3A_841, %dma_start3A_842] : memref<1000000x32xf32, #tpu.memory_space<hbm>> -> memref<1000000x32xf32, #tpu.memory_space<hbm>>
    tpu.enqueue_indirect_dma source(%dma_start3A_843 : memref<1000000x32xf32, #tpu.memory_space<hbm>>) target(%dma_start3A_837 : memref<100x32xf32, #tpu.memory_space<vmem>>) offsets(%dma_start3A_840 : memref<100xi32, #tpu.memory_space<vmem>>) semaphore(%arg9 : memref<!tpu.dma_semaphore, #tpu.memory_space<semaphore_mem>>)
    %dma_start3A_844 = arith.constant 37 : i32
    %dma_start3A_845 = arith.constant 2 : i32
    %dma_start3A_846 = arith.constant 100 : i32
    %dma_start3A_847 = arith.constant 0 : i32
    %dma_start3A_848 = tpu.memref_slice %arg8[%dma_start3A_845, %dma_start3A_846, %dma_start3A_847] : memref<8x200x32xf32, #tpu.memory_space<vmem>> -> memref<1x100x32xf32, #tpu.memory_space<vmem>>
    %dma_start3A_849 = tpu.memref_squeeze %dma_start3A_848 : memref<1x100x32xf32, #tpu.memory_space<vmem>> -> memref<100x32xf32, #tpu.memory_space<vmem>>
    %dma_start3A_850 = arith.constant 0 : i32
    %dma_start3A_851 = tpu.memref_slice %arg6[%dma_start3A_844, %dma_start3A_850] : memref<64x100xi32, #tpu.memory_space<vmem>> -> memref<1x100xi32, #tpu.memory_space<vmem>>
    %dma_start3A_852 = tpu.memref_squeeze %dma_start3A_851 : memref<1x100xi32, #tpu.memory_space<vmem>> -> memref<100xi32, #tpu.memory_space<vmem>>
    %dma_start3A_853 = arith.constant 0 : i32
    %dma_start3A_854 = arith.constant 0 : i32
    %dma_start3A_855 = tpu.memref_slice %arg3[%dma_start3A_853, %dma_start3A_854] : memref<1000000x32xf32, #tpu.memory_space<hbm>> -> memref<1000000x32xf32, #tpu.memory_space<hbm>>
    tpu.enqueue_indirect_dma source(%dma_start3A_855 : memref<1000000x32xf32, #tpu.memory_space<hbm>>) target(%dma_start3A_849 : memref<100x32xf32, #tpu.memory_space<vmem>>) offsets(%dma_start3A_852 : memref<100xi32, #tpu.memory_space<vmem>>) semaphore(%arg9 : memref<!tpu.dma_semaphore, #tpu.memory_space<semaphore_mem>>)
    %dma_start3A_856 = arith.constant 38 : i32
    %dma_start3A_857 = arith.constant 3 : i32
    %dma_start3A_858 = arith.constant 0 : i32
    %dma_start3A_859 = arith.constant 0 : i32
    %dma_start3A_860 = tpu.memref_slice %arg8[%dma_start3A_857, %dma_start3A_858, %dma_start3A_859] : memref<8x200x32xf32, #tpu.memory_space<vmem>> -> memref<1x100x32xf32, #tpu.memory_space<vmem>>
    %dma_start3A_861 = tpu.memref_squeeze %dma_start3A_860 : memref<1x100x32xf32, #tpu.memory_space<vmem>> -> memref<100x32xf32, #tpu.memory_space<vmem>>
    %dma_start3A_862 = arith.constant 0 : i32
    %dma_start3A_863 = tpu.memref_slice %arg6[%dma_start3A_856, %dma_start3A_862] : memref<64x100xi32, #tpu.memory_space<vmem>> -> memref<1x100xi32, #tpu.memory_space<vmem>>
    %dma_start3A_864 = tpu.memref_squeeze %dma_start3A_863 : memref<1x100xi32, #tpu.memory_space<vmem>> -> memref<100xi32, #tpu.memory_space<vmem>>
    %dma_start3A_865 = arith.constant 0 : i32
    %dma_start3A_866 = arith.constant 0 : i32
    %dma_start3A_867 = tpu.memref_slice %arg3[%dma_start3A_865, %dma_start3A_866] : memref<1000000x32xf32, #tpu.memory_space<hbm>> -> memref<1000000x32xf32, #tpu.memory_space<hbm>>
    tpu.enqueue_indirect_dma source(%dma_start3A_867 : memref<1000000x32xf32, #tpu.memory_space<hbm>>) target(%dma_start3A_861 : memref<100x32xf32, #tpu.memory_space<vmem>>) offsets(%dma_start3A_864 : memref<100xi32, #tpu.memory_space<vmem>>) semaphore(%arg9 : memref<!tpu.dma_semaphore, #tpu.memory_space<semaphore_mem>>)
    %dma_start3A_868 = arith.constant 39 : i32
    %dma_start3A_869 = arith.constant 3 : i32
    %dma_start3A_870 = arith.constant 100 : i32
    %dma_start3A_871 = arith.constant 0 : i32
    %dma_start3A_872 = tpu.memref_slice %arg8[%dma_start3A_869, %dma_start3A_870, %dma_start3A_871] : memref<8x200x32xf32, #tpu.memory_space<vmem>> -> memref<1x100x32xf32, #tpu.memory_space<vmem>>
    %dma_start3A_873 = tpu.memref_squeeze %dma_start3A_872 : memref<1x100x32xf32, #tpu.memory_space<vmem>> -> memref<100x32xf32, #tpu.memory_space<vmem>>
    %dma_start3A_874 = arith.constant 0 : i32
    %dma_start3A_875 = tpu.memref_slice %arg6[%dma_start3A_868, %dma_start3A_874] : memref<64x100xi32, #tpu.memory_space<vmem>> -> memref<1x100xi32, #tpu.memory_space<vmem>>
    %dma_start3A_876 = tpu.memref_squeeze %dma_start3A_875 : memref<1x100xi32, #tpu.memory_space<vmem>> -> memref<100xi32, #tpu.memory_space<vmem>>
    %dma_start3A_877 = arith.constant 0 : i32
    %dma_start3A_878 = arith.constant 0 : i32
    %dma_start3A_879 = tpu.memref_slice %arg3[%dma_start3A_877, %dma_start3A_878] : memref<1000000x32xf32, #tpu.memory_space<hbm>> -> memref<1000000x32xf32, #tpu.memory_space<hbm>>
    tpu.enqueue_indirect_dma source(%dma_start3A_879 : memref<1000000x32xf32, #tpu.memory_space<hbm>>) target(%dma_start3A_873 : memref<100x32xf32, #tpu.memory_space<vmem>>) offsets(%dma_start3A_876 : memref<100xi32, #tpu.memory_space<vmem>>) semaphore(%arg9 : memref<!tpu.dma_semaphore, #tpu.memory_space<semaphore_mem>>)
    %dma_start3A_880 = arith.constant 40 : i32
    %dma_start3A_881 = arith.constant 4 : i32
    %dma_start3A_882 = arith.constant 0 : i32
    %dma_start3A_883 = arith.constant 0 : i32
    %dma_start3A_884 = tpu.memref_slice %arg8[%dma_start3A_881, %dma_start3A_882, %dma_start3A_883] : memref<8x200x32xf32, #tpu.memory_space<vmem>> -> memref<1x100x32xf32, #tpu.memory_space<vmem>>
    %dma_start3A_885 = tpu.memref_squeeze %dma_start3A_884 : memref<1x100x32xf32, #tpu.memory_space<vmem>> -> memref<100x32xf32, #tpu.memory_space<vmem>>
    %dma_start3A_886 = arith.constant 0 : i32
    %dma_start3A_887 = tpu.memref_slice %arg6[%dma_start3A_880, %dma_start3A_886] : memref<64x100xi32, #tpu.memory_space<vmem>> -> memref<1x100xi32, #tpu.memory_space<vmem>>
    %dma_start3A_888 = tpu.memref_squeeze %dma_start3A_887 : memref<1x100xi32, #tpu.memory_space<vmem>> -> memref<100xi32, #tpu.memory_space<vmem>>
    %dma_start3A_889 = arith.constant 0 : i32
    %dma_start3A_890 = arith.constant 0 : i32
    %dma_start3A_891 = tpu.memref_slice %arg3[%dma_start3A_889, %dma_start3A_890] : memref<1000000x32xf32, #tpu.memory_space<hbm>> -> memref<1000000x32xf32, #tpu.memory_space<hbm>>
    tpu.enqueue_indirect_dma source(%dma_start3A_891 : memref<1000000x32xf32, #tpu.memory_space<hbm>>) target(%dma_start3A_885 : memref<100x32xf32, #tpu.memory_space<vmem>>) offsets(%dma_start3A_888 : memref<100xi32, #tpu.memory_space<vmem>>) semaphore(%arg9 : memref<!tpu.dma_semaphore, #tpu.memory_space<semaphore_mem>>)
    %dma_start3A_892 = arith.constant 41 : i32
    %dma_start3A_893 = arith.constant 4 : i32
    %dma_start3A_894 = arith.constant 100 : i32
    %dma_start3A_895 = arith.constant 0 : i32
    %dma_start3A_896 = tpu.memref_slice %arg8[%dma_start3A_893, %dma_start3A_894, %dma_start3A_895] : memref<8x200x32xf32, #tpu.memory_space<vmem>> -> memref<1x100x32xf32, #tpu.memory_space<vmem>>
    %dma_start3A_897 = tpu.memref_squeeze %dma_start3A_896 : memref<1x100x32xf32, #tpu.memory_space<vmem>> -> memref<100x32xf32, #tpu.memory_space<vmem>>
    %dma_start3A_898 = arith.constant 0 : i32
    %dma_start3A_899 = tpu.memref_slice %arg6[%dma_start3A_892, %dma_start3A_898] : memref<64x100xi32, #tpu.memory_space<vmem>> -> memref<1x100xi32, #tpu.memory_space<vmem>>
    %dma_start3A_900 = tpu.memref_squeeze %dma_start3A_899 : memref<1x100xi32, #tpu.memory_space<vmem>> -> memref<100xi32, #tpu.memory_space<vmem>>
    %dma_start3A_901 = arith.constant 0 : i32
    %dma_start3A_902 = arith.constant 0 : i32
    %dma_start3A_903 = tpu.memref_slice %arg3[%dma_start3A_901, %dma_start3A_902] : memref<1000000x32xf32, #tpu.memory_space<hbm>> -> memref<1000000x32xf32, #tpu.memory_space<hbm>>
    tpu.enqueue_indirect_dma source(%dma_start3A_903 : memref<1000000x32xf32, #tpu.memory_space<hbm>>) target(%dma_start3A_897 : memref<100x32xf32, #tpu.memory_space<vmem>>) offsets(%dma_start3A_900 : memref<100xi32, #tpu.memory_space<vmem>>) semaphore(%arg9 : memref<!tpu.dma_semaphore, #tpu.memory_space<semaphore_mem>>)
    %dma_start3A_904 = arith.constant 42 : i32
    %dma_start3A_905 = arith.constant 5 : i32
    %dma_start3A_906 = arith.constant 0 : i32
    %dma_start3A_907 = arith.constant 0 : i32
    %dma_start3A_908 = tpu.memref_slice %arg8[%dma_start3A_905, %dma_start3A_906, %dma_start3A_907] : memref<8x200x32xf32, #tpu.memory_space<vmem>> -> memref<1x100x32xf32, #tpu.memory_space<vmem>>
    %dma_start3A_909 = tpu.memref_squeeze %dma_start3A_908 : memref<1x100x32xf32, #tpu.memory_space<vmem>> -> memref<100x32xf32, #tpu.memory_space<vmem>>
    %dma_start3A_910 = arith.constant 0 : i32
    %dma_start3A_911 = tpu.memref_slice %arg6[%dma_start3A_904, %dma_start3A_910] : memref<64x100xi32, #tpu.memory_space<vmem>> -> memref<1x100xi32, #tpu.memory_space<vmem>>
    %dma_start3A_912 = tpu.memref_squeeze %dma_start3A_911 : memref<1x100xi32, #tpu.memory_space<vmem>> -> memref<100xi32, #tpu.memory_space<vmem>>
    %dma_start3A_913 = arith.constant 0 : i32
    %dma_start3A_914 = arith.constant 0 : i32
    %dma_start3A_915 = tpu.memref_slice %arg3[%dma_start3A_913, %dma_start3A_914] : memref<1000000x32xf32, #tpu.memory_space<hbm>> -> memref<1000000x32xf32, #tpu.memory_space<hbm>>
    tpu.enqueue_indirect_dma source(%dma_start3A_915 : memref<1000000x32xf32, #tpu.memory_space<hbm>>) target(%dma_start3A_909 : memref<100x32xf32, #tpu.memory_space<vmem>>) offsets(%dma_start3A_912 : memref<100xi32, #tpu.memory_space<vmem>>) semaphore(%arg9 : memref<!tpu.dma_semaphore, #tpu.memory_space<semaphore_mem>>)
    %dma_start3A_916 = arith.constant 43 : i32
    %dma_start3A_917 = arith.constant 5 : i32
    %dma_start3A_918 = arith.constant 100 : i32
    %dma_start3A_919 = arith.constant 0 : i32
    %dma_start3A_920 = tpu.memref_slice %arg8[%dma_start3A_917, %dma_start3A_918, %dma_start3A_919] : memref<8x200x32xf32, #tpu.memory_space<vmem>> -> memref<1x100x32xf32, #tpu.memory_space<vmem>>
    %dma_start3A_921 = tpu.memref_squeeze %dma_start3A_920 : memref<1x100x32xf32, #tpu.memory_space<vmem>> -> memref<100x32xf32, #tpu.memory_space<vmem>>
    %dma_start3A_922 = arith.constant 0 : i32
    %dma_start3A_923 = tpu.memref_slice %arg6[%dma_start3A_916, %dma_start3A_922] : memref<64x100xi32, #tpu.memory_space<vmem>> -> memref<1x100xi32, #tpu.memory_space<vmem>>
    %dma_start3A_924 = tpu.memref_squeeze %dma_start3A_923 : memref<1x100xi32, #tpu.memory_space<vmem>> -> memref<100xi32, #tpu.memory_space<vmem>>
    %dma_start3A_925 = arith.constant 0 : i32
    %dma_start3A_926 = arith.constant 0 : i32
    %dma_start3A_927 = tpu.memref_slice %arg3[%dma_start3A_925, %dma_start3A_926] : memref<1000000x32xf32, #tpu.memory_space<hbm>> -> memref<1000000x32xf32, #tpu.memory_space<hbm>>
    tpu.enqueue_indirect_dma source(%dma_start3A_927 : memref<1000000x32xf32, #tpu.memory_space<hbm>>) target(%dma_start3A_921 : memref<100x32xf32, #tpu.memory_space<vmem>>) offsets(%dma_start3A_924 : memref<100xi32, #tpu.memory_space<vmem>>) semaphore(%arg9 : memref<!tpu.dma_semaphore, #tpu.memory_space<semaphore_mem>>)
    %dma_start3A_928 = arith.constant 44 : i32
    %dma_start3A_929 = arith.constant 6 : i32
    %dma_start3A_930 = arith.constant 0 : i32
    %dma_start3A_931 = arith.constant 0 : i32
    %dma_start3A_932 = tpu.memref_slice %arg8[%dma_start3A_929, %dma_start3A_930, %dma_start3A_931] : memref<8x200x32xf32, #tpu.memory_space<vmem>> -> memref<1x100x32xf32, #tpu.memory_space<vmem>>
    %dma_start3A_933 = tpu.memref_squeeze %dma_start3A_932 : memref<1x100x32xf32, #tpu.memory_space<vmem>> -> memref<100x32xf32, #tpu.memory_space<vmem>>
    %dma_start3A_934 = arith.constant 0 : i32
    %dma_start3A_935 = tpu.memref_slice %arg6[%dma_start3A_928, %dma_start3A_934] : memref<64x100xi32, #tpu.memory_space<vmem>> -> memref<1x100xi32, #tpu.memory_space<vmem>>
    %dma_start3A_936 = tpu.memref_squeeze %dma_start3A_935 : memref<1x100xi32, #tpu.memory_space<vmem>> -> memref<100xi32, #tpu.memory_space<vmem>>
    %dma_start3A_937 = arith.constant 0 : i32
    %dma_start3A_938 = arith.constant 0 : i32
    %dma_start3A_939 = tpu.memref_slice %arg3[%dma_start3A_937, %dma_start3A_938] : memref<1000000x32xf32, #tpu.memory_space<hbm>> -> memref<1000000x32xf32, #tpu.memory_space<hbm>>
    tpu.enqueue_indirect_dma source(%dma_start3A_939 : memref<1000000x32xf32, #tpu.memory_space<hbm>>) target(%dma_start3A_933 : memref<100x32xf32, #tpu.memory_space<vmem>>) offsets(%dma_start3A_936 : memref<100xi32, #tpu.memory_space<vmem>>) semaphore(%arg9 : memref<!tpu.dma_semaphore, #tpu.memory_space<semaphore_mem>>)
    %dma_start3A_940 = arith.constant 45 : i32
    %dma_start3A_941 = arith.constant 6 : i32
    %dma_start3A_942 = arith.constant 100 : i32
    %dma_start3A_943 = arith.constant 0 : i32
    %dma_start3A_944 = tpu.memref_slice %arg8[%dma_start3A_941, %dma_start3A_942, %dma_start3A_943] : memref<8x200x32xf32, #tpu.memory_space<vmem>> -> memref<1x100x32xf32, #tpu.memory_space<vmem>>
    %dma_start3A_945 = tpu.memref_squeeze %dma_start3A_944 : memref<1x100x32xf32, #tpu.memory_space<vmem>> -> memref<100x32xf32, #tpu.memory_space<vmem>>
    %dma_start3A_946 = arith.constant 0 : i32
    %dma_start3A_947 = tpu.memref_slice %arg6[%dma_start3A_940, %dma_start3A_946] : memref<64x100xi32, #tpu.memory_space<vmem>> -> memref<1x100xi32, #tpu.memory_space<vmem>>
    %dma_start3A_948 = tpu.memref_squeeze %dma_start3A_947 : memref<1x100xi32, #tpu.memory_space<vmem>> -> memref<100xi32, #tpu.memory_space<vmem>>
    %dma_start3A_949 = arith.constant 0 : i32
    %dma_start3A_950 = arith.constant 0 : i32
    %dma_start3A_951 = tpu.memref_slice %arg3[%dma_start3A_949, %dma_start3A_950] : memref<1000000x32xf32, #tpu.memory_space<hbm>> -> memref<1000000x32xf32, #tpu.memory_space<hbm>>
    tpu.enqueue_indirect_dma source(%dma_start3A_951 : memref<1000000x32xf32, #tpu.memory_space<hbm>>) target(%dma_start3A_945 : memref<100x32xf32, #tpu.memory_space<vmem>>) offsets(%dma_start3A_948 : memref<100xi32, #tpu.memory_space<vmem>>) semaphore(%arg9 : memref<!tpu.dma_semaphore, #tpu.memory_space<semaphore_mem>>)
    %dma_start3A_952 = arith.constant 46 : i32
    %dma_start3A_953 = arith.constant 7 : i32
    %dma_start3A_954 = arith.constant 0 : i32
    %dma_start3A_955 = arith.constant 0 : i32
    %dma_start3A_956 = tpu.memref_slice %arg8[%dma_start3A_953, %dma_start3A_954, %dma_start3A_955] : memref<8x200x32xf32, #tpu.memory_space<vmem>> -> memref<1x100x32xf32, #tpu.memory_space<vmem>>
    %dma_start3A_957 = tpu.memref_squeeze %dma_start3A_956 : memref<1x100x32xf32, #tpu.memory_space<vmem>> -> memref<100x32xf32, #tpu.memory_space<vmem>>
    %dma_start3A_958 = arith.constant 0 : i32
    %dma_start3A_959 = tpu.memref_slice %arg6[%dma_start3A_952, %dma_start3A_958] : memref<64x100xi32, #tpu.memory_space<vmem>> -> memref<1x100xi32, #tpu.memory_space<vmem>>
    %dma_start3A_960 = tpu.memref_squeeze %dma_start3A_959 : memref<1x100xi32, #tpu.memory_space<vmem>> -> memref<100xi32, #tpu.memory_space<vmem>>
    %dma_start3A_961 = arith.constant 0 : i32
    %dma_start3A_962 = arith.constant 0 : i32
    %dma_start3A_963 = tpu.memref_slice %arg3[%dma_start3A_961, %dma_start3A_962] : memref<1000000x32xf32, #tpu.memory_space<hbm>> -> memref<1000000x32xf32, #tpu.memory_space<hbm>>
    tpu.enqueue_indirect_dma source(%dma_start3A_963 : memref<1000000x32xf32, #tpu.memory_space<hbm>>) target(%dma_start3A_957 : memref<100x32xf32, #tpu.memory_space<vmem>>) offsets(%dma_start3A_960 : memref<100xi32, #tpu.memory_space<vmem>>) semaphore(%arg9 : memref<!tpu.dma_semaphore, #tpu.memory_space<semaphore_mem>>)
    %dma_start3A_964 = arith.constant 47 : i32
    %dma_start3A_965 = arith.constant 7 : i32
    %dma_start3A_966 = arith.constant 100 : i32
    %dma_start3A_967 = arith.constant 0 : i32
    %dma_start3A_968 = tpu.memref_slice %arg8[%dma_start3A_965, %dma_start3A_966, %dma_start3A_967] : memref<8x200x32xf32, #tpu.memory_space<vmem>> -> memref<1x100x32xf32, #tpu.memory_space<vmem>>
    %dma_start3A_969 = tpu.memref_squeeze %dma_start3A_968 : memref<1x100x32xf32, #tpu.memory_space<vmem>> -> memref<100x32xf32, #tpu.memory_space<vmem>>
    %dma_start3A_970 = arith.constant 0 : i32
    %dma_start3A_971 = tpu.memref_slice %arg6[%dma_start3A_964, %dma_start3A_970] : memref<64x100xi32, #tpu.memory_space<vmem>> -> memref<1x100xi32, #tpu.memory_space<vmem>>
    %dma_start3A_972 = tpu.memref_squeeze %dma_start3A_971 : memref<1x100xi32, #tpu.memory_space<vmem>> -> memref<100xi32, #tpu.memory_space<vmem>>
    %dma_start3A_973 = arith.constant 0 : i32
    %dma_start3A_974 = arith.constant 0 : i32
    %dma_start3A_975 = tpu.memref_slice %arg3[%dma_start3A_973, %dma_start3A_974] : memref<1000000x32xf32, #tpu.memory_space<hbm>> -> memref<1000000x32xf32, #tpu.memory_space<hbm>>
    tpu.enqueue_indirect_dma source(%dma_start3A_975 : memref<1000000x32xf32, #tpu.memory_space<hbm>>) target(%dma_start3A_969 : memref<100x32xf32, #tpu.memory_space<vmem>>) offsets(%dma_start3A_972 : memref<100xi32, #tpu.memory_space<vmem>>) semaphore(%arg9 : memref<!tpu.dma_semaphore, #tpu.memory_space<semaphore_mem>>)
    %dma_wait3A_976 = arith.constant 32 : i32
    %dma_wait3A_977 = arith.constant 0 : i32
    %dma_wait3A_978 = arith.constant 0 : i32
    %dma_wait3A_979 = arith.constant 0 : i32
    %dma_wait3A_980 = tpu.memref_slice %arg8[%dma_wait3A_977, %dma_wait3A_978, %dma_wait3A_979] : memref<8x200x32xf32, #tpu.memory_space<vmem>> -> memref<1x100x32xf32, #tpu.memory_space<vmem>>
    %dma_wait3A_981 = tpu.memref_squeeze %dma_wait3A_980 : memref<1x100x32xf32, #tpu.memory_space<vmem>> -> memref<100x32xf32, #tpu.memory_space<vmem>>
    %dma_wait3A_982 = arith.constant 0 : i32
    %dma_wait3A_983 = tpu.memref_slice %arg6[%dma_wait3A_976, %dma_wait3A_982] : memref<64x100xi32, #tpu.memory_space<vmem>> -> memref<1x100xi32, #tpu.memory_space<vmem>>
    %dma_wait3A_984 = tpu.memref_squeeze %dma_wait3A_983 : memref<1x100xi32, #tpu.memory_space<vmem>> -> memref<100xi32, #tpu.memory_space<vmem>>
    %dma_wait3A_985 = arith.constant 0 : i32
    %dma_wait3A_986 = arith.constant 0 : i32
    %dma_wait3A_987 = tpu.memref_slice %arg3[%dma_wait3A_985, %dma_wait3A_986] : memref<1000000x32xf32, #tpu.memory_space<hbm>> -> memref<1000000x32xf32, #tpu.memory_space<hbm>>
    tpu.wait_indirect_dma semaphore(%arg9 : memref<!tpu.dma_semaphore, #tpu.memory_space<semaphore_mem>>) src(%dma_wait3A_987 : memref<1000000x32xf32, #tpu.memory_space<hbm>>) dst(%dma_wait3A_981 : memref<100x32xf32, #tpu.memory_space<vmem>>)
    %dma_wait3A_988 = arith.constant 33 : i32
    %dma_wait3A_989 = arith.constant 0 : i32
    %dma_wait3A_990 = arith.constant 100 : i32
    %dma_wait3A_991 = arith.constant 0 : i32
    %dma_wait3A_992 = tpu.memref_slice %arg8[%dma_wait3A_989, %dma_wait3A_990, %dma_wait3A_991] : memref<8x200x32xf32, #tpu.memory_space<vmem>> -> memref<1x100x32xf32, #tpu.memory_space<vmem>>
    %dma_wait3A_993 = tpu.memref_squeeze %dma_wait3A_992 : memref<1x100x32xf32, #tpu.memory_space<vmem>> -> memref<100x32xf32, #tpu.memory_space<vmem>>
    %dma_wait3A_994 = arith.constant 0 : i32
    %dma_wait3A_995 = tpu.memref_slice %arg6[%dma_wait3A_988, %dma_wait3A_994] : memref<64x100xi32, #tpu.memory_space<vmem>> -> memref<1x100xi32, #tpu.memory_space<vmem>>
    %dma_wait3A_996 = tpu.memref_squeeze %dma_wait3A_995 : memref<1x100xi32, #tpu.memory_space<vmem>> -> memref<100xi32, #tpu.memory_space<vmem>>
    %dma_wait3A_997 = arith.constant 0 : i32
    %dma_wait3A_998 = arith.constant 0 : i32
    %dma_wait3A_999 = tpu.memref_slice %arg3[%dma_wait3A_997, %dma_wait3A_998] : memref<1000000x32xf32, #tpu.memory_space<hbm>> -> memref<1000000x32xf32, #tpu.memory_space<hbm>>
    tpu.wait_indirect_dma semaphore(%arg9 : memref<!tpu.dma_semaphore, #tpu.memory_space<semaphore_mem>>) src(%dma_wait3A_999 : memref<1000000x32xf32, #tpu.memory_space<hbm>>) dst(%dma_wait3A_993 : memref<100x32xf32, #tpu.memory_space<vmem>>)
    %dma_wait3A_1000 = arith.constant 34 : i32
    %dma_wait3A_1001 = arith.constant 1 : i32
    %dma_wait3A_1002 = arith.constant 0 : i32
    %dma_wait3A_1003 = arith.constant 0 : i32
    %dma_wait3A_1004 = tpu.memref_slice %arg8[%dma_wait3A_1001, %dma_wait3A_1002, %dma_wait3A_1003] : memref<8x200x32xf32, #tpu.memory_space<vmem>> -> memref<1x100x32xf32, #tpu.memory_space<vmem>>
    %dma_wait3A_1005 = tpu.memref_squeeze %dma_wait3A_1004 : memref<1x100x32xf32, #tpu.memory_space<vmem>> -> memref<100x32xf32, #tpu.memory_space<vmem>>
    %dma_wait3A_1006 = arith.constant 0 : i32
    %dma_wait3A_1007 = tpu.memref_slice %arg6[%dma_wait3A_1000, %dma_wait3A_1006] : memref<64x100xi32, #tpu.memory_space<vmem>> -> memref<1x100xi32, #tpu.memory_space<vmem>>
    %dma_wait3A_1008 = tpu.memref_squeeze %dma_wait3A_1007 : memref<1x100xi32, #tpu.memory_space<vmem>> -> memref<100xi32, #tpu.memory_space<vmem>>
    %dma_wait3A_1009 = arith.constant 0 : i32
    %dma_wait3A_1010 = arith.constant 0 : i32
    %dma_wait3A_1011 = tpu.memref_slice %arg3[%dma_wait3A_1009, %dma_wait3A_1010] : memref<1000000x32xf32, #tpu.memory_space<hbm>> -> memref<1000000x32xf32, #tpu.memory_space<hbm>>
    tpu.wait_indirect_dma semaphore(%arg9 : memref<!tpu.dma_semaphore, #tpu.memory_space<semaphore_mem>>) src(%dma_wait3A_1011 : memref<1000000x32xf32, #tpu.memory_space<hbm>>) dst(%dma_wait3A_1005 : memref<100x32xf32, #tpu.memory_space<vmem>>)
    %dma_wait3A_1012 = arith.constant 35 : i32
    %dma_wait3A_1013 = arith.constant 1 : i32
    %dma_wait3A_1014 = arith.constant 100 : i32
    %dma_wait3A_1015 = arith.constant 0 : i32
    %dma_wait3A_1016 = tpu.memref_slice %arg8[%dma_wait3A_1013, %dma_wait3A_1014, %dma_wait3A_1015] : memref<8x200x32xf32, #tpu.memory_space<vmem>> -> memref<1x100x32xf32, #tpu.memory_space<vmem>>
    %dma_wait3A_1017 = tpu.memref_squeeze %dma_wait3A_1016 : memref<1x100x32xf32, #tpu.memory_space<vmem>> -> memref<100x32xf32, #tpu.memory_space<vmem>>
    %dma_wait3A_1018 = arith.constant 0 : i32
    %dma_wait3A_1019 = tpu.memref_slice %arg6[%dma_wait3A_1012, %dma_wait3A_1018] : memref<64x100xi32, #tpu.memory_space<vmem>> -> memref<1x100xi32, #tpu.memory_space<vmem>>
    %dma_wait3A_1020 = tpu.memref_squeeze %dma_wait3A_1019 : memref<1x100xi32, #tpu.memory_space<vmem>> -> memref<100xi32, #tpu.memory_space<vmem>>
    %dma_wait3A_1021 = arith.constant 0 : i32
    %dma_wait3A_1022 = arith.constant 0 : i32
    %dma_wait3A_1023 = tpu.memref_slice %arg3[%dma_wait3A_1021, %dma_wait3A_1022] : memref<1000000x32xf32, #tpu.memory_space<hbm>> -> memref<1000000x32xf32, #tpu.memory_space<hbm>>
    tpu.wait_indirect_dma semaphore(%arg9 : memref<!tpu.dma_semaphore, #tpu.memory_space<semaphore_mem>>) src(%dma_wait3A_1023 : memref<1000000x32xf32, #tpu.memory_space<hbm>>) dst(%dma_wait3A_1017 : memref<100x32xf32, #tpu.memory_space<vmem>>)
    %dma_wait3A_1024 = arith.constant 36 : i32
    %dma_wait3A_1025 = arith.constant 2 : i32
    %dma_wait3A_1026 = arith.constant 0 : i32
    %dma_wait3A_1027 = arith.constant 0 : i32
    %dma_wait3A_1028 = tpu.memref_slice %arg8[%dma_wait3A_1025, %dma_wait3A_1026, %dma_wait3A_1027] : memref<8x200x32xf32, #tpu.memory_space<vmem>> -> memref<1x100x32xf32, #tpu.memory_space<vmem>>
    %dma_wait3A_1029 = tpu.memref_squeeze %dma_wait3A_1028 : memref<1x100x32xf32, #tpu.memory_space<vmem>> -> memref<100x32xf32, #tpu.memory_space<vmem>>
    %dma_wait3A_1030 = arith.constant 0 : i32
    %dma_wait3A_1031 = tpu.memref_slice %arg6[%dma_wait3A_1024, %dma_wait3A_1030] : memref<64x100xi32, #tpu.memory_space<vmem>> -> memref<1x100xi32, #tpu.memory_space<vmem>>
    %dma_wait3A_1032 = tpu.memref_squeeze %dma_wait3A_1031 : memref<1x100xi32, #tpu.memory_space<vmem>> -> memref<100xi32, #tpu.memory_space<vmem>>
    %dma_wait3A_1033 = arith.constant 0 : i32
    %dma_wait3A_1034 = arith.constant 0 : i32
    %dma_wait3A_1035 = tpu.memref_slice %arg3[%dma_wait3A_1033, %dma_wait3A_1034] : memref<1000000x32xf32, #tpu.memory_space<hbm>> -> memref<1000000x32xf32, #tpu.memory_space<hbm>>
    tpu.wait_indirect_dma semaphore(%arg9 : memref<!tpu.dma_semaphore, #tpu.memory_space<semaphore_mem>>) src(%dma_wait3A_1035 : memref<1000000x32xf32, #tpu.memory_space<hbm>>) dst(%dma_wait3A_1029 : memref<100x32xf32, #tpu.memory_space<vmem>>)
    %dma_wait3A_1036 = arith.constant 37 : i32
    %dma_wait3A_1037 = arith.constant 2 : i32
    %dma_wait3A_1038 = arith.constant 100 : i32
    %dma_wait3A_1039 = arith.constant 0 : i32
    %dma_wait3A_1040 = tpu.memref_slice %arg8[%dma_wait3A_1037, %dma_wait3A_1038, %dma_wait3A_1039] : memref<8x200x32xf32, #tpu.memory_space<vmem>> -> memref<1x100x32xf32, #tpu.memory_space<vmem>>
    %dma_wait3A_1041 = tpu.memref_squeeze %dma_wait3A_1040 : memref<1x100x32xf32, #tpu.memory_space<vmem>> -> memref<100x32xf32, #tpu.memory_space<vmem>>
    %dma_wait3A_1042 = arith.constant 0 : i32
    %dma_wait3A_1043 = tpu.memref_slice %arg6[%dma_wait3A_1036, %dma_wait3A_1042] : memref<64x100xi32, #tpu.memory_space<vmem>> -> memref<1x100xi32, #tpu.memory_space<vmem>>
    %dma_wait3A_1044 = tpu.memref_squeeze %dma_wait3A_1043 : memref<1x100xi32, #tpu.memory_space<vmem>> -> memref<100xi32, #tpu.memory_space<vmem>>
    %dma_wait3A_1045 = arith.constant 0 : i32
    %dma_wait3A_1046 = arith.constant 0 : i32
    %dma_wait3A_1047 = tpu.memref_slice %arg3[%dma_wait3A_1045, %dma_wait3A_1046] : memref<1000000x32xf32, #tpu.memory_space<hbm>> -> memref<1000000x32xf32, #tpu.memory_space<hbm>>
    tpu.wait_indirect_dma semaphore(%arg9 : memref<!tpu.dma_semaphore, #tpu.memory_space<semaphore_mem>>) src(%dma_wait3A_1047 : memref<1000000x32xf32, #tpu.memory_space<hbm>>) dst(%dma_wait3A_1041 : memref<100x32xf32, #tpu.memory_space<vmem>>)
    %dma_wait3A_1048 = arith.constant 38 : i32
    %dma_wait3A_1049 = arith.constant 3 : i32
    %dma_wait3A_1050 = arith.constant 0 : i32
    %dma_wait3A_1051 = arith.constant 0 : i32
    %dma_wait3A_1052 = tpu.memref_slice %arg8[%dma_wait3A_1049, %dma_wait3A_1050, %dma_wait3A_1051] : memref<8x200x32xf32, #tpu.memory_space<vmem>> -> memref<1x100x32xf32, #tpu.memory_space<vmem>>
    %dma_wait3A_1053 = tpu.memref_squeeze %dma_wait3A_1052 : memref<1x100x32xf32, #tpu.memory_space<vmem>> -> memref<100x32xf32, #tpu.memory_space<vmem>>
    %dma_wait3A_1054 = arith.constant 0 : i32
    %dma_wait3A_1055 = tpu.memref_slice %arg6[%dma_wait3A_1048, %dma_wait3A_1054] : memref<64x100xi32, #tpu.memory_space<vmem>> -> memref<1x100xi32, #tpu.memory_space<vmem>>
    %dma_wait3A_1056 = tpu.memref_squeeze %dma_wait3A_1055 : memref<1x100xi32, #tpu.memory_space<vmem>> -> memref<100xi32, #tpu.memory_space<vmem>>
    %dma_wait3A_1057 = arith.constant 0 : i32
    %dma_wait3A_1058 = arith.constant 0 : i32
    %dma_wait3A_1059 = tpu.memref_slice %arg3[%dma_wait3A_1057, %dma_wait3A_1058] : memref<1000000x32xf32, #tpu.memory_space<hbm>> -> memref<1000000x32xf32, #tpu.memory_space<hbm>>
    tpu.wait_indirect_dma semaphore(%arg9 : memref<!tpu.dma_semaphore, #tpu.memory_space<semaphore_mem>>) src(%dma_wait3A_1059 : memref<1000000x32xf32, #tpu.memory_space<hbm>>) dst(%dma_wait3A_1053 : memref<100x32xf32, #tpu.memory_space<vmem>>)
    %dma_wait3A_1060 = arith.constant 39 : i32
    %dma_wait3A_1061 = arith.constant 3 : i32
    %dma_wait3A_1062 = arith.constant 100 : i32
    %dma_wait3A_1063 = arith.constant 0 : i32
    %dma_wait3A_1064 = tpu.memref_slice %arg8[%dma_wait3A_1061, %dma_wait3A_1062, %dma_wait3A_1063] : memref<8x200x32xf32, #tpu.memory_space<vmem>> -> memref<1x100x32xf32, #tpu.memory_space<vmem>>
    %dma_wait3A_1065 = tpu.memref_squeeze %dma_wait3A_1064 : memref<1x100x32xf32, #tpu.memory_space<vmem>> -> memref<100x32xf32, #tpu.memory_space<vmem>>
    %dma_wait3A_1066 = arith.constant 0 : i32
    %dma_wait3A_1067 = tpu.memref_slice %arg6[%dma_wait3A_1060, %dma_wait3A_1066] : memref<64x100xi32, #tpu.memory_space<vmem>> -> memref<1x100xi32, #tpu.memory_space<vmem>>
    %dma_wait3A_1068 = tpu.memref_squeeze %dma_wait3A_1067 : memref<1x100xi32, #tpu.memory_space<vmem>> -> memref<100xi32, #tpu.memory_space<vmem>>
    %dma_wait3A_1069 = arith.constant 0 : i32
    %dma_wait3A_1070 = arith.constant 0 : i32
    %dma_wait3A_1071 = tpu.memref_slice %arg3[%dma_wait3A_1069, %dma_wait3A_1070] : memref<1000000x32xf32, #tpu.memory_space<hbm>> -> memref<1000000x32xf32, #tpu.memory_space<hbm>>
    tpu.wait_indirect_dma semaphore(%arg9 : memref<!tpu.dma_semaphore, #tpu.memory_space<semaphore_mem>>) src(%dma_wait3A_1071 : memref<1000000x32xf32, #tpu.memory_space<hbm>>) dst(%dma_wait3A_1065 : memref<100x32xf32, #tpu.memory_space<vmem>>)
    %dma_wait3A_1072 = arith.constant 40 : i32
    %dma_wait3A_1073 = arith.constant 4 : i32
    %dma_wait3A_1074 = arith.constant 0 : i32
    %dma_wait3A_1075 = arith.constant 0 : i32
    %dma_wait3A_1076 = tpu.memref_slice %arg8[%dma_wait3A_1073, %dma_wait3A_1074, %dma_wait3A_1075] : memref<8x200x32xf32, #tpu.memory_space<vmem>> -> memref<1x100x32xf32, #tpu.memory_space<vmem>>
    %dma_wait3A_1077 = tpu.memref_squeeze %dma_wait3A_1076 : memref<1x100x32xf32, #tpu.memory_space<vmem>> -> memref<100x32xf32, #tpu.memory_space<vmem>>
    %dma_wait3A_1078 = arith.constant 0 : i32
    %dma_wait3A_1079 = tpu.memref_slice %arg6[%dma_wait3A_1072, %dma_wait3A_1078] : memref<64x100xi32, #tpu.memory_space<vmem>> -> memref<1x100xi32, #tpu.memory_space<vmem>>
    %dma_wait3A_1080 = tpu.memref_squeeze %dma_wait3A_1079 : memref<1x100xi32, #tpu.memory_space<vmem>> -> memref<100xi32, #tpu.memory_space<vmem>>
    %dma_wait3A_1081 = arith.constant 0 : i32
    %dma_wait3A_1082 = arith.constant 0 : i32
    %dma_wait3A_1083 = tpu.memref_slice %arg3[%dma_wait3A_1081, %dma_wait3A_1082] : memref<1000000x32xf32, #tpu.memory_space<hbm>> -> memref<1000000x32xf32, #tpu.memory_space<hbm>>
    tpu.wait_indirect_dma semaphore(%arg9 : memref<!tpu.dma_semaphore, #tpu.memory_space<semaphore_mem>>) src(%dma_wait3A_1083 : memref<1000000x32xf32, #tpu.memory_space<hbm>>) dst(%dma_wait3A_1077 : memref<100x32xf32, #tpu.memory_space<vmem>>)
    %dma_wait3A_1084 = arith.constant 41 : i32
    %dma_wait3A_1085 = arith.constant 4 : i32
    %dma_wait3A_1086 = arith.constant 100 : i32
    %dma_wait3A_1087 = arith.constant 0 : i32
    %dma_wait3A_1088 = tpu.memref_slice %arg8[%dma_wait3A_1085, %dma_wait3A_1086, %dma_wait3A_1087] : memref<8x200x32xf32, #tpu.memory_space<vmem>> -> memref<1x100x32xf32, #tpu.memory_space<vmem>>
    %dma_wait3A_1089 = tpu.memref_squeeze %dma_wait3A_1088 : memref<1x100x32xf32, #tpu.memory_space<vmem>> -> memref<100x32xf32, #tpu.memory_space<vmem>>
    %dma_wait3A_1090 = arith.constant 0 : i32
    %dma_wait3A_1091 = tpu.memref_slice %arg6[%dma_wait3A_1084, %dma_wait3A_1090] : memref<64x100xi32, #tpu.memory_space<vmem>> -> memref<1x100xi32, #tpu.memory_space<vmem>>
    %dma_wait3A_1092 = tpu.memref_squeeze %dma_wait3A_1091 : memref<1x100xi32, #tpu.memory_space<vmem>> -> memref<100xi32, #tpu.memory_space<vmem>>
    %dma_wait3A_1093 = arith.constant 0 : i32
    %dma_wait3A_1094 = arith.constant 0 : i32
    %dma_wait3A_1095 = tpu.memref_slice %arg3[%dma_wait3A_1093, %dma_wait3A_1094] : memref<1000000x32xf32, #tpu.memory_space<hbm>> -> memref<1000000x32xf32, #tpu.memory_space<hbm>>
    tpu.wait_indirect_dma semaphore(%arg9 : memref<!tpu.dma_semaphore, #tpu.memory_space<semaphore_mem>>) src(%dma_wait3A_1095 : memref<1000000x32xf32, #tpu.memory_space<hbm>>) dst(%dma_wait3A_1089 : memref<100x32xf32, #tpu.memory_space<vmem>>)
    %dma_wait3A_1096 = arith.constant 42 : i32
    %dma_wait3A_1097 = arith.constant 5 : i32
    %dma_wait3A_1098 = arith.constant 0 : i32
    %dma_wait3A_1099 = arith.constant 0 : i32
    %dma_wait3A_1100 = tpu.memref_slice %arg8[%dma_wait3A_1097, %dma_wait3A_1098, %dma_wait3A_1099] : memref<8x200x32xf32, #tpu.memory_space<vmem>> -> memref<1x100x32xf32, #tpu.memory_space<vmem>>
    %dma_wait3A_1101 = tpu.memref_squeeze %dma_wait3A_1100 : memref<1x100x32xf32, #tpu.memory_space<vmem>> -> memref<100x32xf32, #tpu.memory_space<vmem>>
    %dma_wait3A_1102 = arith.constant 0 : i32
    %dma_wait3A_1103 = tpu.memref_slice %arg6[%dma_wait3A_1096, %dma_wait3A_1102] : memref<64x100xi32, #tpu.memory_space<vmem>> -> memref<1x100xi32, #tpu.memory_space<vmem>>
    %dma_wait3A_1104 = tpu.memref_squeeze %dma_wait3A_1103 : memref<1x100xi32, #tpu.memory_space<vmem>> -> memref<100xi32, #tpu.memory_space<vmem>>
    %dma_wait3A_1105 = arith.constant 0 : i32
    %dma_wait3A_1106 = arith.constant 0 : i32
    %dma_wait3A_1107 = tpu.memref_slice %arg3[%dma_wait3A_1105, %dma_wait3A_1106] : memref<1000000x32xf32, #tpu.memory_space<hbm>> -> memref<1000000x32xf32, #tpu.memory_space<hbm>>
    tpu.wait_indirect_dma semaphore(%arg9 : memref<!tpu.dma_semaphore, #tpu.memory_space<semaphore_mem>>) src(%dma_wait3A_1107 : memref<1000000x32xf32, #tpu.memory_space<hbm>>) dst(%dma_wait3A_1101 : memref<100x32xf32, #tpu.memory_space<vmem>>)
    %dma_wait3A_1108 = arith.constant 43 : i32
    %dma_wait3A_1109 = arith.constant 5 : i32
    %dma_wait3A_1110 = arith.constant 100 : i32
    %dma_wait3A_1111 = arith.constant 0 : i32
    %dma_wait3A_1112 = tpu.memref_slice %arg8[%dma_wait3A_1109, %dma_wait3A_1110, %dma_wait3A_1111] : memref<8x200x32xf32, #tpu.memory_space<vmem>> -> memref<1x100x32xf32, #tpu.memory_space<vmem>>
    %dma_wait3A_1113 = tpu.memref_squeeze %dma_wait3A_1112 : memref<1x100x32xf32, #tpu.memory_space<vmem>> -> memref<100x32xf32, #tpu.memory_space<vmem>>
    %dma_wait3A_1114 = arith.constant 0 : i32
    %dma_wait3A_1115 = tpu.memref_slice %arg6[%dma_wait3A_1108, %dma_wait3A_1114] : memref<64x100xi32, #tpu.memory_space<vmem>> -> memref<1x100xi32, #tpu.memory_space<vmem>>
    %dma_wait3A_1116 = tpu.memref_squeeze %dma_wait3A_1115 : memref<1x100xi32, #tpu.memory_space<vmem>> -> memref<100xi32, #tpu.memory_space<vmem>>
    %dma_wait3A_1117 = arith.constant 0 : i32
    %dma_wait3A_1118 = arith.constant 0 : i32
    %dma_wait3A_1119 = tpu.memref_slice %arg3[%dma_wait3A_1117, %dma_wait3A_1118] : memref<1000000x32xf32, #tpu.memory_space<hbm>> -> memref<1000000x32xf32, #tpu.memory_space<hbm>>
    tpu.wait_indirect_dma semaphore(%arg9 : memref<!tpu.dma_semaphore, #tpu.memory_space<semaphore_mem>>) src(%dma_wait3A_1119 : memref<1000000x32xf32, #tpu.memory_space<hbm>>) dst(%dma_wait3A_1113 : memref<100x32xf32, #tpu.memory_space<vmem>>)
    %dma_wait3A_1120 = arith.constant 44 : i32
    %dma_wait3A_1121 = arith.constant 6 : i32
    %dma_wait3A_1122 = arith.constant 0 : i32
    %dma_wait3A_1123 = arith.constant 0 : i32
    %dma_wait3A_1124 = tpu.memref_slice %arg8[%dma_wait3A_1121, %dma_wait3A_1122, %dma_wait3A_1123] : memref<8x200x32xf32, #tpu.memory_space<vmem>> -> memref<1x100x32xf32, #tpu.memory_space<vmem>>
    %dma_wait3A_1125 = tpu.memref_squeeze %dma_wait3A_1124 : memref<1x100x32xf32, #tpu.memory_space<vmem>> -> memref<100x32xf32, #tpu.memory_space<vmem>>
    %dma_wait3A_1126 = arith.constant 0 : i32
    %dma_wait3A_1127 = tpu.memref_slice %arg6[%dma_wait3A_1120, %dma_wait3A_1126] : memref<64x100xi32, #tpu.memory_space<vmem>> -> memref<1x100xi32, #tpu.memory_space<vmem>>
    %dma_wait3A_1128 = tpu.memref_squeeze %dma_wait3A_1127 : memref<1x100xi32, #tpu.memory_space<vmem>> -> memref<100xi32, #tpu.memory_space<vmem>>
    %dma_wait3A_1129 = arith.constant 0 : i32
    %dma_wait3A_1130 = arith.constant 0 : i32
    %dma_wait3A_1131 = tpu.memref_slice %arg3[%dma_wait3A_1129, %dma_wait3A_1130] : memref<1000000x32xf32, #tpu.memory_space<hbm>> -> memref<1000000x32xf32, #tpu.memory_space<hbm>>
    tpu.wait_indirect_dma semaphore(%arg9 : memref<!tpu.dma_semaphore, #tpu.memory_space<semaphore_mem>>) src(%dma_wait3A_1131 : memref<1000000x32xf32, #tpu.memory_space<hbm>>) dst(%dma_wait3A_1125 : memref<100x32xf32, #tpu.memory_space<vmem>>)
    %dma_wait3A_1132 = arith.constant 45 : i32
    %dma_wait3A_1133 = arith.constant 6 : i32
    %dma_wait3A_1134 = arith.constant 100 : i32
    %dma_wait3A_1135 = arith.constant 0 : i32
    %dma_wait3A_1136 = tpu.memref_slice %arg8[%dma_wait3A_1133, %dma_wait3A_1134, %dma_wait3A_1135] : memref<8x200x32xf32, #tpu.memory_space<vmem>> -> memref<1x100x32xf32, #tpu.memory_space<vmem>>
    %dma_wait3A_1137 = tpu.memref_squeeze %dma_wait3A_1136 : memref<1x100x32xf32, #tpu.memory_space<vmem>> -> memref<100x32xf32, #tpu.memory_space<vmem>>
    %dma_wait3A_1138 = arith.constant 0 : i32
    %dma_wait3A_1139 = tpu.memref_slice %arg6[%dma_wait3A_1132, %dma_wait3A_1138] : memref<64x100xi32, #tpu.memory_space<vmem>> -> memref<1x100xi32, #tpu.memory_space<vmem>>
    %dma_wait3A_1140 = tpu.memref_squeeze %dma_wait3A_1139 : memref<1x100xi32, #tpu.memory_space<vmem>> -> memref<100xi32, #tpu.memory_space<vmem>>
    %dma_wait3A_1141 = arith.constant 0 : i32
    %dma_wait3A_1142 = arith.constant 0 : i32
    %dma_wait3A_1143 = tpu.memref_slice %arg3[%dma_wait3A_1141, %dma_wait3A_1142] : memref<1000000x32xf32, #tpu.memory_space<hbm>> -> memref<1000000x32xf32, #tpu.memory_space<hbm>>
    tpu.wait_indirect_dma semaphore(%arg9 : memref<!tpu.dma_semaphore, #tpu.memory_space<semaphore_mem>>) src(%dma_wait3A_1143 : memref<1000000x32xf32, #tpu.memory_space<hbm>>) dst(%dma_wait3A_1137 : memref<100x32xf32, #tpu.memory_space<vmem>>)
    %dma_wait3A_1144 = arith.constant 46 : i32
    %dma_wait3A_1145 = arith.constant 7 : i32
    %dma_wait3A_1146 = arith.constant 0 : i32
    %dma_wait3A_1147 = arith.constant 0 : i32
    %dma_wait3A_1148 = tpu.memref_slice %arg8[%dma_wait3A_1145, %dma_wait3A_1146, %dma_wait3A_1147] : memref<8x200x32xf32, #tpu.memory_space<vmem>> -> memref<1x100x32xf32, #tpu.memory_space<vmem>>
    %dma_wait3A_1149 = tpu.memref_squeeze %dma_wait3A_1148 : memref<1x100x32xf32, #tpu.memory_space<vmem>> -> memref<100x32xf32, #tpu.memory_space<vmem>>
    %dma_wait3A_1150 = arith.constant 0 : i32
    %dma_wait3A_1151 = tpu.memref_slice %arg6[%dma_wait3A_1144, %dma_wait3A_1150] : memref<64x100xi32, #tpu.memory_space<vmem>> -> memref<1x100xi32, #tpu.memory_space<vmem>>
    %dma_wait3A_1152 = tpu.memref_squeeze %dma_wait3A_1151 : memref<1x100xi32, #tpu.memory_space<vmem>> -> memref<100xi32, #tpu.memory_space<vmem>>
    %dma_wait3A_1153 = arith.constant 0 : i32
    %dma_wait3A_1154 = arith.constant 0 : i32
    %dma_wait3A_1155 = tpu.memref_slice %arg3[%dma_wait3A_1153, %dma_wait3A_1154] : memref<1000000x32xf32, #tpu.memory_space<hbm>> -> memref<1000000x32xf32, #tpu.memory_space<hbm>>
    tpu.wait_indirect_dma semaphore(%arg9 : memref<!tpu.dma_semaphore, #tpu.memory_space<semaphore_mem>>) src(%dma_wait3A_1155 : memref<1000000x32xf32, #tpu.memory_space<hbm>>) dst(%dma_wait3A_1149 : memref<100x32xf32, #tpu.memory_space<vmem>>)
    %dma_wait3A_1156 = arith.constant 47 : i32
    %dma_wait3A_1157 = arith.constant 7 : i32
    %dma_wait3A_1158 = arith.constant 100 : i32
    %dma_wait3A_1159 = arith.constant 0 : i32
    %dma_wait3A_1160 = tpu.memref_slice %arg8[%dma_wait3A_1157, %dma_wait3A_1158, %dma_wait3A_1159] : memref<8x200x32xf32, #tpu.memory_space<vmem>> -> memref<1x100x32xf32, #tpu.memory_space<vmem>>
    %dma_wait3A_1161 = tpu.memref_squeeze %dma_wait3A_1160 : memref<1x100x32xf32, #tpu.memory_space<vmem>> -> memref<100x32xf32, #tpu.memory_space<vmem>>
    %dma_wait3A_1162 = arith.constant 0 : i32
    %dma_wait3A_1163 = tpu.memref_slice %arg6[%dma_wait3A_1156, %dma_wait3A_1162] : memref<64x100xi32, #tpu.memory_space<vmem>> -> memref<1x100xi32, #tpu.memory_space<vmem>>
    %dma_wait3A_1164 = tpu.memref_squeeze %dma_wait3A_1163 : memref<1x100xi32, #tpu.memory_space<vmem>> -> memref<100xi32, #tpu.memory_space<vmem>>
    %dma_wait3A_1165 = arith.constant 0 : i32
    %dma_wait3A_1166 = arith.constant 0 : i32
    %dma_wait3A_1167 = tpu.memref_slice %arg3[%dma_wait3A_1165, %dma_wait3A_1166] : memref<1000000x32xf32, #tpu.memory_space<hbm>> -> memref<1000000x32xf32, #tpu.memory_space<hbm>>
    tpu.wait_indirect_dma semaphore(%arg9 : memref<!tpu.dma_semaphore, #tpu.memory_space<semaphore_mem>>) src(%dma_wait3A_1167 : memref<1000000x32xf32, #tpu.memory_space<hbm>>) dst(%dma_wait3A_1161 : memref<100x32xf32, #tpu.memory_space<vmem>>)
    %scan3A_1168 = arith.constant 0 : i32
    %scan3A_1169 = arith.constant 200 : i32
    %scan3A_1170 = arith.addi %scan3A_1168, %scan3A_1169 : i32
    %scan3A_1171 = arith.constant 1 : i32
    scf.for %scan3A_1570 = %scan3A_1168 to %scan3A_1170 step %scan3A_1171  : i32 {
      %get3A = arith.index_cast %scan3A_1570 : i32 to index
      %get3A_1571 = arith.constant 0 : index
      %get3A_1572 = tpu.vector_load %arg7[%get3A, %get3A_1571] {strides = array<i32>} : memref<200x32xf32, #tpu.memory_space<vmem>>, vector<1x16xf32>,
      %get3A_1573 = vector.shape_cast %get3A_1572 : vector<1x16xf32> to vector<16xf32>
      %get3A_1574 = arith.index_cast %scan3A_1570 : i32 to index
      %get3A_1575 = arith.constant 16 : index
      %get3A_1576 = tpu.vector_load %arg7[%get3A_1574, %get3A_1575] {strides = array<i32>} : memref<200x32xf32, #tpu.memory_space<vmem>>, vector<1x16xf32>,
      %get3A_1577 = vector.shape_cast %get3A_1576 : vector<1x16xf32> to vector<16xf32>
      %swap3A = arith.constant 0 : i32
      %swap3A_1578 = arith.index_cast %swap3A : i32 to index
      %swap3A_1579 = arith.index_cast %scan3A_1570 : i32 to index
      %swap3A_1580 = arith.constant 0 : index
      %swap3A_1581 = tpu.vector_load %arg8[%swap3A_1578, %swap3A_1579, %swap3A_1580] {strides = array<i32>} : memref<8x200x32xf32, #tpu.memory_space<vmem>>, vector<1x1x16xf32>,
      %swap3A_1582 = vector.shape_cast %swap3A_1581 : vector<1x1x16xf32> to vector<16xf32>
      %swap3A_1583 = vector.shape_cast %get3A_1573 : vector<16xf32> to vector<1x1x16xf32>
      tpu.vector_store %arg8[%swap3A_1578, %swap3A_1579, %swap3A_1580], %swap3A_1583 {add = true, strides = array<i32>} : memref<8x200x32xf32, #tpu.memory_space<vmem>>, vector<1x1x16xf32>,
      %swap3A_1584 = arith.constant 0 : i32
      %swap3A_1585 = arith.index_cast %swap3A_1584 : i32 to index
      %swap3A_1586 = arith.index_cast %scan3A_1570 : i32 to index
      %swap3A_1587 = arith.constant 16 : index
      %swap3A_1588 = tpu.vector_load %arg8[%swap3A_1585, %swap3A_1586, %swap3A_1587] {strides = array<i32>} : memref<8x200x32xf32, #tpu.memory_space<vmem>>, vector<1x1x16xf32>,
      %swap3A_1589 = vector.shape_cast %swap3A_1588 : vector<1x1x16xf32> to vector<16xf32>
      %swap3A_1590 = vector.shape_cast %get3A_1577 : vector<16xf32> to vector<1x1x16xf32>
      tpu.vector_store %arg8[%swap3A_1585, %swap3A_1586, %swap3A_1587], %swap3A_1590 {add = true, strides = array<i32>} : memref<8x200x32xf32, #tpu.memory_space<vmem>>, vector<1x1x16xf32>,
      %swap3A_1591 = arith.constant 1 : i32
      %swap3A_1592 = arith.index_cast %swap3A_1591 : i32 to index
      %swap3A_1593 = arith.index_cast %scan3A_1570 : i32 to index
      %swap3A_1594 = arith.constant 0 : index
      %swap3A_1595 = tpu.vector_load %arg8[%swap3A_1592, %swap3A_1593, %swap3A_1594] {strides = array<i32>} : memref<8x200x32xf32, #tpu.memory_space<vmem>>, vector<1x1x16xf32>,
      %swap3A_1596 = vector.shape_cast %swap3A_1595 : vector<1x1x16xf32> to vector<16xf32>
      %swap3A_1597 = vector.shape_cast %get3A_1573 : vector<16xf32> to vector<1x1x16xf32>
      tpu.vector_store %arg8[%swap3A_1592, %swap3A_1593, %swap3A_1594], %swap3A_1597 {add = true, strides = array<i32>} : memref<8x200x32xf32, #tpu.memory_space<vmem>>, vector<1x1x16xf32>,
      %swap3A_1598 = arith.constant 1 : i32
      %swap3A_1599 = arith.index_cast %swap3A_1598 : i32 to index
      %swap3A_1600 = arith.index_cast %scan3A_1570 : i32 to index
      %swap3A_1601 = arith.constant 16 : index
      %swap3A_1602 = tpu.vector_load %arg8[%swap3A_1599, %swap3A_1600, %swap3A_1601] {strides = array<i32>} : memref<8x200x32xf32, #tpu.memory_space<vmem>>, vector<1x1x16xf32>,
      %swap3A_1603 = vector.shape_cast %swap3A_1602 : vector<1x1x16xf32> to vector<16xf32>
      %swap3A_1604 = vector.shape_cast %get3A_1577 : vector<16xf32> to vector<1x1x16xf32>
      tpu.vector_store %arg8[%swap3A_1599, %swap3A_1600, %swap3A_1601], %swap3A_1604 {add = true, strides = array<i32>} : memref<8x200x32xf32, #tpu.memory_space<vmem>>, vector<1x1x16xf32>,
      %swap3A_1605 = arith.constant 2 : i32
      %swap3A_1606 = arith.index_cast %swap3A_1605 : i32 to index
      %swap3A_1607 = arith.index_cast %scan3A_1570 : i32 to index
      %swap3A_1608 = arith.constant 0 : index
      %swap3A_1609 = tpu.vector_load %arg8[%swap3A_1606, %swap3A_1607, %swap3A_1608] {strides = array<i32>} : memref<8x200x32xf32, #tpu.memory_space<vmem>>, vector<1x1x16xf32>,
      %swap3A_1610 = vector.shape_cast %swap3A_1609 : vector<1x1x16xf32> to vector<16xf32>
      %swap3A_1611 = vector.shape_cast %get3A_1573 : vector<16xf32> to vector<1x1x16xf32>
      tpu.vector_store %arg8[%swap3A_1606, %swap3A_1607, %swap3A_1608], %swap3A_1611 {add = true, strides = array<i32>} : memref<8x200x32xf32, #tpu.memory_space<vmem>>, vector<1x1x16xf32>,
      %swap3A_1612 = arith.constant 2 : i32
      %swap3A_1613 = arith.index_cast %swap3A_1612 : i32 to index
      %swap3A_1614 = arith.index_cast %scan3A_1570 : i32 to index
      %swap3A_1615 = arith.constant 16 : index
      %swap3A_1616 = tpu.vector_load %arg8[%swap3A_1613, %swap3A_1614, %swap3A_1615] {strides = array<i32>} : memref<8x200x32xf32, #tpu.memory_space<vmem>>, vector<1x1x16xf32>,
      %swap3A_1617 = vector.shape_cast %swap3A_1616 : vector<1x1x16xf32> to vector<16xf32>
      %swap3A_1618 = vector.shape_cast %get3A_1577 : vector<16xf32> to vector<1x1x16xf32>
      tpu.vector_store %arg8[%swap3A_1613, %swap3A_1614, %swap3A_1615], %swap3A_1618 {add = true, strides = array<i32>} : memref<8x200x32xf32, #tpu.memory_space<vmem>>, vector<1x1x16xf32>,
      %swap3A_1619 = arith.constant 3 : i32
      %swap3A_1620 = arith.index_cast %swap3A_1619 : i32 to index
      %swap3A_1621 = arith.index_cast %scan3A_1570 : i32 to index
      %swap3A_1622 = arith.constant 0 : index
      %swap3A_1623 = tpu.vector_load %arg8[%swap3A_1620, %swap3A_1621, %swap3A_1622] {strides = array<i32>} : memref<8x200x32xf32, #tpu.memory_space<vmem>>, vector<1x1x16xf32>,
      %swap3A_1624 = vector.shape_cast %swap3A_1623 : vector<1x1x16xf32> to vector<16xf32>
      %swap3A_1625 = vector.shape_cast %get3A_1573 : vector<16xf32> to vector<1x1x16xf32>
      tpu.vector_store %arg8[%swap3A_1620, %swap3A_1621, %swap3A_1622], %swap3A_1625 {add = true, strides = array<i32>} : memref<8x200x32xf32, #tpu.memory_space<vmem>>, vector<1x1x16xf32>,
      %swap3A_1626 = arith.constant 3 : i32
      %swap3A_1627 = arith.index_cast %swap3A_1626 : i32 to index
      %swap3A_1628 = arith.index_cast %scan3A_1570 : i32 to index
      %swap3A_1629 = arith.constant 16 : index
      %swap3A_1630 = tpu.vector_load %arg8[%swap3A_1627, %swap3A_1628, %swap3A_1629] {strides = array<i32>} : memref<8x200x32xf32, #tpu.memory_space<vmem>>, vector<1x1x16xf32>,
      %swap3A_1631 = vector.shape_cast %swap3A_1630 : vector<1x1x16xf32> to vector<16xf32>
      %swap3A_1632 = vector.shape_cast %get3A_1577 : vector<16xf32> to vector<1x1x16xf32>
      tpu.vector_store %arg8[%swap3A_1627, %swap3A_1628, %swap3A_1629], %swap3A_1632 {add = true, strides = array<i32>} : memref<8x200x32xf32, #tpu.memory_space<vmem>>, vector<1x1x16xf32>,
      %swap3A_1633 = arith.constant 4 : i32
      %swap3A_1634 = arith.index_cast %swap3A_1633 : i32 to index
      %swap3A_1635 = arith.index_cast %scan3A_1570 : i32 to index
      %swap3A_1636 = arith.constant 0 : index
      %swap3A_1637 = tpu.vector_load %arg8[%swap3A_1634, %swap3A_1635, %swap3A_1636] {strides = array<i32>} : memref<8x200x32xf32, #tpu.memory_space<vmem>>, vector<1x1x16xf32>,
      %swap3A_1638 = vector.shape_cast %swap3A_1637 : vector<1x1x16xf32> to vector<16xf32>
      %swap3A_1639 = vector.shape_cast %get3A_1573 : vector<16xf32> to vector<1x1x16xf32>
      tpu.vector_store %arg8[%swap3A_1634, %swap3A_1635, %swap3A_1636], %swap3A_1639 {add = true, strides = array<i32>} : memref<8x200x32xf32, #tpu.memory_space<vmem>>, vector<1x1x16xf32>,
      %swap3A_1640 = arith.constant 4 : i32
      %swap3A_1641 = arith.index_cast %swap3A_1640 : i32 to index
      %swap3A_1642 = arith.index_cast %scan3A_1570 : i32 to index
      %swap3A_1643 = arith.constant 16 : index
      %swap3A_1644 = tpu.vector_load %arg8[%swap3A_1641, %swap3A_1642, %swap3A_1643] {strides = array<i32>} : memref<8x200x32xf32, #tpu.memory_space<vmem>>, vector<1x1x16xf32>,
      %swap3A_1645 = vector.shape_cast %swap3A_1644 : vector<1x1x16xf32> to vector<16xf32>
      %swap3A_1646 = vector.shape_cast %get3A_1577 : vector<16xf32> to vector<1x1x16xf32>
      tpu.vector_store %arg8[%swap3A_1641, %swap3A_1642, %swap3A_1643], %swap3A_1646 {add = true, strides = array<i32>} : memref<8x200x32xf32, #tpu.memory_space<vmem>>, vector<1x1x16xf32>,
      %swap3A_1647 = arith.constant 5 : i32
      %swap3A_1648 = arith.index_cast %swap3A_1647 : i32 to index
      %swap3A_1649 = arith.index_cast %scan3A_1570 : i32 to index
      %swap3A_1650 = arith.constant 0 : index
      %swap3A_1651 = tpu.vector_load %arg8[%swap3A_1648, %swap3A_1649, %swap3A_1650] {strides = array<i32>} : memref<8x200x32xf32, #tpu.memory_space<vmem>>, vector<1x1x16xf32>,
      %swap3A_1652 = vector.shape_cast %swap3A_1651 : vector<1x1x16xf32> to vector<16xf32>
      %swap3A_1653 = vector.shape_cast %get3A_1573 : vector<16xf32> to vector<1x1x16xf32>
      tpu.vector_store %arg8[%swap3A_1648, %swap3A_1649, %swap3A_1650], %swap3A_1653 {add = true, strides = array<i32>} : memref<8x200x32xf32, #tpu.memory_space<vmem>>, vector<1x1x16xf32>,
      %swap3A_1654 = arith.constant 5 : i32
      %swap3A_1655 = arith.index_cast %swap3A_1654 : i32 to index
      %swap3A_1656 = arith.index_cast %scan3A_1570 : i32 to index
      %swap3A_1657 = arith.constant 16 : index
      %swap3A_1658 = tpu.vector_load %arg8[%swap3A_1655, %swap3A_1656, %swap3A_1657] {strides = array<i32>} : memref<8x200x32xf32, #tpu.memory_space<vmem>>, vector<1x1x16xf32>,
      %swap3A_1659 = vector.shape_cast %swap3A_1658 : vector<1x1x16xf32> to vector<16xf32>
      %swap3A_1660 = vector.shape_cast %get3A_1577 : vector<16xf32> to vector<1x1x16xf32>
      tpu.vector_store %arg8[%swap3A_1655, %swap3A_1656, %swap3A_1657], %swap3A_1660 {add = true, strides = array<i32>} : memref<8x200x32xf32, #tpu.memory_space<vmem>>, vector<1x1x16xf32>,
      %swap3A_1661 = arith.constant 6 : i32
      %swap3A_1662 = arith.index_cast %swap3A_1661 : i32 to index
      %swap3A_1663 = arith.index_cast %scan3A_1570 : i32 to index
      %swap3A_1664 = arith.constant 0 : index
      %swap3A_1665 = tpu.vector_load %arg8[%swap3A_1662, %swap3A_1663, %swap3A_1664] {strides = array<i32>} : memref<8x200x32xf32, #tpu.memory_space<vmem>>, vector<1x1x16xf32>,
      %swap3A_1666 = vector.shape_cast %swap3A_1665 : vector<1x1x16xf32> to vector<16xf32>
      %swap3A_1667 = vector.shape_cast %get3A_1573 : vector<16xf32> to vector<1x1x16xf32>
      tpu.vector_store %arg8[%swap3A_1662, %swap3A_1663, %swap3A_1664], %swap3A_1667 {add = true, strides = array<i32>} : memref<8x200x32xf32, #tpu.memory_space<vmem>>, vector<1x1x16xf32>,
      %swap3A_1668 = arith.constant 6 : i32
      %swap3A_1669 = arith.index_cast %swap3A_1668 : i32 to index
      %swap3A_1670 = arith.index_cast %scan3A_1570 : i32 to index
      %swap3A_1671 = arith.constant 16 : index
      %swap3A_1672 = tpu.vector_load %arg8[%swap3A_1669, %swap3A_1670, %swap3A_1671] {strides = array<i32>} : memref<8x200x32xf32, #tpu.memory_space<vmem>>, vector<1x1x16xf32>,
      %swap3A_1673 = vector.shape_cast %swap3A_1672 : vector<1x1x16xf32> to vector<16xf32>
      %swap3A_1674 = vector.shape_cast %get3A_1577 : vector<16xf32> to vector<1x1x16xf32>
      tpu.vector_store %arg8[%swap3A_1669, %swap3A_1670, %swap3A_1671], %swap3A_1674 {add = true, strides = array<i32>} : memref<8x200x32xf32, #tpu.memory_space<vmem>>, vector<1x1x16xf32>,
      %swap3A_1675 = arith.constant 7 : i32
      %swap3A_1676 = arith.index_cast %swap3A_1675 : i32 to index
      %swap3A_1677 = arith.index_cast %scan3A_1570 : i32 to index
      %swap3A_1678 = arith.constant 0 : index
      %swap3A_1679 = tpu.vector_load %arg8[%swap3A_1676, %swap3A_1677, %swap3A_1678] {strides = array<i32>} : memref<8x200x32xf32, #tpu.memory_space<vmem>>, vector<1x1x16xf32>,
      %swap3A_1680 = vector.shape_cast %swap3A_1679 : vector<1x1x16xf32> to vector<16xf32>
      %swap3A_1681 = vector.shape_cast %get3A_1573 : vector<16xf32> to vector<1x1x16xf32>
      tpu.vector_store %arg8[%swap3A_1676, %swap3A_1677, %swap3A_1678], %swap3A_1681 {add = true, strides = array<i32>} : memref<8x200x32xf32, #tpu.memory_space<vmem>>, vector<1x1x16xf32>,
      %swap3A_1682 = arith.constant 7 : i32
      %swap3A_1683 = arith.index_cast %swap3A_1682 : i32 to index
      %swap3A_1684 = arith.index_cast %scan3A_1570 : i32 to index
      %swap3A_1685 = arith.constant 16 : index
      %swap3A_1686 = tpu.vector_load %arg8[%swap3A_1683, %swap3A_1684, %swap3A_1685] {strides = array<i32>} : memref<8x200x32xf32, #tpu.memory_space<vmem>>, vector<1x1x16xf32>,
      %swap3A_1687 = vector.shape_cast %swap3A_1686 : vector<1x1x16xf32> to vector<16xf32>
      %swap3A_1688 = vector.shape_cast %get3A_1577 : vector<16xf32> to vector<1x1x16xf32>
      tpu.vector_store %arg8[%swap3A_1683, %swap3A_1684, %swap3A_1685], %swap3A_1688 {add = true, strides = array<i32>} : memref<8x200x32xf32, #tpu.memory_space<vmem>>, vector<1x1x16xf32>,
    }
    %scan3A_1172 = arith.constant 200 : i32
    %mul3A_1173 = arith.constant 32 : i32
    %mul3A_1174 = arith.muli %add3A, %mul3A_1173 : i32
    %add3A_1175 = arith.constant 16 : i32
    %add3A_1176 = arith.addi %mul3A_1174, %add3A_1175 : i32
    "tpu.region"() ({
      %run_scoped3A = tpu.sem_alloc : memref<!tpu.dma_semaphore, #tpu.memory_space<semaphore_mem>>
      %dma_start3A_1570 = arith.constant 0 : i32
      %dma_start3A_1571 = arith.constant 0 : i32
      %dma_start3A_1572 = tpu.memref_slice %arg5[%add3A_1176, %dma_start3A_1570, %dma_start3A_1571] : memref<1024x200x32xf32, #tpu.memory_space<hbm>> -> memref<8x200x32xf32, #tpu.memory_space<hbm>>
      %dma_start3A_1573 = arith.constant 0 : i32
      %dma_start3A_1574 = arith.constant 0 : i32
      %dma_start3A_1575 = tpu.memref_slice %arg5[%add3A_1176, %dma_start3A_1573, %dma_start3A_1574] : memref<1024x200x32xf32, #tpu.memory_space<hbm>> -> memref<8x200x32xf32, #tpu.memory_space<hbm>>
      tpu.enqueue_dma source(%arg8 : memref<8x200x32xf32, #tpu.memory_space<vmem>>) target(%dma_start3A_1575 : memref<8x200x32xf32, #tpu.memory_space<hbm>>) target_semaphore(%run_scoped3A : memref<!tpu.dma_semaphore, #tpu.memory_space<semaphore_mem>>)
      %dma_wait3A_1576 = arith.constant 0 : i32
      %dma_wait3A_1577 = arith.constant 0 : i32
      %dma_wait3A_1578 = tpu.memref_slice %arg5[%add3A_1176, %dma_wait3A_1576, %dma_wait3A_1577] : memref<1024x200x32xf32, #tpu.memory_space<hbm>> -> memref<8x200x32xf32, #tpu.memory_space<hbm>>
      %dma_wait3A_1579 = arith.constant 0 : i32
      %dma_wait3A_1580 = arith.constant 0 : i32
      %dma_wait3A_1581 = tpu.memref_slice %arg5[%add3A_1176, %dma_wait3A_1579, %dma_wait3A_1580] : memref<1024x200x32xf32, #tpu.memory_space<hbm>> -> memref<8x200x32xf32, #tpu.memory_space<hbm>>
      tpu.wait_dma2 semaphore(%run_scoped3A : memref<!tpu.dma_semaphore, #tpu.memory_space<semaphore_mem>>) src(%arg8 : memref<8x200x32xf32, #tpu.memory_space<vmem>>) dst(%dma_wait3A_1581 : memref<8x200x32xf32, #tpu.memory_space<hbm>>)
      tpu.yield
    }) : () -> ()
    %dma_start3A_1177 = arith.constant 48 : i32
    %dma_start3A_1178 = arith.constant 0 : i32
    %dma_start3A_1179 = arith.constant 0 : i32
    %dma_start3A_1180 = arith.constant 0 : i32
    %dma_start3A_1181 = tpu.memref_slice %arg8[%dma_start3A_1178, %dma_start3A_1179, %dma_start3A_1180] : memref<8x200x32xf32, #tpu.memory_space<vmem>> -> memref<1x100x32xf32, #tpu.memory_space<vmem>>
    %dma_start3A_1182 = tpu.memref_squeeze %dma_start3A_1181 : memref<1x100x32xf32, #tpu.memory_space<vmem>> -> memref<100x32xf32, #tpu.memory_space<vmem>>
    %dma_start3A_1183 = arith.constant 0 : i32
    %dma_start3A_1184 = tpu.memref_slice %arg6[%dma_start3A_1177, %dma_start3A_1183] : memref<64x100xi32, #tpu.memory_space<vmem>> -> memref<1x100xi32, #tpu.memory_space<vmem>>
    %dma_start3A_1185 = tpu.memref_squeeze %dma_start3A_1184 : memref<1x100xi32, #tpu.memory_space<vmem>> -> memref<100xi32, #tpu.memory_space<vmem>>
    %dma_start3A_1186 = arith.constant 0 : i32
    %dma_start3A_1187 = arith.constant 0 : i32
    %dma_start3A_1188 = tpu.memref_slice %arg3[%dma_start3A_1186, %dma_start3A_1187] : memref<1000000x32xf32, #tpu.memory_space<hbm>> -> memref<1000000x32xf32, #tpu.memory_space<hbm>>
    tpu.enqueue_indirect_dma source(%dma_start3A_1188 : memref<1000000x32xf32, #tpu.memory_space<hbm>>) target(%dma_start3A_1182 : memref<100x32xf32, #tpu.memory_space<vmem>>) offsets(%dma_start3A_1185 : memref<100xi32, #tpu.memory_space<vmem>>) semaphore(%arg9 : memref<!tpu.dma_semaphore, #tpu.memory_space<semaphore_mem>>)
    %dma_start3A_1189 = arith.constant 49 : i32
    %dma_start3A_1190 = arith.constant 0 : i32
    %dma_start3A_1191 = arith.constant 100 : i32
    %dma_start3A_1192 = arith.constant 0 : i32
    %dma_start3A_1193 = tpu.memref_slice %arg8[%dma_start3A_1190, %dma_start3A_1191, %dma_start3A_1192] : memref<8x200x32xf32, #tpu.memory_space<vmem>> -> memref<1x100x32xf32, #tpu.memory_space<vmem>>
    %dma_start3A_1194 = tpu.memref_squeeze %dma_start3A_1193 : memref<1x100x32xf32, #tpu.memory_space<vmem>> -> memref<100x32xf32, #tpu.memory_space<vmem>>
    %dma_start3A_1195 = arith.constant 0 : i32
    %dma_start3A_1196 = tpu.memref_slice %arg6[%dma_start3A_1189, %dma_start3A_1195] : memref<64x100xi32, #tpu.memory_space<vmem>> -> memref<1x100xi32, #tpu.memory_space<vmem>>
    %dma_start3A_1197 = tpu.memref_squeeze %dma_start3A_1196 : memref<1x100xi32, #tpu.memory_space<vmem>> -> memref<100xi32, #tpu.memory_space<vmem>>
    %dma_start3A_1198 = arith.constant 0 : i32
    %dma_start3A_1199 = arith.constant 0 : i32
    %dma_start3A_1200 = tpu.memref_slice %arg3[%dma_start3A_1198, %dma_start3A_1199] : memref<1000000x32xf32, #tpu.memory_space<hbm>> -> memref<1000000x32xf32, #tpu.memory_space<hbm>>
    tpu.enqueue_indirect_dma source(%dma_start3A_1200 : memref<1000000x32xf32, #tpu.memory_space<hbm>>) target(%dma_start3A_1194 : memref<100x32xf32, #tpu.memory_space<vmem>>) offsets(%dma_start3A_1197 : memref<100xi32, #tpu.memory_space<vmem>>) semaphore(%arg9 : memref<!tpu.dma_semaphore, #tpu.memory_space<semaphore_mem>>)
    %dma_start3A_1201 = arith.constant 50 : i32
    %dma_start3A_1202 = arith.constant 1 : i32
    %dma_start3A_1203 = arith.constant 0 : i32
    %dma_start3A_1204 = arith.constant 0 : i32
    %dma_start3A_1205 = tpu.memref_slice %arg8[%dma_start3A_1202, %dma_start3A_1203, %dma_start3A_1204] : memref<8x200x32xf32, #tpu.memory_space<vmem>> -> memref<1x100x32xf32, #tpu.memory_space<vmem>>
    %dma_start3A_1206 = tpu.memref_squeeze %dma_start3A_1205 : memref<1x100x32xf32, #tpu.memory_space<vmem>> -> memref<100x32xf32, #tpu.memory_space<vmem>>
    %dma_start3A_1207 = arith.constant 0 : i32
    %dma_start3A_1208 = tpu.memref_slice %arg6[%dma_start3A_1201, %dma_start3A_1207] : memref<64x100xi32, #tpu.memory_space<vmem>> -> memref<1x100xi32, #tpu.memory_space<vmem>>
    %dma_start3A_1209 = tpu.memref_squeeze %dma_start3A_1208 : memref<1x100xi32, #tpu.memory_space<vmem>> -> memref<100xi32, #tpu.memory_space<vmem>>
    %dma_start3A_1210 = arith.constant 0 : i32
    %dma_start3A_1211 = arith.constant 0 : i32
    %dma_start3A_1212 = tpu.memref_slice %arg3[%dma_start3A_1210, %dma_start3A_1211] : memref<1000000x32xf32, #tpu.memory_space<hbm>> -> memref<1000000x32xf32, #tpu.memory_space<hbm>>
    tpu.enqueue_indirect_dma source(%dma_start3A_1212 : memref<1000000x32xf32, #tpu.memory_space<hbm>>) target(%dma_start3A_1206 : memref<100x32xf32, #tpu.memory_space<vmem>>) offsets(%dma_start3A_1209 : memref<100xi32, #tpu.memory_space<vmem>>) semaphore(%arg9 : memref<!tpu.dma_semaphore, #tpu.memory_space<semaphore_mem>>)
    %dma_start3A_1213 = arith.constant 51 : i32
    %dma_start3A_1214 = arith.constant 1 : i32
    %dma_start3A_1215 = arith.constant 100 : i32
    %dma_start3A_1216 = arith.constant 0 : i32
    %dma_start3A_1217 = tpu.memref_slice %arg8[%dma_start3A_1214, %dma_start3A_1215, %dma_start3A_1216] : memref<8x200x32xf32, #tpu.memory_space<vmem>> -> memref<1x100x32xf32, #tpu.memory_space<vmem>>
    %dma_start3A_1218 = tpu.memref_squeeze %dma_start3A_1217 : memref<1x100x32xf32, #tpu.memory_space<vmem>> -> memref<100x32xf32, #tpu.memory_space<vmem>>
    %dma_start3A_1219 = arith.constant 0 : i32
    %dma_start3A_1220 = tpu.memref_slice %arg6[%dma_start3A_1213, %dma_start3A_1219] : memref<64x100xi32, #tpu.memory_space<vmem>> -> memref<1x100xi32, #tpu.memory_space<vmem>>
    %dma_start3A_1221 = tpu.memref_squeeze %dma_start3A_1220 : memref<1x100xi32, #tpu.memory_space<vmem>> -> memref<100xi32, #tpu.memory_space<vmem>>
    %dma_start3A_1222 = arith.constant 0 : i32
    %dma_start3A_1223 = arith.constant 0 : i32
    %dma_start3A_1224 = tpu.memref_slice %arg3[%dma_start3A_1222, %dma_start3A_1223] : memref<1000000x32xf32, #tpu.memory_space<hbm>> -> memref<1000000x32xf32, #tpu.memory_space<hbm>>
    tpu.enqueue_indirect_dma source(%dma_start3A_1224 : memref<1000000x32xf32, #tpu.memory_space<hbm>>) target(%dma_start3A_1218 : memref<100x32xf32, #tpu.memory_space<vmem>>) offsets(%dma_start3A_1221 : memref<100xi32, #tpu.memory_space<vmem>>) semaphore(%arg9 : memref<!tpu.dma_semaphore, #tpu.memory_space<semaphore_mem>>)
    %dma_start3A_1225 = arith.constant 52 : i32
    %dma_start3A_1226 = arith.constant 2 : i32
    %dma_start3A_1227 = arith.constant 0 : i32
    %dma_start3A_1228 = arith.constant 0 : i32
    %dma_start3A_1229 = tpu.memref_slice %arg8[%dma_start3A_1226, %dma_start3A_1227, %dma_start3A_1228] : memref<8x200x32xf32, #tpu.memory_space<vmem>> -> memref<1x100x32xf32, #tpu.memory_space<vmem>>
    %dma_start3A_1230 = tpu.memref_squeeze %dma_start3A_1229 : memref<1x100x32xf32, #tpu.memory_space<vmem>> -> memref<100x32xf32, #tpu.memory_space<vmem>>
    %dma_start3A_1231 = arith.constant 0 : i32
    %dma_start3A_1232 = tpu.memref_slice %arg6[%dma_start3A_1225, %dma_start3A_1231] : memref<64x100xi32, #tpu.memory_space<vmem>> -> memref<1x100xi32, #tpu.memory_space<vmem>>
    %dma_start3A_1233 = tpu.memref_squeeze %dma_start3A_1232 : memref<1x100xi32, #tpu.memory_space<vmem>> -> memref<100xi32, #tpu.memory_space<vmem>>
    %dma_start3A_1234 = arith.constant 0 : i32
    %dma_start3A_1235 = arith.constant 0 : i32
    %dma_start3A_1236 = tpu.memref_slice %arg3[%dma_start3A_1234, %dma_start3A_1235] : memref<1000000x32xf32, #tpu.memory_space<hbm>> -> memref<1000000x32xf32, #tpu.memory_space<hbm>>
    tpu.enqueue_indirect_dma source(%dma_start3A_1236 : memref<1000000x32xf32, #tpu.memory_space<hbm>>) target(%dma_start3A_1230 : memref<100x32xf32, #tpu.memory_space<vmem>>) offsets(%dma_start3A_1233 : memref<100xi32, #tpu.memory_space<vmem>>) semaphore(%arg9 : memref<!tpu.dma_semaphore, #tpu.memory_space<semaphore_mem>>)
    %dma_start3A_1237 = arith.constant 53 : i32
    %dma_start3A_1238 = arith.constant 2 : i32
    %dma_start3A_1239 = arith.constant 100 : i32
    %dma_start3A_1240 = arith.constant 0 : i32
    %dma_start3A_1241 = tpu.memref_slice %arg8[%dma_start3A_1238, %dma_start3A_1239, %dma_start3A_1240] : memref<8x200x32xf32, #tpu.memory_space<vmem>> -> memref<1x100x32xf32, #tpu.memory_space<vmem>>
    %dma_start3A_1242 = tpu.memref_squeeze %dma_start3A_1241 : memref<1x100x32xf32, #tpu.memory_space<vmem>> -> memref<100x32xf32, #tpu.memory_space<vmem>>
    %dma_start3A_1243 = arith.constant 0 : i32
    %dma_start3A_1244 = tpu.memref_slice %arg6[%dma_start3A_1237, %dma_start3A_1243] : memref<64x100xi32, #tpu.memory_space<vmem>> -> memref<1x100xi32, #tpu.memory_space<vmem>>
    %dma_start3A_1245 = tpu.memref_squeeze %dma_start3A_1244 : memref<1x100xi32, #tpu.memory_space<vmem>> -> memref<100xi32, #tpu.memory_space<vmem>>
    %dma_start3A_1246 = arith.constant 0 : i32
    %dma_start3A_1247 = arith.constant 0 : i32
    %dma_start3A_1248 = tpu.memref_slice %arg3[%dma_start3A_1246, %dma_start3A_1247] : memref<1000000x32xf32, #tpu.memory_space<hbm>> -> memref<1000000x32xf32, #tpu.memory_space<hbm>>
    tpu.enqueue_indirect_dma source(%dma_start3A_1248 : memref<1000000x32xf32, #tpu.memory_space<hbm>>) target(%dma_start3A_1242 : memref<100x32xf32, #tpu.memory_space<vmem>>) offsets(%dma_start3A_1245 : memref<100xi32, #tpu.memory_space<vmem>>) semaphore(%arg9 : memref<!tpu.dma_semaphore, #tpu.memory_space<semaphore_mem>>)
    %dma_start3A_1249 = arith.constant 54 : i32
    %dma_start3A_1250 = arith.constant 3 : i32
    %dma_start3A_1251 = arith.constant 0 : i32
    %dma_start3A_1252 = arith.constant 0 : i32
    %dma_start3A_1253 = tpu.memref_slice %arg8[%dma_start3A_1250, %dma_start3A_1251, %dma_start3A_1252] : memref<8x200x32xf32, #tpu.memory_space<vmem>> -> memref<1x100x32xf32, #tpu.memory_space<vmem>>
    %dma_start3A_1254 = tpu.memref_squeeze %dma_start3A_1253 : memref<1x100x32xf32, #tpu.memory_space<vmem>> -> memref<100x32xf32, #tpu.memory_space<vmem>>
    %dma_start3A_1255 = arith.constant 0 : i32
    %dma_start3A_1256 = tpu.memref_slice %arg6[%dma_start3A_1249, %dma_start3A_1255] : memref<64x100xi32, #tpu.memory_space<vmem>> -> memref<1x100xi32, #tpu.memory_space<vmem>>
    %dma_start3A_1257 = tpu.memref_squeeze %dma_start3A_1256 : memref<1x100xi32, #tpu.memory_space<vmem>> -> memref<100xi32, #tpu.memory_space<vmem>>
    %dma_start3A_1258 = arith.constant 0 : i32
    %dma_start3A_1259 = arith.constant 0 : i32
    %dma_start3A_1260 = tpu.memref_slice %arg3[%dma_start3A_1258, %dma_start3A_1259] : memref<1000000x32xf32, #tpu.memory_space<hbm>> -> memref<1000000x32xf32, #tpu.memory_space<hbm>>
    tpu.enqueue_indirect_dma source(%dma_start3A_1260 : memref<1000000x32xf32, #tpu.memory_space<hbm>>) target(%dma_start3A_1254 : memref<100x32xf32, #tpu.memory_space<vmem>>) offsets(%dma_start3A_1257 : memref<100xi32, #tpu.memory_space<vmem>>) semaphore(%arg9 : memref<!tpu.dma_semaphore, #tpu.memory_space<semaphore_mem>>)
    %dma_start3A_1261 = arith.constant 55 : i32
    %dma_start3A_1262 = arith.constant 3 : i32
    %dma_start3A_1263 = arith.constant 100 : i32
    %dma_start3A_1264 = arith.constant 0 : i32
    %dma_start3A_1265 = tpu.memref_slice %arg8[%dma_start3A_1262, %dma_start3A_1263, %dma_start3A_1264] : memref<8x200x32xf32, #tpu.memory_space<vmem>> -> memref<1x100x32xf32, #tpu.memory_space<vmem>>
    %dma_start3A_1266 = tpu.memref_squeeze %dma_start3A_1265 : memref<1x100x32xf32, #tpu.memory_space<vmem>> -> memref<100x32xf32, #tpu.memory_space<vmem>>
    %dma_start3A_1267 = arith.constant 0 : i32
    %dma_start3A_1268 = tpu.memref_slice %arg6[%dma_start3A_1261, %dma_start3A_1267] : memref<64x100xi32, #tpu.memory_space<vmem>> -> memref<1x100xi32, #tpu.memory_space<vmem>>
    %dma_start3A_1269 = tpu.memref_squeeze %dma_start3A_1268 : memref<1x100xi32, #tpu.memory_space<vmem>> -> memref<100xi32, #tpu.memory_space<vmem>>
    %dma_start3A_1270 = arith.constant 0 : i32
    %dma_start3A_1271 = arith.constant 0 : i32
    %dma_start3A_1272 = tpu.memref_slice %arg3[%dma_start3A_1270, %dma_start3A_1271] : memref<1000000x32xf32, #tpu.memory_space<hbm>> -> memref<1000000x32xf32, #tpu.memory_space<hbm>>
    tpu.enqueue_indirect_dma source(%dma_start3A_1272 : memref<1000000x32xf32, #tpu.memory_space<hbm>>) target(%dma_start3A_1266 : memref<100x32xf32, #tpu.memory_space<vmem>>) offsets(%dma_start3A_1269 : memref<100xi32, #tpu.memory_space<vmem>>) semaphore(%arg9 : memref<!tpu.dma_semaphore, #tpu.memory_space<semaphore_mem>>)
    %dma_start3A_1273 = arith.constant 56 : i32
    %dma_start3A_1274 = arith.constant 4 : i32
    %dma_start3A_1275 = arith.constant 0 : i32
    %dma_start3A_1276 = arith.constant 0 : i32
    %dma_start3A_1277 = tpu.memref_slice %arg8[%dma_start3A_1274, %dma_start3A_1275, %dma_start3A_1276] : memref<8x200x32xf32, #tpu.memory_space<vmem>> -> memref<1x100x32xf32, #tpu.memory_space<vmem>>
    %dma_start3A_1278 = tpu.memref_squeeze %dma_start3A_1277 : memref<1x100x32xf32, #tpu.memory_space<vmem>> -> memref<100x32xf32, #tpu.memory_space<vmem>>
    %dma_start3A_1279 = arith.constant 0 : i32
    %dma_start3A_1280 = tpu.memref_slice %arg6[%dma_start3A_1273, %dma_start3A_1279] : memref<64x100xi32, #tpu.memory_space<vmem>> -> memref<1x100xi32, #tpu.memory_space<vmem>>
    %dma_start3A_1281 = tpu.memref_squeeze %dma_start3A_1280 : memref<1x100xi32, #tpu.memory_space<vmem>> -> memref<100xi32, #tpu.memory_space<vmem>>
    %dma_start3A_1282 = arith.constant 0 : i32
    %dma_start3A_1283 = arith.constant 0 : i32
    %dma_start3A_1284 = tpu.memref_slice %arg3[%dma_start3A_1282, %dma_start3A_1283] : memref<1000000x32xf32, #tpu.memory_space<hbm>> -> memref<1000000x32xf32, #tpu.memory_space<hbm>>
    tpu.enqueue_indirect_dma source(%dma_start3A_1284 : memref<1000000x32xf32, #tpu.memory_space<hbm>>) target(%dma_start3A_1278 : memref<100x32xf32, #tpu.memory_space<vmem>>) offsets(%dma_start3A_1281 : memref<100xi32, #tpu.memory_space<vmem>>) semaphore(%arg9 : memref<!tpu.dma_semaphore, #tpu.memory_space<semaphore_mem>>)
    %dma_start3A_1285 = arith.constant 57 : i32
    %dma_start3A_1286 = arith.constant 4 : i32
    %dma_start3A_1287 = arith.constant 100 : i32
    %dma_start3A_1288 = arith.constant 0 : i32
    %dma_start3A_1289 = tpu.memref_slice %arg8[%dma_start3A_1286, %dma_start3A_1287, %dma_start3A_1288] : memref<8x200x32xf32, #tpu.memory_space<vmem>> -> memref<1x100x32xf32, #tpu.memory_space<vmem>>
    %dma_start3A_1290 = tpu.memref_squeeze %dma_start3A_1289 : memref<1x100x32xf32, #tpu.memory_space<vmem>> -> memref<100x32xf32, #tpu.memory_space<vmem>>
    %dma_start3A_1291 = arith.constant 0 : i32
    %dma_start3A_1292 = tpu.memref_slice %arg6[%dma_start3A_1285, %dma_start3A_1291] : memref<64x100xi32, #tpu.memory_space<vmem>> -> memref<1x100xi32, #tpu.memory_space<vmem>>
    %dma_start3A_1293 = tpu.memref_squeeze %dma_start3A_1292 : memref<1x100xi32, #tpu.memory_space<vmem>> -> memref<100xi32, #tpu.memory_space<vmem>>
    %dma_start3A_1294 = arith.constant 0 : i32
    %dma_start3A_1295 = arith.constant 0 : i32
    %dma_start3A_1296 = tpu.memref_slice %arg3[%dma_start3A_1294, %dma_start3A_1295] : memref<1000000x32xf32, #tpu.memory_space<hbm>> -> memref<1000000x32xf32, #tpu.memory_space<hbm>>
    tpu.enqueue_indirect_dma source(%dma_start3A_1296 : memref<1000000x32xf32, #tpu.memory_space<hbm>>) target(%dma_start3A_1290 : memref<100x32xf32, #tpu.memory_space<vmem>>) offsets(%dma_start3A_1293 : memref<100xi32, #tpu.memory_space<vmem>>) semaphore(%arg9 : memref<!tpu.dma_semaphore, #tpu.memory_space<semaphore_mem>>)
    %dma_start3A_1297 = arith.constant 58 : i32
    %dma_start3A_1298 = arith.constant 5 : i32
    %dma_start3A_1299 = arith.constant 0 : i32
    %dma_start3A_1300 = arith.constant 0 : i32
    %dma_start3A_1301 = tpu.memref_slice %arg8[%dma_start3A_1298, %dma_start3A_1299, %dma_start3A_1300] : memref<8x200x32xf32, #tpu.memory_space<vmem>> -> memref<1x100x32xf32, #tpu.memory_space<vmem>>
    %dma_start3A_1302 = tpu.memref_squeeze %dma_start3A_1301 : memref<1x100x32xf32, #tpu.memory_space<vmem>> -> memref<100x32xf32, #tpu.memory_space<vmem>>
    %dma_start3A_1303 = arith.constant 0 : i32
    %dma_start3A_1304 = tpu.memref_slice %arg6[%dma_start3A_1297, %dma_start3A_1303] : memref<64x100xi32, #tpu.memory_space<vmem>> -> memref<1x100xi32, #tpu.memory_space<vmem>>
    %dma_start3A_1305 = tpu.memref_squeeze %dma_start3A_1304 : memref<1x100xi32, #tpu.memory_space<vmem>> -> memref<100xi32, #tpu.memory_space<vmem>>
    %dma_start3A_1306 = arith.constant 0 : i32
    %dma_start3A_1307 = arith.constant 0 : i32
    %dma_start3A_1308 = tpu.memref_slice %arg3[%dma_start3A_1306, %dma_start3A_1307] : memref<1000000x32xf32, #tpu.memory_space<hbm>> -> memref<1000000x32xf32, #tpu.memory_space<hbm>>
    tpu.enqueue_indirect_dma source(%dma_start3A_1308 : memref<1000000x32xf32, #tpu.memory_space<hbm>>) target(%dma_start3A_1302 : memref<100x32xf32, #tpu.memory_space<vmem>>) offsets(%dma_start3A_1305 : memref<100xi32, #tpu.memory_space<vmem>>) semaphore(%arg9 : memref<!tpu.dma_semaphore, #tpu.memory_space<semaphore_mem>>)
    %dma_start3A_1309 = arith.constant 59 : i32
    %dma_start3A_1310 = arith.constant 5 : i32
    %dma_start3A_1311 = arith.constant 100 : i32
    %dma_start3A_1312 = arith.constant 0 : i32
    %dma_start3A_1313 = tpu.memref_slice %arg8[%dma_start3A_1310, %dma_start3A_1311, %dma_start3A_1312] : memref<8x200x32xf32, #tpu.memory_space<vmem>> -> memref<1x100x32xf32, #tpu.memory_space<vmem>>
    %dma_start3A_1314 = tpu.memref_squeeze %dma_start3A_1313 : memref<1x100x32xf32, #tpu.memory_space<vmem>> -> memref<100x32xf32, #tpu.memory_space<vmem>>
    %dma_start3A_1315 = arith.constant 0 : i32
    %dma_start3A_1316 = tpu.memref_slice %arg6[%dma_start3A_1309, %dma_start3A_1315] : memref<64x100xi32, #tpu.memory_space<vmem>> -> memref<1x100xi32, #tpu.memory_space<vmem>>
    %dma_start3A_1317 = tpu.memref_squeeze %dma_start3A_1316 : memref<1x100xi32, #tpu.memory_space<vmem>> -> memref<100xi32, #tpu.memory_space<vmem>>
    %dma_start3A_1318 = arith.constant 0 : i32
    %dma_start3A_1319 = arith.constant 0 : i32
    %dma_start3A_1320 = tpu.memref_slice %arg3[%dma_start3A_1318, %dma_start3A_1319] : memref<1000000x32xf32, #tpu.memory_space<hbm>> -> memref<1000000x32xf32, #tpu.memory_space<hbm>>
    tpu.enqueue_indirect_dma source(%dma_start3A_1320 : memref<1000000x32xf32, #tpu.memory_space<hbm>>) target(%dma_start3A_1314 : memref<100x32xf32, #tpu.memory_space<vmem>>) offsets(%dma_start3A_1317 : memref<100xi32, #tpu.memory_space<vmem>>) semaphore(%arg9 : memref<!tpu.dma_semaphore, #tpu.memory_space<semaphore_mem>>)
    %dma_start3A_1321 = arith.constant 60 : i32
    %dma_start3A_1322 = arith.constant 6 : i32
    %dma_start3A_1323 = arith.constant 0 : i32
    %dma_start3A_1324 = arith.constant 0 : i32
    %dma_start3A_1325 = tpu.memref_slice %arg8[%dma_start3A_1322, %dma_start3A_1323, %dma_start3A_1324] : memref<8x200x32xf32, #tpu.memory_space<vmem>> -> memref<1x100x32xf32, #tpu.memory_space<vmem>>
    %dma_start3A_1326 = tpu.memref_squeeze %dma_start3A_1325 : memref<1x100x32xf32, #tpu.memory_space<vmem>> -> memref<100x32xf32, #tpu.memory_space<vmem>>
    %dma_start3A_1327 = arith.constant 0 : i32
    %dma_start3A_1328 = tpu.memref_slice %arg6[%dma_start3A_1321, %dma_start3A_1327] : memref<64x100xi32, #tpu.memory_space<vmem>> -> memref<1x100xi32, #tpu.memory_space<vmem>>
    %dma_start3A_1329 = tpu.memref_squeeze %dma_start3A_1328 : memref<1x100xi32, #tpu.memory_space<vmem>> -> memref<100xi32, #tpu.memory_space<vmem>>
    %dma_start3A_1330 = arith.constant 0 : i32
    %dma_start3A_1331 = arith.constant 0 : i32
    %dma_start3A_1332 = tpu.memref_slice %arg3[%dma_start3A_1330, %dma_start3A_1331] : memref<1000000x32xf32, #tpu.memory_space<hbm>> -> memref<1000000x32xf32, #tpu.memory_space<hbm>>
    tpu.enqueue_indirect_dma source(%dma_start3A_1332 : memref<1000000x32xf32, #tpu.memory_space<hbm>>) target(%dma_start3A_1326 : memref<100x32xf32, #tpu.memory_space<vmem>>) offsets(%dma_start3A_1329 : memref<100xi32, #tpu.memory_space<vmem>>) semaphore(%arg9 : memref<!tpu.dma_semaphore, #tpu.memory_space<semaphore_mem>>)
    %dma_start3A_1333 = arith.constant 61 : i32
    %dma_start3A_1334 = arith.constant 6 : i32
    %dma_start3A_1335 = arith.constant 100 : i32
    %dma_start3A_1336 = arith.constant 0 : i32
    %dma_start3A_1337 = tpu.memref_slice %arg8[%dma_start3A_1334, %dma_start3A_1335, %dma_start3A_1336] : memref<8x200x32xf32, #tpu.memory_space<vmem>> -> memref<1x100x32xf32, #tpu.memory_space<vmem>>
    %dma_start3A_1338 = tpu.memref_squeeze %dma_start3A_1337 : memref<1x100x32xf32, #tpu.memory_space<vmem>> -> memref<100x32xf32, #tpu.memory_space<vmem>>
    %dma_start3A_1339 = arith.constant 0 : i32
    %dma_start3A_1340 = tpu.memref_slice %arg6[%dma_start3A_1333, %dma_start3A_1339] : memref<64x100xi32, #tpu.memory_space<vmem>> -> memref<1x100xi32, #tpu.memory_space<vmem>>
    %dma_start3A_1341 = tpu.memref_squeeze %dma_start3A_1340 : memref<1x100xi32, #tpu.memory_space<vmem>> -> memref<100xi32, #tpu.memory_space<vmem>>
    %dma_start3A_1342 = arith.constant 0 : i32
    %dma_start3A_1343 = arith.constant 0 : i32
    %dma_start3A_1344 = tpu.memref_slice %arg3[%dma_start3A_1342, %dma_start3A_1343] : memref<1000000x32xf32, #tpu.memory_space<hbm>> -> memref<1000000x32xf32, #tpu.memory_space<hbm>>
    tpu.enqueue_indirect_dma source(%dma_start3A_1344 : memref<1000000x32xf32, #tpu.memory_space<hbm>>) target(%dma_start3A_1338 : memref<100x32xf32, #tpu.memory_space<vmem>>) offsets(%dma_start3A_1341 : memref<100xi32, #tpu.memory_space<vmem>>) semaphore(%arg9 : memref<!tpu.dma_semaphore, #tpu.memory_space<semaphore_mem>>)
    %dma_start3A_1345 = arith.constant 62 : i32
    %dma_start3A_1346 = arith.constant 7 : i32
    %dma_start3A_1347 = arith.constant 0 : i32
    %dma_start3A_1348 = arith.constant 0 : i32
    %dma_start3A_1349 = tpu.memref_slice %arg8[%dma_start3A_1346, %dma_start3A_1347, %dma_start3A_1348] : memref<8x200x32xf32, #tpu.memory_space<vmem>> -> memref<1x100x32xf32, #tpu.memory_space<vmem>>
    %dma_start3A_1350 = tpu.memref_squeeze %dma_start3A_1349 : memref<1x100x32xf32, #tpu.memory_space<vmem>> -> memref<100x32xf32, #tpu.memory_space<vmem>>
    %dma_start3A_1351 = arith.constant 0 : i32
    %dma_start3A_1352 = tpu.memref_slice %arg6[%dma_start3A_1345, %dma_start3A_1351] : memref<64x100xi32, #tpu.memory_space<vmem>> -> memref<1x100xi32, #tpu.memory_space<vmem>>
    %dma_start3A_1353 = tpu.memref_squeeze %dma_start3A_1352 : memref<1x100xi32, #tpu.memory_space<vmem>> -> memref<100xi32, #tpu.memory_space<vmem>>
    %dma_start3A_1354 = arith.constant 0 : i32
    %dma_start3A_1355 = arith.constant 0 : i32
    %dma_start3A_1356 = tpu.memref_slice %arg3[%dma_start3A_1354, %dma_start3A_1355] : memref<1000000x32xf32, #tpu.memory_space<hbm>> -> memref<1000000x32xf32, #tpu.memory_space<hbm>>
    tpu.enqueue_indirect_dma source(%dma_start3A_1356 : memref<1000000x32xf32, #tpu.memory_space<hbm>>) target(%dma_start3A_1350 : memref<100x32xf32, #tpu.memory_space<vmem>>) offsets(%dma_start3A_1353 : memref<100xi32, #tpu.memory_space<vmem>>) semaphore(%arg9 : memref<!tpu.dma_semaphore, #tpu.memory_space<semaphore_mem>>)
    %dma_start3A_1357 = arith.constant 63 : i32
    %dma_start3A_1358 = arith.constant 7 : i32
    %dma_start3A_1359 = arith.constant 100 : i32
    %dma_start3A_1360 = arith.constant 0 : i32
    %dma_start3A_1361 = tpu.memref_slice %arg8[%dma_start3A_1358, %dma_start3A_1359, %dma_start3A_1360] : memref<8x200x32xf32, #tpu.memory_space<vmem>> -> memref<1x100x32xf32, #tpu.memory_space<vmem>>
    %dma_start3A_1362 = tpu.memref_squeeze %dma_start3A_1361 : memref<1x100x32xf32, #tpu.memory_space<vmem>> -> memref<100x32xf32, #tpu.memory_space<vmem>>
    %dma_start3A_1363 = arith.constant 0 : i32
    %dma_start3A_1364 = tpu.memref_slice %arg6[%dma_start3A_1357, %dma_start3A_1363] : memref<64x100xi32, #tpu.memory_space<vmem>> -> memref<1x100xi32, #tpu.memory_space<vmem>>
    %dma_start3A_1365 = tpu.memref_squeeze %dma_start3A_1364 : memref<1x100xi32, #tpu.memory_space<vmem>> -> memref<100xi32, #tpu.memory_space<vmem>>
    %dma_start3A_1366 = arith.constant 0 : i32
    %dma_start3A_1367 = arith.constant 0 : i32
    %dma_start3A_1368 = tpu.memref_slice %arg3[%dma_start3A_1366, %dma_start3A_1367] : memref<1000000x32xf32, #tpu.memory_space<hbm>> -> memref<1000000x32xf32, #tpu.memory_space<hbm>>
    tpu.enqueue_indirect_dma source(%dma_start3A_1368 : memref<1000000x32xf32, #tpu.memory_space<hbm>>) target(%dma_start3A_1362 : memref<100x32xf32, #tpu.memory_space<vmem>>) offsets(%dma_start3A_1365 : memref<100xi32, #tpu.memory_space<vmem>>) semaphore(%arg9 : memref<!tpu.dma_semaphore, #tpu.memory_space<semaphore_mem>>)
    %dma_wait3A_1369 = arith.constant 48 : i32
    %dma_wait3A_1370 = arith.constant 0 : i32
    %dma_wait3A_1371 = arith.constant 0 : i32
    %dma_wait3A_1372 = arith.constant 0 : i32
    %dma_wait3A_1373 = tpu.memref_slice %arg8[%dma_wait3A_1370, %dma_wait3A_1371, %dma_wait3A_1372] : memref<8x200x32xf32, #tpu.memory_space<vmem>> -> memref<1x100x32xf32, #tpu.memory_space<vmem>>
    %dma_wait3A_1374 = tpu.memref_squeeze %dma_wait3A_1373 : memref<1x100x32xf32, #tpu.memory_space<vmem>> -> memref<100x32xf32, #tpu.memory_space<vmem>>
    %dma_wait3A_1375 = arith.constant 0 : i32
    %dma_wait3A_1376 = tpu.memref_slice %arg6[%dma_wait3A_1369, %dma_wait3A_1375] : memref<64x100xi32, #tpu.memory_space<vmem>> -> memref<1x100xi32, #tpu.memory_space<vmem>>
    %dma_wait3A_1377 = tpu.memref_squeeze %dma_wait3A_1376 : memref<1x100xi32, #tpu.memory_space<vmem>> -> memref<100xi32, #tpu.memory_space<vmem>>
    %dma_wait3A_1378 = arith.constant 0 : i32
    %dma_wait3A_1379 = arith.constant 0 : i32
    %dma_wait3A_1380 = tpu.memref_slice %arg3[%dma_wait3A_1378, %dma_wait3A_1379] : memref<1000000x32xf32, #tpu.memory_space<hbm>> -> memref<1000000x32xf32, #tpu.memory_space<hbm>>
    tpu.wait_indirect_dma semaphore(%arg9 : memref<!tpu.dma_semaphore, #tpu.memory_space<semaphore_mem>>) src(%dma_wait3A_1380 : memref<1000000x32xf32, #tpu.memory_space<hbm>>) dst(%dma_wait3A_1374 : memref<100x32xf32, #tpu.memory_space<vmem>>)
    %dma_wait3A_1381 = arith.constant 49 : i32
    %dma_wait3A_1382 = arith.constant 0 : i32
    %dma_wait3A_1383 = arith.constant 100 : i32
    %dma_wait3A_1384 = arith.constant 0 : i32
    %dma_wait3A_1385 = tpu.memref_slice %arg8[%dma_wait3A_1382, %dma_wait3A_1383, %dma_wait3A_1384] : memref<8x200x32xf32, #tpu.memory_space<vmem>> -> memref<1x100x32xf32, #tpu.memory_space<vmem>>
    %dma_wait3A_1386 = tpu.memref_squeeze %dma_wait3A_1385 : memref<1x100x32xf32, #tpu.memory_space<vmem>> -> memref<100x32xf32, #tpu.memory_space<vmem>>
    %dma_wait3A_1387 = arith.constant 0 : i32
    %dma_wait3A_1388 = tpu.memref_slice %arg6[%dma_wait3A_1381, %dma_wait3A_1387] : memref<64x100xi32, #tpu.memory_space<vmem>> -> memref<1x100xi32, #tpu.memory_space<vmem>>
    %dma_wait3A_1389 = tpu.memref_squeeze %dma_wait3A_1388 : memref<1x100xi32, #tpu.memory_space<vmem>> -> memref<100xi32, #tpu.memory_space<vmem>>
    %dma_wait3A_1390 = arith.constant 0 : i32
    %dma_wait3A_1391 = arith.constant 0 : i32
    %dma_wait3A_1392 = tpu.memref_slice %arg3[%dma_wait3A_1390, %dma_wait3A_1391] : memref<1000000x32xf32, #tpu.memory_space<hbm>> -> memref<1000000x32xf32, #tpu.memory_space<hbm>>
    tpu.wait_indirect_dma semaphore(%arg9 : memref<!tpu.dma_semaphore, #tpu.memory_space<semaphore_mem>>) src(%dma_wait3A_1392 : memref<1000000x32xf32, #tpu.memory_space<hbm>>) dst(%dma_wait3A_1386 : memref<100x32xf32, #tpu.memory_space<vmem>>)
    %dma_wait3A_1393 = arith.constant 50 : i32
    %dma_wait3A_1394 = arith.constant 1 : i32
    %dma_wait3A_1395 = arith.constant 0 : i32
    %dma_wait3A_1396 = arith.constant 0 : i32
    %dma_wait3A_1397 = tpu.memref_slice %arg8[%dma_wait3A_1394, %dma_wait3A_1395, %dma_wait3A_1396] : memref<8x200x32xf32, #tpu.memory_space<vmem>> -> memref<1x100x32xf32, #tpu.memory_space<vmem>>
    %dma_wait3A_1398 = tpu.memref_squeeze %dma_wait3A_1397 : memref<1x100x32xf32, #tpu.memory_space<vmem>> -> memref<100x32xf32, #tpu.memory_space<vmem>>
    %dma_wait3A_1399 = arith.constant 0 : i32
    %dma_wait3A_1400 = tpu.memref_slice %arg6[%dma_wait3A_1393, %dma_wait3A_1399] : memref<64x100xi32, #tpu.memory_space<vmem>> -> memref<1x100xi32, #tpu.memory_space<vmem>>
    %dma_wait3A_1401 = tpu.memref_squeeze %dma_wait3A_1400 : memref<1x100xi32, #tpu.memory_space<vmem>> -> memref<100xi32, #tpu.memory_space<vmem>>
    %dma_wait3A_1402 = arith.constant 0 : i32
    %dma_wait3A_1403 = arith.constant 0 : i32
    %dma_wait3A_1404 = tpu.memref_slice %arg3[%dma_wait3A_1402, %dma_wait3A_1403] : memref<1000000x32xf32, #tpu.memory_space<hbm>> -> memref<1000000x32xf32, #tpu.memory_space<hbm>>
    tpu.wait_indirect_dma semaphore(%arg9 : memref<!tpu.dma_semaphore, #tpu.memory_space<semaphore_mem>>) src(%dma_wait3A_1404 : memref<1000000x32xf32, #tpu.memory_space<hbm>>) dst(%dma_wait3A_1398 : memref<100x32xf32, #tpu.memory_space<vmem>>)
    %dma_wait3A_1405 = arith.constant 51 : i32
    %dma_wait3A_1406 = arith.constant 1 : i32
    %dma_wait3A_1407 = arith.constant 100 : i32
    %dma_wait3A_1408 = arith.constant 0 : i32
    %dma_wait3A_1409 = tpu.memref_slice %arg8[%dma_wait3A_1406, %dma_wait3A_1407, %dma_wait3A_1408] : memref<8x200x32xf32, #tpu.memory_space<vmem>> -> memref<1x100x32xf32, #tpu.memory_space<vmem>>
    %dma_wait3A_1410 = tpu.memref_squeeze %dma_wait3A_1409 : memref<1x100x32xf32, #tpu.memory_space<vmem>> -> memref<100x32xf32, #tpu.memory_space<vmem>>
    %dma_wait3A_1411 = arith.constant 0 : i32
    %dma_wait3A_1412 = tpu.memref_slice %arg6[%dma_wait3A_1405, %dma_wait3A_1411] : memref<64x100xi32, #tpu.memory_space<vmem>> -> memref<1x100xi32, #tpu.memory_space<vmem>>
    %dma_wait3A_1413 = tpu.memref_squeeze %dma_wait3A_1412 : memref<1x100xi32, #tpu.memory_space<vmem>> -> memref<100xi32, #tpu.memory_space<vmem>>
    %dma_wait3A_1414 = arith.constant 0 : i32
    %dma_wait3A_1415 = arith.constant 0 : i32
    %dma_wait3A_1416 = tpu.memref_slice %arg3[%dma_wait3A_1414, %dma_wait3A_1415] : memref<1000000x32xf32, #tpu.memory_space<hbm>> -> memref<1000000x32xf32, #tpu.memory_space<hbm>>
    tpu.wait_indirect_dma semaphore(%arg9 : memref<!tpu.dma_semaphore, #tpu.memory_space<semaphore_mem>>) src(%dma_wait3A_1416 : memref<1000000x32xf32, #tpu.memory_space<hbm>>) dst(%dma_wait3A_1410 : memref<100x32xf32, #tpu.memory_space<vmem>>)
    %dma_wait3A_1417 = arith.constant 52 : i32
    %dma_wait3A_1418 = arith.constant 2 : i32
    %dma_wait3A_1419 = arith.constant 0 : i32
    %dma_wait3A_1420 = arith.constant 0 : i32
    %dma_wait3A_1421 = tpu.memref_slice %arg8[%dma_wait3A_1418, %dma_wait3A_1419, %dma_wait3A_1420] : memref<8x200x32xf32, #tpu.memory_space<vmem>> -> memref<1x100x32xf32, #tpu.memory_space<vmem>>
    %dma_wait3A_1422 = tpu.memref_squeeze %dma_wait3A_1421 : memref<1x100x32xf32, #tpu.memory_space<vmem>> -> memref<100x32xf32, #tpu.memory_space<vmem>>
    %dma_wait3A_1423 = arith.constant 0 : i32
    %dma_wait3A_1424 = tpu.memref_slice %arg6[%dma_wait3A_1417, %dma_wait3A_1423] : memref<64x100xi32, #tpu.memory_space<vmem>> -> memref<1x100xi32, #tpu.memory_space<vmem>>
    %dma_wait3A_1425 = tpu.memref_squeeze %dma_wait3A_1424 : memref<1x100xi32, #tpu.memory_space<vmem>> -> memref<100xi32, #tpu.memory_space<vmem>>
    %dma_wait3A_1426 = arith.constant 0 : i32
    %dma_wait3A_1427 = arith.constant 0 : i32
    %dma_wait3A_1428 = tpu.memref_slice %arg3[%dma_wait3A_1426, %dma_wait3A_1427] : memref<1000000x32xf32, #tpu.memory_space<hbm>> -> memref<1000000x32xf32, #tpu.memory_space<hbm>>
    tpu.wait_indirect_dma semaphore(%arg9 : memref<!tpu.dma_semaphore, #tpu.memory_space<semaphore_mem>>) src(%dma_wait3A_1428 : memref<1000000x32xf32, #tpu.memory_space<hbm>>) dst(%dma_wait3A_1422 : memref<100x32xf32, #tpu.memory_space<vmem>>)
    %dma_wait3A_1429 = arith.constant 53 : i32
    %dma_wait3A_1430 = arith.constant 2 : i32
    %dma_wait3A_1431 = arith.constant 100 : i32
    %dma_wait3A_1432 = arith.constant 0 : i32
    %dma_wait3A_1433 = tpu.memref_slice %arg8[%dma_wait3A_1430, %dma_wait3A_1431, %dma_wait3A_1432] : memref<8x200x32xf32, #tpu.memory_space<vmem>> -> memref<1x100x32xf32, #tpu.memory_space<vmem>>
    %dma_wait3A_1434 = tpu.memref_squeeze %dma_wait3A_1433 : memref<1x100x32xf32, #tpu.memory_space<vmem>> -> memref<100x32xf32, #tpu.memory_space<vmem>>
    %dma_wait3A_1435 = arith.constant 0 : i32
    %dma_wait3A_1436 = tpu.memref_slice %arg6[%dma_wait3A_1429, %dma_wait3A_1435] : memref<64x100xi32, #tpu.memory_space<vmem>> -> memref<1x100xi32, #tpu.memory_space<vmem>>
    %dma_wait3A_1437 = tpu.memref_squeeze %dma_wait3A_1436 : memref<1x100xi32, #tpu.memory_space<vmem>> -> memref<100xi32, #tpu.memory_space<vmem>>
    %dma_wait3A_1438 = arith.constant 0 : i32
    %dma_wait3A_1439 = arith.constant 0 : i32
    %dma_wait3A_1440 = tpu.memref_slice %arg3[%dma_wait3A_1438, %dma_wait3A_1439] : memref<1000000x32xf32, #tpu.memory_space<hbm>> -> memref<1000000x32xf32, #tpu.memory_space<hbm>>
    tpu.wait_indirect_dma semaphore(%arg9 : memref<!tpu.dma_semaphore, #tpu.memory_space<semaphore_mem>>) src(%dma_wait3A_1440 : memref<1000000x32xf32, #tpu.memory_space<hbm>>) dst(%dma_wait3A_1434 : memref<100x32xf32, #tpu.memory_space<vmem>>)
    %dma_wait3A_1441 = arith.constant 54 : i32
    %dma_wait3A_1442 = arith.constant 3 : i32
    %dma_wait3A_1443 = arith.constant 0 : i32
    %dma_wait3A_1444 = arith.constant 0 : i32
    %dma_wait3A_1445 = tpu.memref_slice %arg8[%dma_wait3A_1442, %dma_wait3A_1443, %dma_wait3A_1444] : memref<8x200x32xf32, #tpu.memory_space<vmem>> -> memref<1x100x32xf32, #tpu.memory_space<vmem>>
    %dma_wait3A_1446 = tpu.memref_squeeze %dma_wait3A_1445 : memref<1x100x32xf32, #tpu.memory_space<vmem>> -> memref<100x32xf32, #tpu.memory_space<vmem>>
    %dma_wait3A_1447 = arith.constant 0 : i32
    %dma_wait3A_1448 = tpu.memref_slice %arg6[%dma_wait3A_1441, %dma_wait3A_1447] : memref<64x100xi32, #tpu.memory_space<vmem>> -> memref<1x100xi32, #tpu.memory_space<vmem>>
    %dma_wait3A_1449 = tpu.memref_squeeze %dma_wait3A_1448 : memref<1x100xi32, #tpu.memory_space<vmem>> -> memref<100xi32, #tpu.memory_space<vmem>>
    %dma_wait3A_1450 = arith.constant 0 : i32
    %dma_wait3A_1451 = arith.constant 0 : i32
    %dma_wait3A_1452 = tpu.memref_slice %arg3[%dma_wait3A_1450, %dma_wait3A_1451] : memref<1000000x32xf32, #tpu.memory_space<hbm>> -> memref<1000000x32xf32, #tpu.memory_space<hbm>>
    tpu.wait_indirect_dma semaphore(%arg9 : memref<!tpu.dma_semaphore, #tpu.memory_space<semaphore_mem>>) src(%dma_wait3A_1452 : memref<1000000x32xf32, #tpu.memory_space<hbm>>) dst(%dma_wait3A_1446 : memref<100x32xf32, #tpu.memory_space<vmem>>)
    %dma_wait3A_1453 = arith.constant 55 : i32
    %dma_wait3A_1454 = arith.constant 3 : i32
    %dma_wait3A_1455 = arith.constant 100 : i32
    %dma_wait3A_1456 = arith.constant 0 : i32
    %dma_wait3A_1457 = tpu.memref_slice %arg8[%dma_wait3A_1454, %dma_wait3A_1455, %dma_wait3A_1456] : memref<8x200x32xf32, #tpu.memory_space<vmem>> -> memref<1x100x32xf32, #tpu.memory_space<vmem>>
    %dma_wait3A_1458 = tpu.memref_squeeze %dma_wait3A_1457 : memref<1x100x32xf32, #tpu.memory_space<vmem>> -> memref<100x32xf32, #tpu.memory_space<vmem>>
    %dma_wait3A_1459 = arith.constant 0 : i32
    %dma_wait3A_1460 = tpu.memref_slice %arg6[%dma_wait3A_1453, %dma_wait3A_1459] : memref<64x100xi32, #tpu.memory_space<vmem>> -> memref<1x100xi32, #tpu.memory_space<vmem>>
    %dma_wait3A_1461 = tpu.memref_squeeze %dma_wait3A_1460 : memref<1x100xi32, #tpu.memory_space<vmem>> -> memref<100xi32, #tpu.memory_space<vmem>>
    %dma_wait3A_1462 = arith.constant 0 : i32
    %dma_wait3A_1463 = arith.constant 0 : i32
    %dma_wait3A_1464 = tpu.memref_slice %arg3[%dma_wait3A_1462, %dma_wait3A_1463] : memref<1000000x32xf32, #tpu.memory_space<hbm>> -> memref<1000000x32xf32, #tpu.memory_space<hbm>>
    tpu.wait_indirect_dma semaphore(%arg9 : memref<!tpu.dma_semaphore, #tpu.memory_space<semaphore_mem>>) src(%dma_wait3A_1464 : memref<1000000x32xf32, #tpu.memory_space<hbm>>) dst(%dma_wait3A_1458 : memref<100x32xf32, #tpu.memory_space<vmem>>)
    %dma_wait3A_1465 = arith.constant 56 : i32
    %dma_wait3A_1466 = arith.constant 4 : i32
    %dma_wait3A_1467 = arith.constant 0 : i32
    %dma_wait3A_1468 = arith.constant 0 : i32
    %dma_wait3A_1469 = tpu.memref_slice %arg8[%dma_wait3A_1466, %dma_wait3A_1467, %dma_wait3A_1468] : memref<8x200x32xf32, #tpu.memory_space<vmem>> -> memref<1x100x32xf32, #tpu.memory_space<vmem>>
    %dma_wait3A_1470 = tpu.memref_squeeze %dma_wait3A_1469 : memref<1x100x32xf32, #tpu.memory_space<vmem>> -> memref<100x32xf32, #tpu.memory_space<vmem>>
    %dma_wait3A_1471 = arith.constant 0 : i32
    %dma_wait3A_1472 = tpu.memref_slice %arg6[%dma_wait3A_1465, %dma_wait3A_1471] : memref<64x100xi32, #tpu.memory_space<vmem>> -> memref<1x100xi32, #tpu.memory_space<vmem>>
    %dma_wait3A_1473 = tpu.memref_squeeze %dma_wait3A_1472 : memref<1x100xi32, #tpu.memory_space<vmem>> -> memref<100xi32, #tpu.memory_space<vmem>>
    %dma_wait3A_1474 = arith.constant 0 : i32
    %dma_wait3A_1475 = arith.constant 0 : i32
    %dma_wait3A_1476 = tpu.memref_slice %arg3[%dma_wait3A_1474, %dma_wait3A_1475] : memref<1000000x32xf32, #tpu.memory_space<hbm>> -> memref<1000000x32xf32, #tpu.memory_space<hbm>>
    tpu.wait_indirect_dma semaphore(%arg9 : memref<!tpu.dma_semaphore, #tpu.memory_space<semaphore_mem>>) src(%dma_wait3A_1476 : memref<1000000x32xf32, #tpu.memory_space<hbm>>) dst(%dma_wait3A_1470 : memref<100x32xf32, #tpu.memory_space<vmem>>)
    %dma_wait3A_1477 = arith.constant 57 : i32
    %dma_wait3A_1478 = arith.constant 4 : i32
    %dma_wait3A_1479 = arith.constant 100 : i32
    %dma_wait3A_1480 = arith.constant 0 : i32
    %dma_wait3A_1481 = tpu.memref_slice %arg8[%dma_wait3A_1478, %dma_wait3A_1479, %dma_wait3A_1480] : memref<8x200x32xf32, #tpu.memory_space<vmem>> -> memref<1x100x32xf32, #tpu.memory_space<vmem>>
    %dma_wait3A_1482 = tpu.memref_squeeze %dma_wait3A_1481 : memref<1x100x32xf32, #tpu.memory_space<vmem>> -> memref<100x32xf32, #tpu.memory_space<vmem>>
    %dma_wait3A_1483 = arith.constant 0 : i32
    %dma_wait3A_1484 = tpu.memref_slice %arg6[%dma_wait3A_1477, %dma_wait3A_1483] : memref<64x100xi32, #tpu.memory_space<vmem>> -> memref<1x100xi32, #tpu.memory_space<vmem>>
    %dma_wait3A_1485 = tpu.memref_squeeze %dma_wait3A_1484 : memref<1x100xi32, #tpu.memory_space<vmem>> -> memref<100xi32, #tpu.memory_space<vmem>>
    %dma_wait3A_1486 = arith.constant 0 : i32
    %dma_wait3A_1487 = arith.constant 0 : i32
    %dma_wait3A_1488 = tpu.memref_slice %arg3[%dma_wait3A_1486, %dma_wait3A_1487] : memref<1000000x32xf32, #tpu.memory_space<hbm>> -> memref<1000000x32xf32, #tpu.memory_space<hbm>>
    tpu.wait_indirect_dma semaphore(%arg9 : memref<!tpu.dma_semaphore, #tpu.memory_space<semaphore_mem>>) src(%dma_wait3A_1488 : memref<1000000x32xf32, #tpu.memory_space<hbm>>) dst(%dma_wait3A_1482 : memref<100x32xf32, #tpu.memory_space<vmem>>)
    %dma_wait3A_1489 = arith.constant 58 : i32
    %dma_wait3A_1490 = arith.constant 5 : i32
    %dma_wait3A_1491 = arith.constant 0 : i32
    %dma_wait3A_1492 = arith.constant 0 : i32
    %dma_wait3A_1493 = tpu.memref_slice %arg8[%dma_wait3A_1490, %dma_wait3A_1491, %dma_wait3A_1492] : memref<8x200x32xf32, #tpu.memory_space<vmem>> -> memref<1x100x32xf32, #tpu.memory_space<vmem>>
    %dma_wait3A_1494 = tpu.memref_squeeze %dma_wait3A_1493 : memref<1x100x32xf32, #tpu.memory_space<vmem>> -> memref<100x32xf32, #tpu.memory_space<vmem>>
    %dma_wait3A_1495 = arith.constant 0 : i32
    %dma_wait3A_1496 = tpu.memref_slice %arg6[%dma_wait3A_1489, %dma_wait3A_1495] : memref<64x100xi32, #tpu.memory_space<vmem>> -> memref<1x100xi32, #tpu.memory_space<vmem>>
    %dma_wait3A_1497 = tpu.memref_squeeze %dma_wait3A_1496 : memref<1x100xi32, #tpu.memory_space<vmem>> -> memref<100xi32, #tpu.memory_space<vmem>>
    %dma_wait3A_1498 = arith.constant 0 : i32
    %dma_wait3A_1499 = arith.constant 0 : i32
    %dma_wait3A_1500 = tpu.memref_slice %arg3[%dma_wait3A_1498, %dma_wait3A_1499] : memref<1000000x32xf32, #tpu.memory_space<hbm>> -> memref<1000000x32xf32, #tpu.memory_space<hbm>>
    tpu.wait_indirect_dma semaphore(%arg9 : memref<!tpu.dma_semaphore, #tpu.memory_space<semaphore_mem>>) src(%dma_wait3A_1500 : memref<1000000x32xf32, #tpu.memory_space<hbm>>) dst(%dma_wait3A_1494 : memref<100x32xf32, #tpu.memory_space<vmem>>)
    %dma_wait3A_1501 = arith.constant 59 : i32
    %dma_wait3A_1502 = arith.constant 5 : i32
    %dma_wait3A_1503 = arith.constant 100 : i32
    %dma_wait3A_1504 = arith.constant 0 : i32
    %dma_wait3A_1505 = tpu.memref_slice %arg8[%dma_wait3A_1502, %dma_wait3A_1503, %dma_wait3A_1504] : memref<8x200x32xf32, #tpu.memory_space<vmem>> -> memref<1x100x32xf32, #tpu.memory_space<vmem>>
    %dma_wait3A_1506 = tpu.memref_squeeze %dma_wait3A_1505 : memref<1x100x32xf32, #tpu.memory_space<vmem>> -> memref<100x32xf32, #tpu.memory_space<vmem>>
    %dma_wait3A_1507 = arith.constant 0 : i32
    %dma_wait3A_1508 = tpu.memref_slice %arg6[%dma_wait3A_1501, %dma_wait3A_1507] : memref<64x100xi32, #tpu.memory_space<vmem>> -> memref<1x100xi32, #tpu.memory_space<vmem>>
    %dma_wait3A_1509 = tpu.memref_squeeze %dma_wait3A_1508 : memref<1x100xi32, #tpu.memory_space<vmem>> -> memref<100xi32, #tpu.memory_space<vmem>>
    %dma_wait3A_1510 = arith.constant 0 : i32
    %dma_wait3A_1511 = arith.constant 0 : i32
    %dma_wait3A_1512 = tpu.memref_slice %arg3[%dma_wait3A_1510, %dma_wait3A_1511] : memref<1000000x32xf32, #tpu.memory_space<hbm>> -> memref<1000000x32xf32, #tpu.memory_space<hbm>>
    tpu.wait_indirect_dma semaphore(%arg9 : memref<!tpu.dma_semaphore, #tpu.memory_space<semaphore_mem>>) src(%dma_wait3A_1512 : memref<1000000x32xf32, #tpu.memory_space<hbm>>) dst(%dma_wait3A_1506 : memref<100x32xf32, #tpu.memory_space<vmem>>)
    %dma_wait3A_1513 = arith.constant 60 : i32
    %dma_wait3A_1514 = arith.constant 6 : i32
    %dma_wait3A_1515 = arith.constant 0 : i32
    %dma_wait3A_1516 = arith.constant 0 : i32
    %dma_wait3A_1517 = tpu.memref_slice %arg8[%dma_wait3A_1514, %dma_wait3A_1515, %dma_wait3A_1516] : memref<8x200x32xf32, #tpu.memory_space<vmem>> -> memref<1x100x32xf32, #tpu.memory_space<vmem>>
    %dma_wait3A_1518 = tpu.memref_squeeze %dma_wait3A_1517 : memref<1x100x32xf32, #tpu.memory_space<vmem>> -> memref<100x32xf32, #tpu.memory_space<vmem>>
    %dma_wait3A_1519 = arith.constant 0 : i32
    %dma_wait3A_1520 = tpu.memref_slice %arg6[%dma_wait3A_1513, %dma_wait3A_1519] : memref<64x100xi32, #tpu.memory_space<vmem>> -> memref<1x100xi32, #tpu.memory_space<vmem>>
    %dma_wait3A_1521 = tpu.memref_squeeze %dma_wait3A_1520 : memref<1x100xi32, #tpu.memory_space<vmem>> -> memref<100xi32, #tpu.memory_space<vmem>>
    %dma_wait3A_1522 = arith.constant 0 : i32
    %dma_wait3A_1523 = arith.constant 0 : i32
    %dma_wait3A_1524 = tpu.memref_slice %arg3[%dma_wait3A_1522, %dma_wait3A_1523] : memref<1000000x32xf32, #tpu.memory_space<hbm>> -> memref<1000000x32xf32, #tpu.memory_space<hbm>>
    tpu.wait_indirect_dma semaphore(%arg9 : memref<!tpu.dma_semaphore, #tpu.memory_space<semaphore_mem>>) src(%dma_wait3A_1524 : memref<1000000x32xf32, #tpu.memory_space<hbm>>) dst(%dma_wait3A_1518 : memref<100x32xf32, #tpu.memory_space<vmem>>)
    %dma_wait3A_1525 = arith.constant 61 : i32
    %dma_wait3A_1526 = arith.constant 6 : i32
    %dma_wait3A_1527 = arith.constant 100 : i32
    %dma_wait3A_1528 = arith.constant 0 : i32
    %dma_wait3A_1529 = tpu.memref_slice %arg8[%dma_wait3A_1526, %dma_wait3A_1527, %dma_wait3A_1528] : memref<8x200x32xf32, #tpu.memory_space<vmem>> -> memref<1x100x32xf32, #tpu.memory_space<vmem>>
    %dma_wait3A_1530 = tpu.memref_squeeze %dma_wait3A_1529 : memref<1x100x32xf32, #tpu.memory_space<vmem>> -> memref<100x32xf32, #tpu.memory_space<vmem>>
    %dma_wait3A_1531 = arith.constant 0 : i32
    %dma_wait3A_1532 = tpu.memref_slice %arg6[%dma_wait3A_1525, %dma_wait3A_1531] : memref<64x100xi32, #tpu.memory_space<vmem>> -> memref<1x100xi32, #tpu.memory_space<vmem>>
    %dma_wait3A_1533 = tpu.memref_squeeze %dma_wait3A_1532 : memref<1x100xi32, #tpu.memory_space<vmem>> -> memref<100xi32, #tpu.memory_space<vmem>>
    %dma_wait3A_1534 = arith.constant 0 : i32
    %dma_wait3A_1535 = arith.constant 0 : i32
    %dma_wait3A_1536 = tpu.memref_slice %arg3[%dma_wait3A_1534, %dma_wait3A_1535] : memref<1000000x32xf32, #tpu.memory_space<hbm>> -> memref<1000000x32xf32, #tpu.memory_space<hbm>>
    tpu.wait_indirect_dma semaphore(%arg9 : memref<!tpu.dma_semaphore, #tpu.memory_space<semaphore_mem>>) src(%dma_wait3A_1536 : memref<1000000x32xf32, #tpu.memory_space<hbm>>) dst(%dma_wait3A_1530 : memref<100x32xf32, #tpu.memory_space<vmem>>)
    %dma_wait3A_1537 = arith.constant 62 : i32
    %dma_wait3A_1538 = arith.constant 7 : i32
    %dma_wait3A_1539 = arith.constant 0 : i32
    %dma_wait3A_1540 = arith.constant 0 : i32
    %dma_wait3A_1541 = tpu.memref_slice %arg8[%dma_wait3A_1538, %dma_wait3A_1539, %dma_wait3A_1540] : memref<8x200x32xf32, #tpu.memory_space<vmem>> -> memref<1x100x32xf32, #tpu.memory_space<vmem>>
    %dma_wait3A_1542 = tpu.memref_squeeze %dma_wait3A_1541 : memref<1x100x32xf32, #tpu.memory_space<vmem>> -> memref<100x32xf32, #tpu.memory_space<vmem>>
    %dma_wait3A_1543 = arith.constant 0 : i32
    %dma_wait3A_1544 = tpu.memref_slice %arg6[%dma_wait3A_1537, %dma_wait3A_1543] : memref<64x100xi32, #tpu.memory_space<vmem>> -> memref<1x100xi32, #tpu.memory_space<vmem>>
    %dma_wait3A_1545 = tpu.memref_squeeze %dma_wait3A_1544 : memref<1x100xi32, #tpu.memory_space<vmem>> -> memref<100xi32, #tpu.memory_space<vmem>>
    %dma_wait3A_1546 = arith.constant 0 : i32
    %dma_wait3A_1547 = arith.constant 0 : i32
    %dma_wait3A_1548 = tpu.memref_slice %arg3[%dma_wait3A_1546, %dma_wait3A_1547] : memref<1000000x32xf32, #tpu.memory_space<hbm>> -> memref<1000000x32xf32, #tpu.memory_space<hbm>>
    tpu.wait_indirect_dma semaphore(%arg9 : memref<!tpu.dma_semaphore, #tpu.memory_space<semaphore_mem>>) src(%dma_wait3A_1548 : memref<1000000x32xf32, #tpu.memory_space<hbm>>) dst(%dma_wait3A_1542 : memref<100x32xf32, #tpu.memory_space<vmem>>)
    %dma_wait3A_1549 = arith.constant 63 : i32
    %dma_wait3A_1550 = arith.constant 7 : i32
    %dma_wait3A_1551 = arith.constant 100 : i32
    %dma_wait3A_1552 = arith.constant 0 : i32
    %dma_wait3A_1553 = tpu.memref_slice %arg8[%dma_wait3A_1550, %dma_wait3A_1551, %dma_wait3A_1552] : memref<8x200x32xf32, #tpu.memory_space<vmem>> -> memref<1x100x32xf32, #tpu.memory_space<vmem>>
    %dma_wait3A_1554 = tpu.memref_squeeze %dma_wait3A_1553 : memref<1x100x32xf32, #tpu.memory_space<vmem>> -> memref<100x32xf32, #tpu.memory_space<vmem>>
    %dma_wait3A_1555 = arith.constant 0 : i32
    %dma_wait3A_1556 = tpu.memref_slice %arg6[%dma_wait3A_1549, %dma_wait3A_1555] : memref<64x100xi32, #tpu.memory_space<vmem>> -> memref<1x100xi32, #tpu.memory_space<vmem>>
    %dma_wait3A_1557 = tpu.memref_squeeze %dma_wait3A_1556 : memref<1x100xi32, #tpu.memory_space<vmem>> -> memref<100xi32, #tpu.memory_space<vmem>>
    %dma_wait3A_1558 = arith.constant 0 : i32
    %dma_wait3A_1559 = arith.constant 0 : i32
    %dma_wait3A_1560 = tpu.memref_slice %arg3[%dma_wait3A_1558, %dma_wait3A_1559] : memref<1000000x32xf32, #tpu.memory_space<hbm>> -> memref<1000000x32xf32, #tpu.memory_space<hbm>>
    tpu.wait_indirect_dma semaphore(%arg9 : memref<!tpu.dma_semaphore, #tpu.memory_space<semaphore_mem>>) src(%dma_wait3A_1560 : memref<1000000x32xf32, #tpu.memory_space<hbm>>) dst(%dma_wait3A_1554 : memref<100x32xf32, #tpu.memory_space<vmem>>)
    %scan3A_1561 = arith.constant 0 : i32
    %scan3A_1562 = arith.constant 200 : i32
    %scan3A_1563 = arith.addi %scan3A_1561, %scan3A_1562 : i32
    %scan3A_1564 = arith.constant 1 : i32
    scf.for %scan3A_1570 = %scan3A_1561 to %scan3A_1563 step %scan3A_1564  : i32 {
      %get3A = arith.index_cast %scan3A_1570 : i32 to index
      %get3A_1571 = arith.constant 0 : index
      %get3A_1572 = tpu.vector_load %arg7[%get3A, %get3A_1571] {strides = array<i32>} : memref<200x32xf32, #tpu.memory_space<vmem>>, vector<1x16xf32>,
      %get3A_1573 = vector.shape_cast %get3A_1572 : vector<1x16xf32> to vector<16xf32>
      %get3A_1574 = arith.index_cast %scan3A_1570 : i32 to index
      %get3A_1575 = arith.constant 16 : index
      %get3A_1576 = tpu.vector_load %arg7[%get3A_1574, %get3A_1575] {strides = array<i32>} : memref<200x32xf32, #tpu.memory_space<vmem>>, vector<1x16xf32>,
      %get3A_1577 = vector.shape_cast %get3A_1576 : vector<1x16xf32> to vector<16xf32>
      %swap3A = arith.constant 0 : i32
      %swap3A_1578 = arith.index_cast %swap3A : i32 to index
      %swap3A_1579 = arith.index_cast %scan3A_1570 : i32 to index
      %swap3A_1580 = arith.constant 0 : index
      %swap3A_1581 = tpu.vector_load %arg8[%swap3A_1578, %swap3A_1579, %swap3A_1580] {strides = array<i32>} : memref<8x200x32xf32, #tpu.memory_space<vmem>>, vector<1x1x16xf32>,
      %swap3A_1582 = vector.shape_cast %swap3A_1581 : vector<1x1x16xf32> to vector<16xf32>
      %swap3A_1583 = vector.shape_cast %get3A_1573 : vector<16xf32> to vector<1x1x16xf32>
      tpu.vector_store %arg8[%swap3A_1578, %swap3A_1579, %swap3A_1580], %swap3A_1583 {add = true, strides = array<i32>} : memref<8x200x32xf32, #tpu.memory_space<vmem>>, vector<1x1x16xf32>,
      %swap3A_1584 = arith.constant 0 : i32
      %swap3A_1585 = arith.index_cast %swap3A_1584 : i32 to index
      %swap3A_1586 = arith.index_cast %scan3A_1570 : i32 to index
      %swap3A_1587 = arith.constant 16 : index
      %swap3A_1588 = tpu.vector_load %arg8[%swap3A_1585, %swap3A_1586, %swap3A_1587] {strides = array<i32>} : memref<8x200x32xf32, #tpu.memory_space<vmem>>, vector<1x1x16xf32>,
      %swap3A_1589 = vector.shape_cast %swap3A_1588 : vector<1x1x16xf32> to vector<16xf32>
      %swap3A_1590 = vector.shape_cast %get3A_1577 : vector<16xf32> to vector<1x1x16xf32>
      tpu.vector_store %arg8[%swap3A_1585, %swap3A_1586, %swap3A_1587], %swap3A_1590 {add = true, strides = array<i32>} : memref<8x200x32xf32, #tpu.memory_space<vmem>>, vector<1x1x16xf32>,
      %swap3A_1591 = arith.constant 1 : i32
      %swap3A_1592 = arith.index_cast %swap3A_1591 : i32 to index
      %swap3A_1593 = arith.index_cast %scan3A_1570 : i32 to index
      %swap3A_1594 = arith.constant 0 : index
      %swap3A_1595 = tpu.vector_load %arg8[%swap3A_1592, %swap3A_1593, %swap3A_1594] {strides = array<i32>} : memref<8x200x32xf32, #tpu.memory_space<vmem>>, vector<1x1x16xf32>,
      %swap3A_1596 = vector.shape_cast %swap3A_1595 : vector<1x1x16xf32> to vector<16xf32>
      %swap3A_1597 = vector.shape_cast %get3A_1573 : vector<16xf32> to vector<1x1x16xf32>
      tpu.vector_store %arg8[%swap3A_1592, %swap3A_1593, %swap3A_1594], %swap3A_1597 {add = true, strides = array<i32>} : memref<8x200x32xf32, #tpu.memory_space<vmem>>, vector<1x1x16xf32>,
      %swap3A_1598 = arith.constant 1 : i32
      %swap3A_1599 = arith.index_cast %swap3A_1598 : i32 to index
      %swap3A_1600 = arith.index_cast %scan3A_1570 : i32 to index
      %swap3A_1601 = arith.constant 16 : index
      %swap3A_1602 = tpu.vector_load %arg8[%swap3A_1599, %swap3A_1600, %swap3A_1601] {strides = array<i32>} : memref<8x200x32xf32, #tpu.memory_space<vmem>>, vector<1x1x16xf32>,
      %swap3A_1603 = vector.shape_cast %swap3A_1602 : vector<1x1x16xf32> to vector<16xf32>
      %swap3A_1604 = vector.shape_cast %get3A_1577 : vector<16xf32> to vector<1x1x16xf32>
      tpu.vector_store %arg8[%swap3A_1599, %swap3A_1600, %swap3A_1601], %swap3A_1604 {add = true, strides = array<i32>} : memref<8x200x32xf32, #tpu.memory_space<vmem>>, vector<1x1x16xf32>,
      %swap3A_1605 = arith.constant 2 : i32
      %swap3A_1606 = arith.index_cast %swap3A_1605 : i32 to index
      %swap3A_1607 = arith.index_cast %scan3A_1570 : i32 to index
      %swap3A_1608 = arith.constant 0 : index
      %swap3A_1609 = tpu.vector_load %arg8[%swap3A_1606, %swap3A_1607, %swap3A_1608] {strides = array<i32>} : memref<8x200x32xf32, #tpu.memory_space<vmem>>, vector<1x1x16xf32>,
      %swap3A_1610 = vector.shape_cast %swap3A_1609 : vector<1x1x16xf32> to vector<16xf32>
      %swap3A_1611 = vector.shape_cast %get3A_1573 : vector<16xf32> to vector<1x1x16xf32>
      tpu.vector_store %arg8[%swap3A_1606, %swap3A_1607, %swap3A_1608], %swap3A_1611 {add = true, strides = array<i32>} : memref<8x200x32xf32, #tpu.memory_space<vmem>>, vector<1x1x16xf32>,
      %swap3A_1612 = arith.constant 2 : i32
      %swap3A_1613 = arith.index_cast %swap3A_1612 : i32 to index
      %swap3A_1614 = arith.index_cast %scan3A_1570 : i32 to index
      %swap3A_1615 = arith.constant 16 : index
      %swap3A_1616 = tpu.vector_load %arg8[%swap3A_1613, %swap3A_1614, %swap3A_1615] {strides = array<i32>} : memref<8x200x32xf32, #tpu.memory_space<vmem>>, vector<1x1x16xf32>,
      %swap3A_1617 = vector.shape_cast %swap3A_1616 : vector<1x1x16xf32> to vector<16xf32>
      %swap3A_1618 = vector.shape_cast %get3A_1577 : vector<16xf32> to vector<1x1x16xf32>
      tpu.vector_store %arg8[%swap3A_1613, %swap3A_1614, %swap3A_1615], %swap3A_1618 {add = true, strides = array<i32>} : memref<8x200x32xf32, #tpu.memory_space<vmem>>, vector<1x1x16xf32>,
      %swap3A_1619 = arith.constant 3 : i32
      %swap3A_1620 = arith.index_cast %swap3A_1619 : i32 to index
      %swap3A_1621 = arith.index_cast %scan3A_1570 : i32 to index
      %swap3A_1622 = arith.constant 0 : index
      %swap3A_1623 = tpu.vector_load %arg8[%swap3A_1620, %swap3A_1621, %swap3A_1622] {strides = array<i32>} : memref<8x200x32xf32, #tpu.memory_space<vmem>>, vector<1x1x16xf32>,
      %swap3A_1624 = vector.shape_cast %swap3A_1623 : vector<1x1x16xf32> to vector<16xf32>
      %swap3A_1625 = vector.shape_cast %get3A_1573 : vector<16xf32> to vector<1x1x16xf32>
      tpu.vector_store %arg8[%swap3A_1620, %swap3A_1621, %swap3A_1622], %swap3A_1625 {add = true, strides = array<i32>} : memref<8x200x32xf32, #tpu.memory_space<vmem>>, vector<1x1x16xf32>,
      %swap3A_1626 = arith.constant 3 : i32
      %swap3A_1627 = arith.index_cast %swap3A_1626 : i32 to index
      %swap3A_1628 = arith.index_cast %scan3A_1570 : i32 to index
      %swap3A_1629 = arith.constant 16 : index
      %swap3A_1630 = tpu.vector_load %arg8[%swap3A_1627, %swap3A_1628, %swap3A_1629] {strides = array<i32>} : memref<8x200x32xf32, #tpu.memory_space<vmem>>, vector<1x1x16xf32>,
      %swap3A_1631 = vector.shape_cast %swap3A_1630 : vector<1x1x16xf32> to vector<16xf32>
      %swap3A_1632 = vector.shape_cast %get3A_1577 : vector<16xf32> to vector<1x1x16xf32>
      tpu.vector_store %arg8[%swap3A_1627, %swap3A_1628, %swap3A_1629], %swap3A_1632 {add = true, strides = array<i32>} : memref<8x200x32xf32, #tpu.memory_space<vmem>>, vector<1x1x16xf32>,
      %swap3A_1633 = arith.constant 4 : i32
      %swap3A_1634 = arith.index_cast %swap3A_1633 : i32 to index
      %swap3A_1635 = arith.index_cast %scan3A_1570 : i32 to index
      %swap3A_1636 = arith.constant 0 : index
      %swap3A_1637 = tpu.vector_load %arg8[%swap3A_1634, %swap3A_1635, %swap3A_1636] {strides = array<i32>} : memref<8x200x32xf32, #tpu.memory_space<vmem>>, vector<1x1x16xf32>,
      %swap3A_1638 = vector.shape_cast %swap3A_1637 : vector<1x1x16xf32> to vector<16xf32>
      %swap3A_1639 = vector.shape_cast %get3A_1573 : vector<16xf32> to vector<1x1x16xf32>
      tpu.vector_store %arg8[%swap3A_1634, %swap3A_1635, %swap3A_1636], %swap3A_1639 {add = true, strides = array<i32>} : memref<8x200x32xf32, #tpu.memory_space<vmem>>, vector<1x1x16xf32>,
      %swap3A_1640 = arith.constant 4 : i32
      %swap3A_1641 = arith.index_cast %swap3A_1640 : i32 to index
      %swap3A_1642 = arith.index_cast %scan3A_1570 : i32 to index
      %swap3A_1643 = arith.constant 16 : index
      %swap3A_1644 = tpu.vector_load %arg8[%swap3A_1641, %swap3A_1642, %swap3A_1643] {strides = array<i32>} : memref<8x200x32xf32, #tpu.memory_space<vmem>>, vector<1x1x16xf32>,
      %swap3A_1645 = vector.shape_cast %swap3A_1644 : vector<1x1x16xf32> to vector<16xf32>
      %swap3A_1646 = vector.shape_cast %get3A_1577 : vector<16xf32> to vector<1x1x16xf32>
      tpu.vector_store %arg8[%swap3A_1641, %swap3A_1642, %swap3A_1643], %swap3A_1646 {add = true, strides = array<i32>} : memref<8x200x32xf32, #tpu.memory_space<vmem>>, vector<1x1x16xf32>,
      %swap3A_1647 = arith.constant 5 : i32
      %swap3A_1648 = arith.index_cast %swap3A_1647 : i32 to index
      %swap3A_1649 = arith.index_cast %scan3A_1570 : i32 to index
      %swap3A_1650 = arith.constant 0 : index
      %swap3A_1651 = tpu.vector_load %arg8[%swap3A_1648, %swap3A_1649, %swap3A_1650] {strides = array<i32>} : memref<8x200x32xf32, #tpu.memory_space<vmem>>, vector<1x1x16xf32>,
      %swap3A_1652 = vector.shape_cast %swap3A_1651 : vector<1x1x16xf32> to vector<16xf32>
      %swap3A_1653 = vector.shape_cast %get3A_1573 : vector<16xf32> to vector<1x1x16xf32>
      tpu.vector_store %arg8[%swap3A_1648, %swap3A_1649, %swap3A_1650], %swap3A_1653 {add = true, strides = array<i32>} : memref<8x200x32xf32, #tpu.memory_space<vmem>>, vector<1x1x16xf32>,
      %swap3A_1654 = arith.constant 5 : i32
      %swap3A_1655 = arith.index_cast %swap3A_1654 : i32 to index
      %swap3A_1656 = arith.index_cast %scan3A_1570 : i32 to index
      %swap3A_1657 = arith.constant 16 : index
      %swap3A_1658 = tpu.vector_load %arg8[%swap3A_1655, %swap3A_1656, %swap3A_1657] {strides = array<i32>} : memref<8x200x32xf32, #tpu.memory_space<vmem>>, vector<1x1x16xf32>,
      %swap3A_1659 = vector.shape_cast %swap3A_1658 : vector<1x1x16xf32> to vector<16xf32>
      %swap3A_1660 = vector.shape_cast %get3A_1577 : vector<16xf32> to vector<1x1x16xf32>
      tpu.vector_store %arg8[%swap3A_1655, %swap3A_1656, %swap3A_1657], %swap3A_1660 {add = true, strides = array<i32>} : memref<8x200x32xf32, #tpu.memory_space<vmem>>, vector<1x1x16xf32>,
      %swap3A_1661 = arith.constant 6 : i32
      %swap3A_1662 = arith.index_cast %swap3A_1661 : i32 to index
      %swap3A_1663 = arith.index_cast %scan3A_1570 : i32 to index
      %swap3A_1664 = arith.constant 0 : index
      %swap3A_1665 = tpu.vector_load %arg8[%swap3A_1662, %swap3A_1663, %swap3A_1664] {strides = array<i32>} : memref<8x200x32xf32, #tpu.memory_space<vmem>>, vector<1x1x16xf32>,
      %swap3A_1666 = vector.shape_cast %swap3A_1665 : vector<1x1x16xf32> to vector<16xf32>
      %swap3A_1667 = vector.shape_cast %get3A_1573 : vector<16xf32> to vector<1x1x16xf32>
      tpu.vector_store %arg8[%swap3A_1662, %swap3A_1663, %swap3A_1664], %swap3A_1667 {add = true, strides = array<i32>} : memref<8x200x32xf32, #tpu.memory_space<vmem>>, vector<1x1x16xf32>,
      %swap3A_1668 = arith.constant 6 : i32
      %swap3A_1669 = arith.index_cast %swap3A_1668 : i32 to index
      %swap3A_1670 = arith.index_cast %scan3A_1570 : i32 to index
      %swap3A_1671 = arith.constant 16 : index
      %swap3A_1672 = tpu.vector_load %arg8[%swap3A_1669, %swap3A_1670, %swap3A_1671] {strides = array<i32>} : memref<8x200x32xf32, #tpu.memory_space<vmem>>, vector<1x1x16xf32>,
      %swap3A_1673 = vector.shape_cast %swap3A_1672 : vector<1x1x16xf32> to vector<16xf32>
      %swap3A_1674 = vector.shape_cast %get3A_1577 : vector<16xf32> to vector<1x1x16xf32>
      tpu.vector_store %arg8[%swap3A_1669, %swap3A_1670, %swap3A_1671], %swap3A_1674 {add = true, strides = array<i32>} : memref<8x200x32xf32, #tpu.memory_space<vmem>>, vector<1x1x16xf32>,
      %swap3A_1675 = arith.constant 7 : i32
      %swap3A_1676 = arith.index_cast %swap3A_1675 : i32 to index
      %swap3A_1677 = arith.index_cast %scan3A_1570 : i32 to index
      %swap3A_1678 = arith.constant 0 : index
      %swap3A_1679 = tpu.vector_load %arg8[%swap3A_1676, %swap3A_1677, %swap3A_1678] {strides = array<i32>} : memref<8x200x32xf32, #tpu.memory_space<vmem>>, vector<1x1x16xf32>,
      %swap3A_1680 = vector.shape_cast %swap3A_1679 : vector<1x1x16xf32> to vector<16xf32>
      %swap3A_1681 = vector.shape_cast %get3A_1573 : vector<16xf32> to vector<1x1x16xf32>
      tpu.vector_store %arg8[%swap3A_1676, %swap3A_1677, %swap3A_1678], %swap3A_1681 {add = true, strides = array<i32>} : memref<8x200x32xf32, #tpu.memory_space<vmem>>, vector<1x1x16xf32>,
      %swap3A_1682 = arith.constant 7 : i32
      %swap3A_1683 = arith.index_cast %swap3A_1682 : i32 to index
      %swap3A_1684 = arith.index_cast %scan3A_1570 : i32 to index
      %swap3A_1685 = arith.constant 16 : index
      %swap3A_1686 = tpu.vector_load %arg8[%swap3A_1683, %swap3A_1684, %swap3A_1685] {strides = array<i32>} : memref<8x200x32xf32, #tpu.memory_space<vmem>>, vector<1x1x16xf32>,
      %swap3A_1687 = vector.shape_cast %swap3A_1686 : vector<1x1x16xf32> to vector<16xf32>
      %swap3A_1688 = vector.shape_cast %get3A_1577 : vector<16xf32> to vector<1x1x16xf32>
      tpu.vector_store %arg8[%swap3A_1683, %swap3A_1684, %swap3A_1685], %swap3A_1688 {add = true, strides = array<i32>} : memref<8x200x32xf32, #tpu.memory_space<vmem>>, vector<1x1x16xf32>,
    }
    %scan3A_1565 = arith.constant 200 : i32
    %mul3A_1566 = arith.constant 32 : i32
    %mul3A_1567 = arith.muli %add3A, %mul3A_1566 : i32
    %add3A_1568 = arith.constant 24 : i32
    %add3A_1569 = arith.addi %mul3A_1567, %add3A_1568 : i32
    "tpu.region"() ({
      %run_scoped3A = tpu.sem_alloc : memref<!tpu.dma_semaphore, #tpu.memory_space<semaphore_mem>>
      %dma_start3A_1570 = arith.constant 0 : i32
      %dma_start3A_1571 = arith.constant 0 : i32
      %dma_start3A_1572 = tpu.memref_slice %arg5[%add3A_1569, %dma_start3A_1570, %dma_start3A_1571] : memref<1024x200x32xf32, #tpu.memory_space<hbm>> -> memref<8x200x32xf32, #tpu.memory_space<hbm>>
      %dma_start3A_1573 = arith.constant 0 : i32
      %dma_start3A_1574 = arith.constant 0 : i32
      %dma_start3A_1575 = tpu.memref_slice %arg5[%add3A_1569, %dma_start3A_1573, %dma_start3A_1574] : memref<1024x200x32xf32, #tpu.memory_space<hbm>> -> memref<8x200x32xf32, #tpu.memory_space<hbm>>
      tpu.enqueue_dma source(%arg8 : memref<8x200x32xf32, #tpu.memory_space<vmem>>) target(%dma_start3A_1575 : memref<8x200x32xf32, #tpu.memory_space<hbm>>) target_semaphore(%run_scoped3A : memref<!tpu.dma_semaphore, #tpu.memory_space<semaphore_mem>>)
      %dma_wait3A_1576 = arith.constant 0 : i32
      %dma_wait3A_1577 = arith.constant 0 : i32
      %dma_wait3A_1578 = tpu.memref_slice %arg5[%add3A_1569, %dma_wait3A_1576, %dma_wait3A_1577] : memref<1024x200x32xf32, #tpu.memory_space<hbm>> -> memref<8x200x32xf32, #tpu.memory_space<hbm>>
      %dma_wait3A_1579 = arith.constant 0 : i32
      %dma_wait3A_1580 = arith.constant 0 : i32
      %dma_wait3A_1581 = tpu.memref_slice %arg5[%add3A_1569, %dma_wait3A_1579, %dma_wait3A_1580] : memref<1024x200x32xf32, #tpu.memory_space<hbm>> -> memref<8x200x32xf32, #tpu.memory_space<hbm>>
      tpu.wait_dma2 semaphore(%run_scoped3A : memref<!tpu.dma_semaphore, #tpu.memory_space<semaphore_mem>>) src(%arg8 : memref<8x200x32xf32, #tpu.memory_space<vmem>>) dst(%dma_wait3A_1581 : memref<8x200x32xf32, #tpu.memory_space<hbm>>)
      tpu.yield
    }) : () -> ()
    return
  }
}

</mosaic_0001>

<sc_bundles>
// kernel: _lookup.3.cloned.1.call-start
scs
__scs_entry_jumppad:
0x0: {  	(pc) =	sbr.rel $0x88, $3  }
0x1: {  	(tag) =	ssettag $0x0;
	lr =	simm.s32 $0x1  }
0x2: {  	[smem:$0x3F9E] =	sst lr;
	_ =	strace $0xD0000000  }
0x3: {  	_ = 	snop  }
0x4: {  	_ = 	snop  }
0x5: {  	_ = 	snop  }
0x6: {  	_ = 	snop  }
0x7: {  	_ = 	snop  }
__scs_overlays_trampoline_lowered:
0x8: {  	[smem:$0x3FAD] =	sst s0  }
0x9: {  	[smem:$0x3FAE] =	sst s1  }
0xa: {  	[smem:$0x3FAF] =	sst s2  }
0xb: {  	[smem:$0x3FB0] =	sst s3  }
0xc: {  	[smem:$0x3FB1] =	sst s4  }
0xd: {  	[smem:$0x3FB2] =	sst s5  }
0xe: {  	[smem:$0x3FB3] =	sst s6  }
0xf: {  	[smem:$0x3FB4] =	sst s7  }
0x10: {  	[smem:$0x3FB5] =	sst s8  }
0x11: {  	[smem:$0x3FB6] =	sst s9;
	s0 =	simm.s32 @!p0 $0x0  }
0x12: {  	s1 =	sld [smem:$0x3F9C];
	s0 =	simm.s32 @p0 $0x1  }
0x13: {  	[smem:$0x3FB7] =	sst s0;
	s0 =	simm.s32 @!p1 $0x0  }
0x14: {  	s2 =	sld [smem:$0x3F9B];
	s0 =	simm.s32 @p1 $0x1  }
0x15: {  	[smem:$0x3FB8] =	sst s0;
	s0 =	simm.s32 @!p2 $0x0  }
0x16: {  	s3 =	sld [smem:$0x3FDB];
	s0 =	simm.s32 @p2 $0x1  }
0x17: {  	s4 =	simm.s32 $0x1BF5;
	[smem:$0x3FBA] =	sst s0  }
0x18: {  	s0 =	sld [smem:$0x3F9D];
	_ =	swait.ge [sflag:s4], $0x0  }
0x19: {  	s7 =	sld [smem:$0x3F9E]  }
0x1a: {  	s8 =	sadd.s32 $0xFFFFE003, lr  }
0x1b: {  	s9 =	sadd.s32 $0xFFFFFEF7, lr;
	s5 =	simm.s32 $0xFFFFFFFF;
	p2 =	slt.u32 s8, $0xFFFFF086  }
0x1c: {  	p1 =	slt.u32 s9, $0xF7A;
	s5 =	simm.s32 @!p2 $0x0  }
0x1d: {  	s5 =	simm.s32 @p1 $0x1;
	p0 =	seq.s32 s7, s2  }
0x1e: {  	s7 =	smul.u32 @!p0 $0xF7A, s2;
	p2 =	seq.s32 @!p0 s5, $0x0  }
0x1f: {  	s9 =	smul.u32 $0xF7A, s1;
	s8 =	simm.s32 @!p0 $0x1BF5;
	p2 =	por !p2, p0  }
0x20: {  	[sflag:s8] =	ssyncset.s32 @!p0 $0xFFFFF086;
	s6 =	sadd.s32 @!p0 s3, s7;
	s7 =	simm.s32 @!p0 $0x108  }
0x21: {  	s3 =	sadd.s32 s3, s9;
	s6 =	sadd.s32 @!p0 $0x88, s6;
	s7 =	simm.s32 @p2 $0x1082  }
0x22: {  	[simem:s7], [sflag:s8] =	dma.local @!p0 [hbm:s6], $0xF7A  }
0x23: {  	s9 =	sor.u32 $0xD0000000, s2;
	s6 =	simm.s32 $0x108;
	_ =	swait.ge @!p0 [sflag:s8], $0x0  }
0x24: {  	s3 =	sadd.s32 $0x88, s3;
	s6 =	simm.s32 @!p1 $0x1082;
	[sflag:s4] =	ssyncset.s32 $0xFFFFF086  }
0x25: {  	[simem:s6], [sflag:s4] =	dma.local [hbm:s3], $0xF7A  }
0x26: {  	[smem:$0x3F9E] =	sst s1;
	(tag) =	ssettag s2;
	_ =	strace s9  }
0x27: {  	s1 =	sld [smem:$0x3FAE]  }
0x28: {  	s2 =	sld [smem:$0x3FAF]  }
0x29: {  	s4 =	sld [smem:$0x3FB1]  }
0x2a: {  	p0 =	seq.s32 s5, $0x0;
	s5 =	sld [smem:$0x3FB2]  }
0x2b: {  	s6 =	sld [smem:$0x3FB3]  }
0x2c: {  	s7 =	sld [smem:$0x3FB4]  }
0x2d: {  	s3 =	simm.s32 $0x108;
	s8 =	sld [smem:$0x3FB5]  }
0x2e: {  	s3 =	simm.s32 @!p0 $0x1082;
	s9 =	sld [smem:$0x3FB6]  }
0x2f: {  	lr =	sadd.s32 s0, s3;
	s0 =	sld [smem:$0x3FAD]  }
0x30: {  	s3 =	sld [smem:$0x3FB0]  }
0x31: {  	[smem:$0x3FB9] =	sst s10  }
0x32: {  	s10 =	sld [smem:$0x3FB7];
	_ =	sdelay $0x3  }
0x33: {  	p0 =	seq.s32 s10, $0x1;
	s10 =	sld [smem:$0x3FB9];
	_ =	sdelay $0x3  }
0x34: {  	[smem:$0x3FB9] =	sst s10  }
0x35: {  	s10 =	sld [smem:$0x3FB8];
	_ =	sdelay $0x3  }
0x36: {  	p1 =	seq.s32 s10, $0x1;
	s10 =	sld [smem:$0x3FB9];
	_ =	sdelay $0x3  }
0x37: {  	[smem:$0x3FB9] =	sst s10  }
0x38: {  	s10 =	sld [smem:$0x3FBA]  }
0x39: {  	_ = 	snop;
	(pc) =	sbr.ind lr, $3  }
0x3a: {  	_ = 	snop  }
0x3b: {  	_ = 	snop  }
0x3c: {  	p2 =	seq.s32 s10, $0x1;
	s10 =	sld [smem:$0x3FB9]  }
0x3d: {  	_ =	shalt  }
0x3e: {  	_ =	shalt  }
0x3f: {  	_ =	shalt  }
0x40: {  	_ =	shalt  }
0x41: {  	_ =	shalt  }
0x42: {  	_ =	shalt  }
0x43: {  	_ =	shalt  }
0x44: {  	_ =	shalt  }
0x45: {  	_ =	shalt  }
0x46: {  	_ =	shalt  }
0x47: {  	_ =	shalt  }
0x48: {  	_ =	shalt  }
0x49: {  	_ =	shalt  }
0x4a: {  	_ =	shalt  }
0x4b: {  	_ =	shalt  }
0x4c: {  	_ =	shalt  }
0x4d: {  	_ =	shalt  }
0x4e: {  	_ =	shalt  }
0x4f: {  	_ =	shalt  }
0x50: {  	_ =	shalt  }
0x51: {  	_ =	shalt  }
0x52: {  	_ =	shalt  }
0x53: {  	_ =	shalt  }
0x54: {  	_ =	shalt  }
0x55: {  	_ =	shalt  }
0x56: {  	_ =	shalt  }
0x57: {  	_ =	shalt  }
0x58: {  	_ =	shalt  }
0x59: {  	_ =	shalt  }
0x5a: {  	_ =	shalt  }
0x5b: {  	_ =	shalt  }
0x5c: {  	_ =	shalt  }
0x5d: {  	_ =	shalt  }
0x5e: {  	_ =	shalt  }
0x5f: {  	_ =	shalt  }
0x60: {  	_ =	shalt  }
0x61: {  	_ =	shalt  }
0x62: {  	_ =	shalt  }
0x63: {  	_ =	shalt  }
0x64: {  	_ =	shalt  }
0x65: {  	_ =	shalt  }
0x66: {  	_ =	shalt  }
0x67: {  	_ =	shalt  }
0x68: {  	_ =	shalt  }
0x69: {  	_ =	shalt  }
0x6a: {  	_ =	shalt  }
0x6b: {  	_ =	shalt  }
0x6c: {  	_ =	shalt  }
0x6d: {  	_ =	shalt  }
0x6e: {  	_ =	shalt  }
0x6f: {  	_ =	shalt  }
0x70: {  	_ =	shalt  }
0x71: {  	_ =	shalt  }
0x72: {  	_ =	shalt  }
0x73: {  	_ =	shalt  }
0x74: {  	_ =	shalt  }
0x75: {  	_ =	shalt  }
0x76: {  	_ =	shalt  }
0x77: {  	_ =	shalt  }
0x78: {  	_ =	shalt  }
0x79: {  	_ =	shalt  }
0x7a: {  	_ =	shalt  }
0x7b: {  	_ =	shalt  }
0x7c: {  	_ =	shalt  }
0x7d: {  	_ =	shalt  }
0x7e: {  	_ =	shalt  }
0x7f: {  	_ =	shalt  }
0x80: {  	_ =	shalt  }
0x81: {  	_ =	shalt  }
0x82: {  	_ =	shalt  }
0x83: {  	_ =	shalt  }
0x84: {  	_ =	shalt  }
0x85: {  	_ =	shalt  }
0x86: {  	_ =	shalt  }
0x87: {  	_ =	shalt  }
.Lfunc_end0:
.L_simem_size_0:
called_computation_lowered:
.L_overlay_start_0:
0x88: {  	s2 =	sld [smem:$0x3FD9]  }
0x89: {  	s3 =	sld [smem:$0x3FFE];
	_ =	sdelay $0x1  }
0x8a: {  	s1 =	srdreg.scid  }
0x8b: {  	s0 =	sand.u32 $0x1, s1  }
0x8c: {  	s17 =	sshll.u32 s0, $0xA;
	s2 =	sadd.s32 s3, s2  }
0x8d: {  	s2 =	sadd.s32 s2, s17  }
0x8e: {  	[smem:$0x3FC5] =	sst s2  }
0x8f: {  	_ = 	snop  }
0x90: {  	s2 =	sld [smem:$0x3FD0];
	(tm) =	ssettm $0x1  }
0x91: {  	s18 =	sld [smem:$0x3FFB];
	_ =	sdelay $0x3  }
0x92: {  	_ =	strace s18  }
0x93: {  	s3 =	sld [smem:$0x3FFC];
	_ =	sdelay $0x3  }
0x94: {  	_ =	strace s3  }
0x95: {  	s3 =	sld [smem:$0x3FFD];
	_ =	sdelay $0x3  }
0x96: {  	_ =	strace s3  }
0x97: {  	_ =	strace $0x8FFFFFFF  }
0x98: {  	s19 =	sld [smem:$0x3FDB];
	_ =	sdelay $0x1  }
0x99: {  	s4 =	simm.s32 $_scs_section_size  }
0x9a: {  	s5 =	simm.s32 $_size__tile_overlayer_lowered;
	s6 =	simm.s32 $_tile_overlayer_lowered  }
0x9b: {  	s22 =	simm.s32 $0x1BFF;
	s21 =	sshll.u32 s6, $0x1;
	s3 =	sadd.s32 s4, s19  }
0x9c: {  	s7 =	simm.s32 $0x0;
	s20 =	sshll.u32 s5, $0x1;
	s5 =	sadd.s32 s21, s3  }
0x9d: {  	[timem:s7], [sflag:s22] =	dma.local [hbm:s5], s20  }
0x9e: {  	_ =	swait.ge [sflag:s22], s20  }
0x9f: {  	s4 =	ssub.s32 $0x0, s20;
	[sflag:s22] =	ssyncset.done $0x0  }
0xa0: {  	[sflag:s22] =	ssyncadd.s32 s4;
	_ =	sdelay $0x1  }
0xa1: {  	s23 =	simm.s32 $0x1B8B  }
0xa2: {  	_ =	swait.ge [sflag:s23], $0x1  }
0xa3: {  	[sflag:s23] =	ssyncset.done $0x0  }
0xa4: {  	s25 =	simm.s32 $0x1B8E;
	s24 =	sld [smem:$0x3FFE];
	[sflag:s23] =	ssyncadd.s32 $0xFFFFFFFF  }
0xa5: {  	s26 =	simm.s32 $execute0_lowered;
	[smem:$0x3FD2] =	sst s25  }
0xa6: {  	s5 =	sshll.u32 s26, $0x1;
	_ =	strace $0x80000046;
	[dreg:$0x1] =	wrdreg $0xFFFFFFFF  }
0xa7: {  	s28 =	simm.s32 $_size_execute0_lowered;
	s3 =	sadd.s32 s3, s5;
	[dreg:$0x0] =	wrdreg $0x0  }
0xa8: {  	s5 =	sshll.u32 s28, $0x1;
	[dreg:$0x2] =	wrdreg s3  }
0xa9: {  	[dreg:$0x3] =	wrdreg s5  }
0xaa: {  	[dreg:$0x4] =	wrdreg $0xC0  }
0xab: {  	_ =	task [dreg:s7], $0x5FFFF  }
0xac: {  	[dreg:$0x1] =	wrdreg $0xFFFFFFFF  }
0xad: {  	[dreg:$0x0] =	wrdreg $0x60  }
0xae: {  	[dreg:$0x2] =	wrdreg s24  }
0xaf: {  	[dreg:$0x3] =	wrdreg s2  }
0xb0: {  	[dreg:$0x4] =	wrdreg $0x9  }
0xb1: {  	_ =	task.clear_ibuf [dreg:s7], $0x5FFFF;
	_ =	strace $0x90000046  }
0xb2: {  	s29 =	simm.s32 $0x9;
	_ =	strace $0x80000048  }
0xb3: {  	_ =	swait.ge [sflag:s29], $0x1  }
0xb4: {  	[sflag:s29] =	ssyncadd.s32 $0xFFFFFFFF  }
0xb5: {  	_ =	strace $0x90000048  }
0xb6: {  	_ =	sfence  }
0xb7: {  	s30 =	sld [smem:$0x0];
	_ =	sdelay $0x2  }
0xb8: {  	s31 =	sshll.u32 s1, $0xD;
	s1 =	sshrl.u32 s1, $0x2  }
0xb9: {  	s3 =	sand.u32 $0x4000, s31;
	s1 =	sadd.s32 s1, s30  }
0xba: {  	s0 =	sor.u32 s3, s0;
	s1 =	sshll.u32 s1, $0x11  }
0xbb: {  	s0 =	sor.u32 s1, s0  }
0xbc: {  	s0 =	sadd.s32 $0x8F2B, s0  }
0xbd: {  	[sflag:s0] =	ssyncadd.remote.s32 $0x1  }
0xbe: {  	_ =	sfence.sel $0xFFFF  }
0xbf: {  	[dreg:$0x0] =	wrdreg $0xFFFFFFFF;
	(pc) =	sbr.abs _section_cstart, $3  }
0xc0: {  	[dreg:$0x1] =	wrdreg $0xFFFFFFFF  }
0xc1: {  	_ =	task.clear_ibuf [dreg:s7], $0x2FFFF;
	_ =	strace $0x9FFFFFFF  }
0xc2: {  	(tm) =	ssettm $0x7FFFFFFF  }
0xc3: {  	_ =	shalt  }
tec
execute0_lowered:
.L_overlay_start_1:
0x0: {  	(tag) =	ssettag $0x1  }
0x1: {  	s0 =	rddreg [dreg:$0x0]  }
0x2: {  	s1 =	srdreg.scid;
	s2 =	stileid.u32  }
0x3: {  	s4 =	rddreg [dreg:$0x1];
	s11 =	simm.s32 $0x2;
	s13 =	simm.s32 $0x64  }
0x4: {  	s14 =	simm.s32 $0x3300;
	s16 =	simm.s32 $0x3F80;
	s18 =	simm.s32 $0x4C00  }
0x5: {  	s20 =	simm.s32 $0x5880;
	s22 =	simm.s32 $0x6500;
	s24 =	simm.s32 $0x7180  }
0x6: {  	s29 =	simm.s32 $0x8A80;
	s31 =	simm.s32 $0x9700;
	s15 =	simm.s32 $0xB000  }
0x7: {  	s19 =	simm.s32 $0xBC80;
	s23 =	simm.s32 $0xC900;
	s28 =	simm.s32 $0xD580  }
0x8: {  	s17 =	simm.s32 $0xEE80;
	s1 =	sand.u32 $0x1, s1;
	s3 =	sshll.u32 s2, $0x1  }
0x9: {  	s21 =	simm.s32 $0x1;
	s2 =	simm.s32 $0x0;
	s5 =	sor.u32 s1, s3  }
0xa: {  	[smem:$0x7FF] =	sst s2;
	s1 =	ssub.s32 $0x2, s1;
	s3 =	smul.u32 $0x340, s5  }
0xb: {  	_ =	strace $0x80000047;
	s6 =	smul.u32 $0x32000, s5;
	s8 =	sshrl.u32 s1, $0x1  }
0xc: {  	s9 =	smul.u32 $0x6400, s5;
	s26 =	ssub.s32 s1, s8;
	s1 =	simm.s32 $0xE200  }
0xd: {  	s7 =	sadd.s32 s3, s0;
	s3 =	sadd.s32 $0xF42C00, s0;
	s25 =	sshrl.u32 s6, $0x3  }
0xe: {  	s0 =	sadd.s32 $0x7000, s0;
	s6 =	sadd.s32 s4, s9;
	s10 =	smax.u32 s26, $0x1  }
0xf: {  	s26 =	simm.s32 $0x7E00;
	[dreg:$0x3] =	wrdreg s0;
	s30 =	sadd.s32 s4, s25  }
0x10: {  	s5 =	sadd.s32 $0x800, s7;
	s0 =	simm.s32 $0xA380;
	s25 =	simm.s32 $0x0  }
0x11: {  	s7 =	sadd.s32 $0x1900, s30;
	s8 =	sadd.s32 $0x3200, s30;
	s9 =	sadd.s32 $0x4B00, s30  }
.LBB2_1:
0x12: {  	[tilespmem:s2], [sflag:$0x2] =	stream.linear.gather [hbm4b:s5+s2], $0x1A00, $0x38;
	[tilespmem:$0xFB00] =	vst v63  }
0x13: {  	_ =	swait.ge [sflag:s11], $0x1A00  }
0x14: {  	[sflag:s11] =	ssyncset.done $0x0  }
0x15: {  	s12 =	simm.s32 $0x1A00;
	s4 =	rddreg [dreg:$0x3];
	[sflag:s11] =	ssyncadd.s32 $0xFFFFE600  }
0x16: {  	[tilespmem:s12], [sflag:$0x2] =	stream.linear.gather [hbm4b:s4+s2], $0x1900, $0x38;
	[tilespmem:$0xFB00] =	vst v63  }
0x17: {  	_ =	swait.ge [sflag:s11], $0x1900  }
0x18: {  	[sflag:s11] =	ssyncset.done $0x0  }
0x19: {  	[sflag:s11] =	ssyncadd.s32 $0xFFFFE700  }
0x1a: {  	[tilespmem:s14], [sflag:$0x1] =	stream.indirect.gather [hbm4b:s3+s13], $0x20, s2, s13, $0xb8;
	[tilespmem:$0xFB00] =	vst v63  }
0x1b: {  	s12 =	simm.s32 $0x68  }
0x1c: {  	[tilespmem:s16], [sflag:$0x1] =	stream.indirect.gather [hbm4b:s3+s13], $0x20, s12, s13, $0xb8;
	[tilespmem:$0xFB00] =	vst v63  }
0x1d: {  	s12 =	simm.s32 $0xD0  }
0x1e: {  	[tilespmem:s18], [sflag:$0x1] =	stream.indirect.gather [hbm4b:s3+s13], $0x20, s12, s13, $0xb8;
	[tilespmem:$0xFB00] =	vst v63  }
0x1f: {  	s12 =	simm.s32 $0x138  }
0x20: {  	[tilespmem:s20], [sflag:$0x1] =	stream.indirect.gather [hbm4b:s3+s13], $0x20, s12, s13, $0xb8;
	[tilespmem:$0xFB00] =	vst v63  }
0x21: {  	s12 =	simm.s32 $0x1A0  }
0x22: {  	[tilespmem:s22], [sflag:$0x1] =	stream.indirect.gather [hbm4b:s3+s13], $0x20, s12, s13, $0xb8;
	[tilespmem:$0xFB00] =	vst v63  }
0x23: {  	s12 =	simm.s32 $0x208  }
0x24: {  	[tilespmem:s24], [sflag:$0x1] =	stream.indirect.gather [hbm4b:s3+s13], $0x20, s12, s13, $0xb8;
	[tilespmem:$0xFB00] =	vst v63  }
0x25: {  	s12 =	simm.s32 $0x270  }
0x26: {  	[tilespmem:s26], [sflag:$0x1] =	stream.indirect.gather [hbm4b:s3+s13], $0x20, s12, s13, $0xb8;
	[tilespmem:$0xFB00] =	vst v63  }
0x27: {  	s12 =	simm.s32 $0x2D8  }
0x28: {  	[tilespmem:s29], [sflag:$0x1] =	stream.indirect.gather [hbm4b:s3+s13], $0x20, s12, s13, $0xb8;
	[tilespmem:$0xFB00] =	vst v63  }
0x29: {  	s12 =	simm.s32 $0x340  }
0x2a: {  	[tilespmem:s31], [sflag:$0x1] =	stream.indirect.gather [hbm4b:s3+s13], $0x20, s12, s13, $0xb8;
	[tilespmem:$0xFB00] =	vst v63  }
0x2b: {  	s12 =	simm.s32 $0x3A8  }
0x2c: {  	[tilespmem:s0], [sflag:$0x1] =	stream.indirect.gather [hbm4b:s3+s13], $0x20, s12, s13, $0xb8;
	[tilespmem:$0xFB00] =	vst v63  }
0x2d: {  	s12 =	simm.s32 $0x410  }
0x2e: {  	[tilespmem:s15], [sflag:$0x1] =	stream.indirect.gather [hbm4b:s3+s13], $0x20, s12, s13, $0xb8;
	[tilespmem:$0xFB00] =	vst v63  }
0x2f: {  	s12 =	simm.s32 $0x478  }
0x30: {  	[tilespmem:s19], [sflag:$0x1] =	stream.indirect.gather [hbm4b:s3+s13], $0x20, s12, s13, $0xb8;
	[tilespmem:$0xFB00] =	vst v63  }
0x31: {  	s12 =	simm.s32 $0x4E0  }
0x32: {  	[tilespmem:s23], [sflag:$0x1] =	stream.indirect.gather [hbm4b:s3+s13], $0x20, s12, s13, $0xb8;
	[tilespmem:$0xFB00] =	vst v63  }
0x33: {  	s12 =	simm.s32 $0x548  }
0x34: {  	[tilespmem:s28], [sflag:$0x1] =	stream.indirect.gather [hbm4b:s3+s13], $0x20, s12, s13, $0xb8;
	[tilespmem:$0xFB00] =	vst v63  }
0x35: {  	s12 =	simm.s32 $0x5B0  }
0x36: {  	[tilespmem:s1], [sflag:$0x1] =	stream.indirect.gather [hbm4b:s3+s13], $0x20, s12, s13, $0xb8;
	[tilespmem:$0xFB00] =	vst v63  }
0x37: {  	s12 =	simm.s32 $0x618  }
0x38: {  	[tilespmem:s17], [sflag:$0x1] =	stream.indirect.gather [hbm4b:s3+s13], $0x20, s12, s13, $0xb8;
	[tilespmem:$0xFB00] =	vst v63  }
0x39: {  	_ =	swait.ge [sflag:s21], $0xC80  }
0x3a: {  	[sflag:s21] =	ssyncset.done $0x0  }
0x3b: {  	[sflag:s21] =	ssyncadd.s32 $0xFFFFF380  }
0x3c: {  	_ =	swait.ge [sflag:s21], $0xC80  }
0x3d: {  	[sflag:s21] =	ssyncset.done $0x0  }
0x3e: {  	[sflag:s21] =	ssyncadd.s32 $0xFFFFF380  }
0x3f: {  	_ =	swait.ge [sflag:s21], $0xC80  }
0x40: {  	[sflag:s21] =	ssyncset.done $0x0  }
0x41: {  	[sflag:s21] =	ssyncadd.s32 $0xFFFFF380  }
0x42: {  	_ =	swait.ge [sflag:s21], $0xC80  }
0x43: {  	[sflag:s21] =	ssyncset.done $0x0  }
0x44: {  	[sflag:s21] =	ssyncadd.s32 $0xFFFFF380  }
0x45: {  	_ =	swait.ge [sflag:s21], $0xC80  }
0x46: {  	[sflag:s21] =	ssyncset.done $0x0  }
0x47: {  	[sflag:s21] =	ssyncadd.s32 $0xFFFFF380  }
0x48: {  	_ =	swait.ge [sflag:s21], $0xC80  }
0x49: {  	[sflag:s21] =	ssyncset.done $0x0  }
0x4a: {  	[sflag:s21] =	ssyncadd.s32 $0xFFFFF380  }
0x4b: {  	_ =	swait.ge [sflag:s21], $0xC80  }
0x4c: {  	[sflag:s21] =	ssyncset.done $0x0  }
0x4d: {  	[sflag:s21] =	ssyncadd.s32 $0xFFFFF380  }
0x4e: {  	_ =	swait.ge [sflag:s21], $0xC80  }
0x4f: {  	[sflag:s21] =	ssyncset.done $0x0  }
0x50: {  	[sflag:s21] =	ssyncadd.s32 $0xFFFFF380  }
0x51: {  	_ =	swait.ge [sflag:s21], $0xC80  }
0x52: {  	[sflag:s21] =	ssyncset.done $0x0  }
0x53: {  	[sflag:s21] =	ssyncadd.s32 $0xFFFFF380  }
0x54: {  	_ =	swait.ge [sflag:s21], $0xC80  }
0x55: {  	[sflag:s21] =	ssyncset.done $0x0  }
0x56: {  	[sflag:s21] =	ssyncadd.s32 $0xFFFFF380  }
0x57: {  	_ =	swait.ge [sflag:s21], $0xC80  }
0x58: {  	[sflag:s21] =	ssyncset.done $0x0  }
0x59: {  	[sflag:s21] =	ssyncadd.s32 $0xFFFFF380  }
0x5a: {  	_ =	swait.ge [sflag:s21], $0xC80  }
0x5b: {  	[sflag:s21] =	ssyncset.done $0x0  }
0x5c: {  	[sflag:s21] =	ssyncadd.s32 $0xFFFFF380  }
0x5d: {  	_ =	swait.ge [sflag:s21], $0xC80  }
0x5e: {  	[sflag:s21] =	ssyncset.done $0x0  }
0x5f: {  	[sflag:s21] =	ssyncadd.s32 $0xFFFFF380  }
0x60: {  	_ =	swait.ge [sflag:s21], $0xC80  }
0x61: {  	[sflag:s21] =	ssyncset.done $0x0  }
0x62: {  	[sflag:s21] =	ssyncadd.s32 $0xFFFFF380  }
0x63: {  	_ =	swait.ge [sflag:s21], $0xC80  }
0x64: {  	[sflag:s21] =	ssyncset.done $0x0  }
0x65: {  	[sflag:s21] =	ssyncadd.s32 $0xFFFFF380  }
0x66: {  	_ =	swait.ge [sflag:s21], $0xC80  }
0x67: {  	[sflag:s21] =	ssyncset.done $0x0  }
0x68: {  	s30 =	simm.s32 $0x0;
	[sflag:s21] =	ssyncadd.s32 $0xFFFFF380  }
0x69: {  	v0 =	vld [tilespmem:s30+$0x1A10]  }
0x6a: {  	v1 =	vld [tilespmem:s30+$0x1A00];
	_ =	sdelay $0x3  }
0x6b: {  	[tilespmem:s30+$0xE210] =	vst.add.f32.msk $0xffff, v0  }
0x6c: {  	[tilespmem:s30+$0x3300] =	vst.add.f32.msk $0xffff, v1  }
0x6d: {  	[tilespmem:s30+$0x3310] =	vst.add.f32.msk $0xffff, v0  }
0x6e: {  	[tilespmem:s30+$0x4C00] =	vst.add.f32.msk $0xffff, v1  }
0x6f: {  	[tilespmem:s30+$0x4C10] =	vst.add.f32.msk $0xffff, v0  }
0x70: {  	[tilespmem:s30+$0x6500] =	vst.add.f32.msk $0xffff, v1  }
0x71: {  	[tilespmem:s30+$0x6510] =	vst.add.f32.msk $0xffff, v0  }
0x72: {  	[tilespmem:s30+$0x7E00] =	vst.add.f32.msk $0xffff, v1  }
0x73: {  	[tilespmem:s30+$0x7E10] =	vst.add.f32.msk $0xffff, v0  }
0x74: {  	[tilespmem:s30+$0x9700] =	vst.add.f32.msk $0xffff, v1  }
0x75: {  	[tilespmem:s30+$0x9710] =	vst.add.f32.msk $0xffff, v0  }
0x76: {  	[tilespmem:s30+$0xB000] =	vst.add.f32.msk $0xffff, v1  }
0x77: {  	s4 =	simm.s32 $0x20;
	s12 =	simm.s32 $0x100;
	[tilespmem:s30+$0xB010] =	vst.add.f32.msk $0xffff, v0  }
.LBB2_2:
0x78: {  	p0 =	sne.s32 s12, $0x6380;
	v2 =	vld [tilespmem:s4+$0x1A10]  }
0x79: {  	v3 =	vld [tilespmem:s4+$0x1A00]  }
0x7a: {  	[tilespmem:s30+$0xC900] =	vst.add.f32.msk $0xffff, v1  }
0x7b: {  	[tilespmem:s30+$0xC910] =	vst.add.f32.msk $0xffff, v0  }
0x7c: {  	[tilespmem:s30+$0xE200] =	vst.add.f32.msk $0xffff, v1;
	s30 =	smov.u32 s4  }
0x7d: {  	[tilespmem:s30+$0xE210] =	vst.add.f32.msk $0xffff, v2;
	v0 =	vmov v2  }
0x7e: {  	[tilespmem:s30+$0x3300] =	vst.add.f32.msk $0xffff, v3;
	v1 =	vmov v3  }
0x7f: {  	[tilespmem:s30+$0x3310] =	vst.add.f32.msk $0xffff, v0  }
0x80: {  	[tilespmem:s30+$0x4C00] =	vst.add.f32.msk $0xffff, v1  }
0x81: {  	[tilespmem:s30+$0x4C10] =	vst.add.f32.msk $0xffff, v0  }
0x82: {  	[tilespmem:s30+$0x6500] =	vst.add.f32.msk $0xffff, v1  }
0x83: {  	[tilespmem:s30+$0x6510] =	vst.add.f32.msk $0xffff, v0  }
0x84: {  	[tilespmem:s30+$0x7E00] =	vst.add.f32.msk $0xffff, v1  }
.Ltmp0:
0x85: {  	[tilespmem:s30+$0x7E10] =	vst.add.f32.msk $0xffff, v0;
	(pc) =	sbr.rel @p0 .LBB2_2-.Ltmp0, $4  }
0x86: {  	[tilespmem:s30+$0x9700] =	vst.add.f32.msk $0xffff, v1  }
0x87: {  	[tilespmem:s30+$0x9710] =	vst.add.f32.msk $0xffff, v0  }
0x88: {  	[tilespmem:s30+$0xB000] =	vst.add.f32.msk $0xffff, v1  }
0x89: {  	s4 =	sshra.s32 s12, $0x2;
	s12 =	sadd.s32 $0x80, s12;
	[tilespmem:s30+$0xB010] =	vst.add.f32.msk $0xffff, v0  }
0x8a: {  	v2 =	vld [tilespmem:s4+$0x1A10]  }
0x8b: {  	v3 =	vld [tilespmem:s4+$0x1A00]  }
0x8c: {  	[tilespmem:s30+$0xC900] =	vst.add.f32.msk $0xffff, v1  }
0x8d: {  	[tilespmem:s30+$0xC910] =	vst.add.f32.msk $0xffff, v0  }
0x8e: {  	[tilespmem:s30+$0xE200] =	vst.add.f32.msk $0xffff, v1  }
0x8f: {  	[tilespmem:s4+$0xE210] =	vst.add.f32.msk $0xffff, v2  }
0x90: {  	[tilespmem:s4+$0x3300] =	vst.add.f32.msk $0xffff, v3  }
0x91: {  	[tilespmem:s4+$0x3310] =	vst.add.f32.msk $0xffff, v2  }
0x92: {  	[tilespmem:s4+$0x4C00] =	vst.add.f32.msk $0xffff, v3  }
0x93: {  	[tilespmem:s4+$0x4C10] =	vst.add.f32.msk $0xffff, v2  }
0x94: {  	[tilespmem:s4+$0x6500] =	vst.add.f32.msk $0xffff, v3  }
0x95: {  	[tilespmem:s4+$0x6510] =	vst.add.f32.msk $0xffff, v2  }
0x96: {  	[tilespmem:s4+$0x7E00] =	vst.add.f32.msk $0xffff, v3  }
0x97: {  	[tilespmem:s4+$0x7E10] =	vst.add.f32.msk $0xffff, v2  }
0x98: {  	[tilespmem:s4+$0x9700] =	vst.add.f32.msk $0xffff, v3  }
0x99: {  	[tilespmem:s4+$0x9710] =	vst.add.f32.msk $0xffff, v2  }
0x9a: {  	[tilespmem:s4+$0xB000] =	vst.add.f32.msk $0xffff, v3  }
0x9b: {  	[tilespmem:s4+$0xB010] =	vst.add.f32.msk $0xffff, v2  }
0x9c: {  	[tilespmem:s4+$0xC900] =	vst.add.f32.msk $0xffff, v3  }
0x9d: {  	[tilespmem:s4+$0xC910] =	vst.add.f32.msk $0xffff, v2  }
0x9e: {  	s12 =	simm.s32 $0x0;
	[tilespmem:s4+$0xE200] =	vst.add.f32.msk $0xffff, v3  }
0x9f: {  	[hbm4b:s6+s12] =	stream.linear.scatter [tilespmem:s14], [sflag:$0x2], $0xC800, $0x38;
	[tilespmem:$0xFB00] =	vst v63  }
0xa0: {  	_ =	swait.ge [sflag:s11], $0xC800  }
0xa1: {  	[sflag:s11] =	ssyncset.done $0x0  }
0xa2: {  	s12 =	simm.s32 $0x680;
	[sflag:s11] =	ssyncadd.s32 $0xFFFF3800  }
0xa3: {  	[tilespmem:s14], [sflag:$0x1] =	stream.indirect.gather [hbm4b:s3+s13], $0x20, s12, s13, $0xb8;
	[tilespmem:$0xFB00] =	vst v63  }
0xa4: {  	s12 =	simm.s32 $0x6E8  }
0xa5: {  	[tilespmem:s16], [sflag:$0x1] =	stream.indirect.gather [hbm4b:s3+s13], $0x20, s12, s13, $0xb8;
	[tilespmem:$0xFB00] =	vst v63  }
0xa6: {  	s12 =	simm.s32 $0x750  }
0xa7: {  	[tilespmem:s18], [sflag:$0x1] =	stream.indirect.gather [hbm4b:s3+s13], $0x20, s12, s13, $0xb8;
	[tilespmem:$0xFB00] =	vst v63  }
0xa8: {  	s12 =	simm.s32 $0x7B8  }
0xa9: {  	[tilespmem:s20], [sflag:$0x1] =	stream.indirect.gather [hbm4b:s3+s13], $0x20, s12, s13, $0xb8;
	[tilespmem:$0xFB00] =	vst v63  }
0xaa: {  	s12 =	simm.s32 $0x820  }
0xab: {  	[tilespmem:s22], [sflag:$0x1] =	stream.indirect.gather [hbm4b:s3+s13], $0x20, s12, s13, $0xb8;
	[tilespmem:$0xFB00] =	vst v63  }
0xac: {  	s12 =	simm.s32 $0x888  }
0xad: {  	[tilespmem:s24], [sflag:$0x1] =	stream.indirect.gather [hbm4b:s3+s13], $0x20, s12, s13, $0xb8;
	[tilespmem:$0xFB00] =	vst v63  }
0xae: {  	s12 =	simm.s32 $0x8F0  }
0xaf: {  	[tilespmem:s26], [sflag:$0x1] =	stream.indirect.gather [hbm4b:s3+s13], $0x20, s12, s13, $0xb8;
	[tilespmem:$0xFB00] =	vst v63  }
0xb0: {  	s12 =	simm.s32 $0x958  }
0xb1: {  	[tilespmem:s29], [sflag:$0x1] =	stream.indirect.gather [hbm4b:s3+s13], $0x20, s12, s13, $0xb8;
	[tilespmem:$0xFB00] =	vst v63  }
0xb2: {  	s12 =	simm.s32 $0x9C0  }
0xb3: {  	[tilespmem:s31], [sflag:$0x1] =	stream.indirect.gather [hbm4b:s3+s13], $0x20, s12, s13, $0xb8;
	[tilespmem:$0xFB00] =	vst v63  }
0xb4: {  	s12 =	simm.s32 $0xA28  }
0xb5: {  	[tilespmem:s0], [sflag:$0x1] =	stream.indirect.gather [hbm4b:s3+s13], $0x20, s12, s13, $0xb8;
	[tilespmem:$0xFB00] =	vst v63  }
0xb6: {  	s12 =	simm.s32 $0xA90  }
0xb7: {  	[tilespmem:s15], [sflag:$0x1] =	stream.indirect.gather [hbm4b:s3+s13], $0x20, s12, s13, $0xb8;
	[tilespmem:$0xFB00] =	vst v63  }
0xb8: {  	s12 =	simm.s32 $0xAF8  }
0xb9: {  	[tilespmem:s19], [sflag:$0x1] =	stream.indirect.gather [hbm4b:s3+s13], $0x20, s12, s13, $0xb8;
	[tilespmem:$0xFB00] =	vst v63  }
0xba: {  	s12 =	simm.s32 $0xB60  }
0xbb: {  	[tilespmem:s23], [sflag:$0x1] =	stream.indirect.gather [hbm4b:s3+s13], $0x20, s12, s13, $0xb8;
	[tilespmem:$0xFB00] =	vst v63  }
0xbc: {  	s12 =	simm.s32 $0xBC8  }
0xbd: {  	[tilespmem:s28], [sflag:$0x1] =	stream.indirect.gather [hbm4b:s3+s13], $0x20, s12, s13, $0xb8;
	[tilespmem:$0xFB00] =	vst v63  }
0xbe: {  	s12 =	simm.s32 $0xC30  }
0xbf: {  	[tilespmem:s1], [sflag:$0x1] =	stream.indirect.gather [hbm4b:s3+s13], $0x20, s12, s13, $0xb8;
	[tilespmem:$0xFB00] =	vst v63  }
0xc0: {  	s12 =	simm.s32 $0xC98  }
0xc1: {  	[tilespmem:s17], [sflag:$0x1] =	stream.indirect.gather [hbm4b:s3+s13], $0x20, s12, s13, $0xb8;
	[tilespmem:$0xFB00] =	vst v63  }
0xc2: {  	_ =	swait.ge [sflag:s21], $0xC80  }
0xc3: {  	[sflag:s21] =	ssyncset.done $0x0  }
0xc4: {  	[sflag:s21] =	ssyncadd.s32 $0xFFFFF380  }
0xc5: {  	_ =	swait.ge [sflag:s21], $0xC80  }
0xc6: {  	[sflag:s21] =	ssyncset.done $0x0  }
0xc7: {  	[sflag:s21] =	ssyncadd.s32 $0xFFFFF380  }
0xc8: {  	_ =	swait.ge [sflag:s21], $0xC80  }
0xc9: {  	[sflag:s21] =	ssyncset.done $0x0  }
0xca: {  	[sflag:s21] =	ssyncadd.s32 $0xFFFFF380  }
0xcb: {  	_ =	swait.ge [sflag:s21], $0xC80  }
0xcc: {  	[sflag:s21] =	ssyncset.done $0x0  }
0xcd: {  	[sflag:s21] =	ssyncadd.s32 $0xFFFFF380  }
0xce: {  	_ =	swait.ge [sflag:s21], $0xC80  }
0xcf: {  	[sflag:s21] =	ssyncset.done $0x0  }
0xd0: {  	[sflag:s21] =	ssyncadd.s32 $0xFFFFF380  }
0xd1: {  	_ =	swait.ge [sflag:s21], $0xC80  }
0xd2: {  	[sflag:s21] =	ssyncset.done $0x0  }
0xd3: {  	[sflag:s21] =	ssyncadd.s32 $0xFFFFF380  }
0xd4: {  	_ =	swait.ge [sflag:s21], $0xC80  }
0xd5: {  	[sflag:s21] =	ssyncset.done $0x0  }
0xd6: {  	[sflag:s21] =	ssyncadd.s32 $0xFFFFF380  }
0xd7: {  	_ =	swait.ge [sflag:s21], $0xC80  }
0xd8: {  	[sflag:s21] =	ssyncset.done $0x0  }
0xd9: {  	[sflag:s21] =	ssyncadd.s32 $0xFFFFF380  }
0xda: {  	_ =	swait.ge [sflag:s21], $0xC80  }
0xdb: {  	[sflag:s21] =	ssyncset.done $0x0  }
0xdc: {  	[sflag:s21] =	ssyncadd.s32 $0xFFFFF380  }
0xdd: {  	_ =	swait.ge [sflag:s21], $0xC80  }
0xde: {  	[sflag:s21] =	ssyncset.done $0x0  }
0xdf: {  	[sflag:s21] =	ssyncadd.s32 $0xFFFFF380  }
0xe0: {  	_ =	swait.ge [sflag:s21], $0xC80  }
0xe1: {  	[sflag:s21] =	ssyncset.done $0x0  }
0xe2: {  	[sflag:s21] =	ssyncadd.s32 $0xFFFFF380  }
0xe3: {  	_ =	swait.ge [sflag:s21], $0xC80  }
0xe4: {  	[sflag:s21] =	ssyncset.done $0x0  }
0xe5: {  	[sflag:s21] =	ssyncadd.s32 $0xFFFFF380  }
0xe6: {  	_ =	swait.ge [sflag:s21], $0xC80  }
0xe7: {  	[sflag:s21] =	ssyncset.done $0x0  }
0xe8: {  	[sflag:s21] =	ssyncadd.s32 $0xFFFFF380  }
0xe9: {  	_ =	swait.ge [sflag:s21], $0xC80  }
0xea: {  	[sflag:s21] =	ssyncset.done $0x0  }
0xeb: {  	[sflag:s21] =	ssyncadd.s32 $0xFFFFF380  }
0xec: {  	_ =	swait.ge [sflag:s21], $0xC80  }
0xed: {  	[sflag:s21] =	ssyncset.done $0x0  }
0xee: {  	[sflag:s21] =	ssyncadd.s32 $0xFFFFF380  }
0xef: {  	_ =	swait.ge [sflag:s21], $0xC80  }
0xf0: {  	[sflag:s21] =	ssyncset.done $0x0  }
0xf1: {  	s30 =	simm.s32 $0x0;
	[sflag:s21] =	ssyncadd.s32 $0xFFFFF380  }
0xf2: {  	v0 =	vld [tilespmem:s30+$0x1A10]  }
0xf3: {  	v1 =	vld [tilespmem:s30+$0x1A00];
	_ =	sdelay $0x3  }
0xf4: {  	[tilespmem:s30+$0xE210] =	vst.add.f32.msk $0xffff, v0  }
0xf5: {  	[tilespmem:s30+$0x3300] =	vst.add.f32.msk $0xffff, v1  }
0xf6: {  	[tilespmem:s30+$0x3310] =	vst.add.f32.msk $0xffff, v0  }
0xf7: {  	[tilespmem:s30+$0x4C00] =	vst.add.f32.msk $0xffff, v1  }
0xf8: {  	[tilespmem:s30+$0x4C10] =	vst.add.f32.msk $0xffff, v0  }
0xf9: {  	[tilespmem:s30+$0x6500] =	vst.add.f32.msk $0xffff, v1  }
0xfa: {  	[tilespmem:s30+$0x6510] =	vst.add.f32.msk $0xffff, v0  }
0xfb: {  	[tilespmem:s30+$0x7E00] =	vst.add.f32.msk $0xffff, v1  }
0xfc: {  	[tilespmem:s30+$0x7E10] =	vst.add.f32.msk $0xffff, v0  }
0xfd: {  	[tilespmem:s30+$0x9700] =	vst.add.f32.msk $0xffff, v1  }
0xfe: {  	[tilespmem:s30+$0x9710] =	vst.add.f32.msk $0xffff, v0  }
0xff: {  	[tilespmem:s30+$0xB000] =	vst.add.f32.msk $0xffff, v1  }
0x100: {  	s4 =	simm.s32 $0x20;
	s12 =	simm.s32 $0x100;
	[tilespmem:s30+$0xB010] =	vst.add.f32.msk $0xffff, v0  }
.LBB2_4:
0x101: {  	p0 =	sne.s32 s12, $0x6380;
	v2 =	vld [tilespmem:s4+$0x1A10]  }
0x102: {  	v3 =	vld [tilespmem:s4+$0x1A00]  }
0x103: {  	[tilespmem:s30+$0xC900] =	vst.add.f32.msk $0xffff, v1  }
0x104: {  	[tilespmem:s30+$0xC910] =	vst.add.f32.msk $0xffff, v0  }
0x105: {  	[tilespmem:s30+$0xE200] =	vst.add.f32.msk $0xffff, v1;
	s30 =	smov.u32 s4  }
0x106: {  	[tilespmem:s30+$0xE210] =	vst.add.f32.msk $0xffff, v2;
	v0 =	vmov v2  }
0x107: {  	[tilespmem:s30+$0x3300] =	vst.add.f32.msk $0xffff, v3;
	v1 =	vmov v3  }
0x108: {  	[tilespmem:s30+$0x3310] =	vst.add.f32.msk $0xffff, v0  }
0x109: {  	[tilespmem:s30+$0x4C00] =	vst.add.f32.msk $0xffff, v1  }
0x10a: {  	[tilespmem:s30+$0x4C10] =	vst.add.f32.msk $0xffff, v0  }
0x10b: {  	[tilespmem:s30+$0x6500] =	vst.add.f32.msk $0xffff, v1  }
0x10c: {  	[tilespmem:s30+$0x6510] =	vst.add.f32.msk $0xffff, v0  }
0x10d: {  	[tilespmem:s30+$0x7E00] =	vst.add.f32.msk $0xffff, v1  }
.Ltmp1:
0x10e: {  	[tilespmem:s30+$0x7E10] =	vst.add.f32.msk $0xffff, v0;
	(pc) =	sbr.rel @p0 .LBB2_4-.Ltmp1, $4  }
0x10f: {  	[tilespmem:s30+$0x9700] =	vst.add.f32.msk $0xffff, v1  }
0x110: {  	[tilespmem:s30+$0x9710] =	vst.add.f32.msk $0xffff, v0  }
0x111: {  	[tilespmem:s30+$0xB000] =	vst.add.f32.msk $0xffff, v1  }
0x112: {  	s4 =	sshra.s32 s12, $0x2;
	s12 =	sadd.s32 $0x80, s12;
	[tilespmem:s30+$0xB010] =	vst.add.f32.msk $0xffff, v0  }
0x113: {  	v2 =	vld [tilespmem:s4+$0x1A10]  }
0x114: {  	v3 =	vld [tilespmem:s4+$0x1A00]  }
0x115: {  	[tilespmem:s30+$0xC900] =	vst.add.f32.msk $0xffff, v1  }
0x116: {  	[tilespmem:s30+$0xC910] =	vst.add.f32.msk $0xffff, v0  }
0x117: {  	[tilespmem:s30+$0xE200] =	vst.add.f32.msk $0xffff, v1  }
0x118: {  	[tilespmem:s4+$0xE210] =	vst.add.f32.msk $0xffff, v2  }
0x119: {  	[tilespmem:s4+$0x3300] =	vst.add.f32.msk $0xffff, v3  }
0x11a: {  	[tilespmem:s4+$0x3310] =	vst.add.f32.msk $0xffff, v2  }
0x11b: {  	[tilespmem:s4+$0x4C00] =	vst.add.f32.msk $0xffff, v3  }
0x11c: {  	[tilespmem:s4+$0x4C10] =	vst.add.f32.msk $0xffff, v2  }
0x11d: {  	[tilespmem:s4+$0x6500] =	vst.add.f32.msk $0xffff, v3  }
0x11e: {  	[tilespmem:s4+$0x6510] =	vst.add.f32.msk $0xffff, v2  }
0x11f: {  	[tilespmem:s4+$0x7E00] =	vst.add.f32.msk $0xffff, v3  }
0x120: {  	[tilespmem:s4+$0x7E10] =	vst.add.f32.msk $0xffff, v2  }
0x121: {  	[tilespmem:s4+$0x9700] =	vst.add.f32.msk $0xffff, v3  }
0x122: {  	[tilespmem:s4+$0x9710] =	vst.add.f32.msk $0xffff, v2  }
0x123: {  	[tilespmem:s4+$0xB000] =	vst.add.f32.msk $0xffff, v3  }
0x124: {  	[tilespmem:s4+$0xB010] =	vst.add.f32.msk $0xffff, v2  }
0x125: {  	[tilespmem:s4+$0xC900] =	vst.add.f32.msk $0xffff, v3  }
0x126: {  	[tilespmem:s4+$0xC910] =	vst.add.f32.msk $0xffff, v2  }
0x127: {  	s12 =	simm.s32 $0x0;
	[tilespmem:s4+$0xE200] =	vst.add.f32.msk $0xffff, v3  }
0x128: {  	[hbm4b:s7+s12] =	stream.linear.scatter [tilespmem:s14], [sflag:$0x2], $0xC800, $0x38;
	[tilespmem:$0xFB00] =	vst v63  }
0x129: {  	_ =	swait.ge [sflag:s11], $0xC800  }
0x12a: {  	[sflag:s11] =	ssyncset.done $0x0  }
0x12b: {  	s12 =	simm.s32 $0xD00;
	[sflag:s11] =	ssyncadd.s32 $0xFFFF3800  }
0x12c: {  	[tilespmem:s14], [sflag:$0x1] =	stream.indirect.gather [hbm4b:s3+s13], $0x20, s12, s13, $0xb8;
	[tilespmem:$0xFB00] =	vst v63  }
0x12d: {  	s12 =	simm.s32 $0xD68  }
0x12e: {  	[tilespmem:s16], [sflag:$0x1] =	stream.indirect.gather [hbm4b:s3+s13], $0x20, s12, s13, $0xb8;
	[tilespmem:$0xFB00] =	vst v63  }
0x12f: {  	s12 =	simm.s32 $0xDD0  }
0x130: {  	[tilespmem:s18], [sflag:$0x1] =	stream.indirect.gather [hbm4b:s3+s13], $0x20, s12, s13, $0xb8;
	[tilespmem:$0xFB00] =	vst v63  }
0x131: {  	s12 =	simm.s32 $0xE38  }
0x132: {  	[tilespmem:s20], [sflag:$0x1] =	stream.indirect.gather [hbm4b:s3+s13], $0x20, s12, s13, $0xb8;
	[tilespmem:$0xFB00] =	vst v63  }
0x133: {  	s12 =	simm.s32 $0xEA0  }
0x134: {  	[tilespmem:s22], [sflag:$0x1] =	stream.indirect.gather [hbm4b:s3+s13], $0x20, s12, s13, $0xb8;
	[tilespmem:$0xFB00] =	vst v63  }
0x135: {  	s12 =	simm.s32 $0xF08  }
0x136: {  	[tilespmem:s24], [sflag:$0x1] =	stream.indirect.gather [hbm4b:s3+s13], $0x20, s12, s13, $0xb8;
	[tilespmem:$0xFB00] =	vst v63  }
0x137: {  	s12 =	simm.s32 $0xF70  }
0x138: {  	[tilespmem:s26], [sflag:$0x1] =	stream.indirect.gather [hbm4b:s3+s13], $0x20, s12, s13, $0xb8;
	[tilespmem:$0xFB00] =	vst v63  }
0x139: {  	s12 =	simm.s32 $0xFD8  }
0x13a: {  	[tilespmem:s29], [sflag:$0x1] =	stream.indirect.gather [hbm4b:s3+s13], $0x20, s12, s13, $0xb8;
	[tilespmem:$0xFB00] =	vst v63  }
0x13b: {  	s12 =	simm.s32 $0x1040  }
0x13c: {  	[tilespmem:s31], [sflag:$0x1] =	stream.indirect.gather [hbm4b:s3+s13], $0x20, s12, s13, $0xb8;
	[tilespmem:$0xFB00] =	vst v63  }
0x13d: {  	s12 =	simm.s32 $0x10A8  }
0x13e: {  	[tilespmem:s0], [sflag:$0x1] =	stream.indirect.gather [hbm4b:s3+s13], $0x20, s12, s13, $0xb8;
	[tilespmem:$0xFB00] =	vst v63  }
0x13f: {  	s12 =	simm.s32 $0x1110  }
0x140: {  	[tilespmem:s15], [sflag:$0x1] =	stream.indirect.gather [hbm4b:s3+s13], $0x20, s12, s13, $0xb8;
	[tilespmem:$0xFB00] =	vst v63  }
0x141: {  	s12 =	simm.s32 $0x1178  }
0x142: {  	[tilespmem:s19], [sflag:$0x1] =	stream.indirect.gather [hbm4b:s3+s13], $0x20, s12, s13, $0xb8;
	[tilespmem:$0xFB00] =	vst v63  }
0x143: {  	s12 =	simm.s32 $0x11E0  }
0x144: {  	[tilespmem:s23], [sflag:$0x1] =	stream.indirect.gather [hbm4b:s3+s13], $0x20, s12, s13, $0xb8;
	[tilespmem:$0xFB00] =	vst v63  }
0x145: {  	s12 =	simm.s32 $0x1248  }
0x146: {  	[tilespmem:s28], [sflag:$0x1] =	stream.indirect.gather [hbm4b:s3+s13], $0x20, s12, s13, $0xb8;
	[tilespmem:$0xFB00] =	vst v63  }
0x147: {  	s12 =	simm.s32 $0x12B0  }
0x148: {  	[tilespmem:s1], [sflag:$0x1] =	stream.indirect.gather [hbm4b:s3+s13], $0x20, s12, s13, $0xb8;
	[tilespmem:$0xFB00] =	vst v63  }
0x149: {  	s12 =	simm.s32 $0x1318  }
0x14a: {  	[tilespmem:s17], [sflag:$0x1] =	stream.indirect.gather [hbm4b:s3+s13], $0x20, s12, s13, $0xb8;
	[tilespmem:$0xFB00] =	vst v63  }
0x14b: {  	_ =	swait.ge [sflag:s21], $0xC80  }
0x14c: {  	[sflag:s21] =	ssyncset.done $0x0  }
0x14d: {  	[sflag:s21] =	ssyncadd.s32 $0xFFFFF380  }
0x14e: {  	_ =	swait.ge [sflag:s21], $0xC80  }
0x14f: {  	[sflag:s21] =	ssyncset.done $0x0  }
0x150: {  	[sflag:s21] =	ssyncadd.s32 $0xFFFFF380  }
0x151: {  	_ =	swait.ge [sflag:s21], $0xC80  }
0x152: {  	[sflag:s21] =	ssyncset.done $0x0  }
0x153: {  	[sflag:s21] =	ssyncadd.s32 $0xFFFFF380  }
0x154: {  	_ =	swait.ge [sflag:s21], $0xC80  }
0x155: {  	[sflag:s21] =	ssyncset.done $0x0  }
0x156: {  	[sflag:s21] =	ssyncadd.s32 $0xFFFFF380  }
0x157: {  	_ =	swait.ge [sflag:s21], $0xC80  }
0x158: {  	[sflag:s21] =	ssyncset.done $0x0  }
0x159: {  	[sflag:s21] =	ssyncadd.s32 $0xFFFFF380  }
0x15a: {  	_ =	swait.ge [sflag:s21], $0xC80  }
0x15b: {  	[sflag:s21] =	ssyncset.done $0x0  }
0x15c: {  	[sflag:s21] =	ssyncadd.s32 $0xFFFFF380  }
0x15d: {  	_ =	swait.ge [sflag:s21], $0xC80  }
0x15e: {  	[sflag:s21] =	ssyncset.done $0x0  }
0x15f: {  	[sflag:s21] =	ssyncadd.s32 $0xFFFFF380  }
0x160: {  	_ =	swait.ge [sflag:s21], $0xC80  }
0x161: {  	[sflag:s21] =	ssyncset.done $0x0  }
0x162: {  	[sflag:s21] =	ssyncadd.s32 $0xFFFFF380  }
0x163: {  	_ =	swait.ge [sflag:s21], $0xC80  }
0x164: {  	[sflag:s21] =	ssyncset.done $0x0  }
0x165: {  	[sflag:s21] =	ssyncadd.s32 $0xFFFFF380  }
0x166: {  	_ =	swait.ge [sflag:s21], $0xC80  }
0x167: {  	[sflag:s21] =	ssyncset.done $0x0  }
0x168: {  	[sflag:s21] =	ssyncadd.s32 $0xFFFFF380  }
0x169: {  	_ =	swait.ge [sflag:s21], $0xC80  }
0x16a: {  	[sflag:s21] =	ssyncset.done $0x0  }
0x16b: {  	[sflag:s21] =	ssyncadd.s32 $0xFFFFF380  }
0x16c: {  	_ =	swait.ge [sflag:s21], $0xC80  }
0x16d: {  	[sflag:s21] =	ssyncset.done $0x0  }
0x16e: {  	[sflag:s21] =	ssyncadd.s32 $0xFFFFF380  }
0x16f: {  	_ =	swait.ge [sflag:s21], $0xC80  }
0x170: {  	[sflag:s21] =	ssyncset.done $0x0  }
0x171: {  	[sflag:s21] =	ssyncadd.s32 $0xFFFFF380  }
0x172: {  	_ =	swait.ge [sflag:s21], $0xC80  }
0x173: {  	[sflag:s21] =	ssyncset.done $0x0  }
0x174: {  	[sflag:s21] =	ssyncadd.s32 $0xFFFFF380  }
0x175: {  	_ =	swait.ge [sflag:s21], $0xC80  }
0x176: {  	[sflag:s21] =	ssyncset.done $0x0  }
0x177: {  	[sflag:s21] =	ssyncadd.s32 $0xFFFFF380  }
0x178: {  	_ =	swait.ge [sflag:s21], $0xC80  }
0x179: {  	[sflag:s21] =	ssyncset.done $0x0  }
0x17a: {  	s30 =	simm.s32 $0x0;
	[sflag:s21] =	ssyncadd.s32 $0xFFFFF380  }
0x17b: {  	v0 =	vld [tilespmem:s30+$0x1A10]  }
0x17c: {  	v1 =	vld [tilespmem:s30+$0x1A00];
	_ =	sdelay $0x3  }
0x17d: {  	[tilespmem:s30+$0xE210] =	vst.add.f32.msk $0xffff, v0  }
0x17e: {  	[tilespmem:s30+$0x3300] =	vst.add.f32.msk $0xffff, v1  }
0x17f: {  	[tilespmem:s30+$0x3310] =	vst.add.f32.msk $0xffff, v0  }
0x180: {  	[tilespmem:s30+$0x4C00] =	vst.add.f32.msk $0xffff, v1  }
0x181: {  	[tilespmem:s30+$0x4C10] =	vst.add.f32.msk $0xffff, v0  }
0x182: {  	[tilespmem:s30+$0x6500] =	vst.add.f32.msk $0xffff, v1  }
0x183: {  	[tilespmem:s30+$0x6510] =	vst.add.f32.msk $0xffff, v0  }
0x184: {  	[tilespmem:s30+$0x7E00] =	vst.add.f32.msk $0xffff, v1  }
0x185: {  	[tilespmem:s30+$0x7E10] =	vst.add.f32.msk $0xffff, v0  }
0x186: {  	[tilespmem:s30+$0x9700] =	vst.add.f32.msk $0xffff, v1  }
0x187: {  	[tilespmem:s30+$0x9710] =	vst.add.f32.msk $0xffff, v0  }
0x188: {  	[tilespmem:s30+$0xB000] =	vst.add.f32.msk $0xffff, v1  }
0x189: {  	s4 =	simm.s32 $0x20;
	s12 =	simm.s32 $0x100;
	[tilespmem:s30+$0xB010] =	vst.add.f32.msk $0xffff, v0  }
.LBB2_6:
0x18a: {  	p0 =	sne.s32 s12, $0x6380;
	v2 =	vld [tilespmem:s4+$0x1A10]  }
0x18b: {  	v3 =	vld [tilespmem:s4+$0x1A00]  }
0x18c: {  	[tilespmem:s30+$0xC900] =	vst.add.f32.msk $0xffff, v1  }
0x18d: {  	[tilespmem:s30+$0xC910] =	vst.add.f32.msk $0xffff, v0  }
0x18e: {  	[tilespmem:s30+$0xE200] =	vst.add.f32.msk $0xffff, v1;
	s30 =	smov.u32 s4  }
0x18f: {  	[tilespmem:s30+$0xE210] =	vst.add.f32.msk $0xffff, v2;
	v0 =	vmov v2  }
0x190: {  	[tilespmem:s30+$0x3300] =	vst.add.f32.msk $0xffff, v3;
	v1 =	vmov v3  }
0x191: {  	[tilespmem:s30+$0x3310] =	vst.add.f32.msk $0xffff, v0  }
0x192: {  	[tilespmem:s30+$0x4C00] =	vst.add.f32.msk $0xffff, v1  }
0x193: {  	[tilespmem:s30+$0x4C10] =	vst.add.f32.msk $0xffff, v0  }
0x194: {  	[tilespmem:s30+$0x6500] =	vst.add.f32.msk $0xffff, v1  }
0x195: {  	[tilespmem:s30+$0x6510] =	vst.add.f32.msk $0xffff, v0  }
0x196: {  	[tilespmem:s30+$0x7E00] =	vst.add.f32.msk $0xffff, v1  }
.Ltmp2:
0x197: {  	[tilespmem:s30+$0x7E10] =	vst.add.f32.msk $0xffff, v0;
	(pc) =	sbr.rel @p0 .LBB2_6-.Ltmp2, $4  }
0x198: {  	[tilespmem:s30+$0x9700] =	vst.add.f32.msk $0xffff, v1  }
0x199: {  	[tilespmem:s30+$0x9710] =	vst.add.f32.msk $0xffff, v0  }
0x19a: {  	[tilespmem:s30+$0xB000] =	vst.add.f32.msk $0xffff, v1  }
0x19b: {  	s4 =	sshra.s32 s12, $0x2;
	s12 =	sadd.s32 $0x80, s12;
	[tilespmem:s30+$0xB010] =	vst.add.f32.msk $0xffff, v0  }
0x19c: {  	v2 =	vld [tilespmem:s4+$0x1A10]  }
0x19d: {  	v3 =	vld [tilespmem:s4+$0x1A00]  }
0x19e: {  	[tilespmem:s30+$0xC900] =	vst.add.f32.msk $0xffff, v1  }
0x19f: {  	[tilespmem:s30+$0xC910] =	vst.add.f32.msk $0xffff, v0  }
0x1a0: {  	[tilespmem:s30+$0xE200] =	vst.add.f32.msk $0xffff, v1  }
0x1a1: {  	[tilespmem:s4+$0xE210] =	vst.add.f32.msk $0xffff, v2  }
0x1a2: {  	[tilespmem:s4+$0x3300] =	vst.add.f32.msk $0xffff, v3  }
0x1a3: {  	[tilespmem:s4+$0x3310] =	vst.add.f32.msk $0xffff, v2  }
0x1a4: {  	[tilespmem:s4+$0x4C00] =	vst.add.f32.msk $0xffff, v3  }
0x1a5: {  	[tilespmem:s4+$0x4C10] =	vst.add.f32.msk $0xffff, v2  }
0x1a6: {  	[tilespmem:s4+$0x6500] =	vst.add.f32.msk $0xffff, v3  }
0x1a7: {  	[tilespmem:s4+$0x6510] =	vst.add.f32.msk $0xffff, v2  }
0x1a8: {  	[tilespmem:s4+$0x7E00] =	vst.add.f32.msk $0xffff, v3  }
0x1a9: {  	[tilespmem:s4+$0x7E10] =	vst.add.f32.msk $0xffff, v2  }
0x1aa: {  	[tilespmem:s4+$0x9700] =	vst.add.f32.msk $0xffff, v3  }
0x1ab: {  	[tilespmem:s4+$0x9710] =	vst.add.f32.msk $0xffff, v2  }
0x1ac: {  	[tilespmem:s4+$0xB000] =	vst.add.f32.msk $0xffff, v3  }
0x1ad: {  	[tilespmem:s4+$0xB010] =	vst.add.f32.msk $0xffff, v2  }
0x1ae: {  	[tilespmem:s4+$0xC900] =	vst.add.f32.msk $0xffff, v3  }
0x1af: {  	[tilespmem:s4+$0xC910] =	vst.add.f32.msk $0xffff, v2  }
0x1b0: {  	s12 =	simm.s32 $0x0;
	[tilespmem:s4+$0xE200] =	vst.add.f32.msk $0xffff, v3  }
0x1b1: {  	[hbm4b:s8+s12] =	stream.linear.scatter [tilespmem:s14], [sflag:$0x2], $0xC800, $0x38;
	[tilespmem:$0xFB00] =	vst v63  }
0x1b2: {  	_ =	swait.ge [sflag:s11], $0xC800  }
0x1b3: {  	[sflag:s11] =	ssyncset.done $0x0  }
0x1b4: {  	s12 =	simm.s32 $0x1380;
	[sflag:s11] =	ssyncadd.s32 $0xFFFF3800  }
0x1b5: {  	[tilespmem:s14], [sflag:$0x1] =	stream.indirect.gather [hbm4b:s3+s13], $0x20, s12, s13, $0xb8;
	[tilespmem:$0xFB00] =	vst v63  }
0x1b6: {  	s12 =	simm.s32 $0x13E8  }
0x1b7: {  	[tilespmem:s16], [sflag:$0x1] =	stream.indirect.gather [hbm4b:s3+s13], $0x20, s12, s13, $0xb8;
	[tilespmem:$0xFB00] =	vst v63  }
0x1b8: {  	s12 =	simm.s32 $0x1450  }
0x1b9: {  	[tilespmem:s18], [sflag:$0x1] =	stream.indirect.gather [hbm4b:s3+s13], $0x20, s12, s13, $0xb8;
	[tilespmem:$0xFB00] =	vst v63  }
0x1ba: {  	s12 =	simm.s32 $0x14B8  }
0x1bb: {  	[tilespmem:s20], [sflag:$0x1] =	stream.indirect.gather [hbm4b:s3+s13], $0x20, s12, s13, $0xb8;
	[tilespmem:$0xFB00] =	vst v63  }
0x1bc: {  	s12 =	simm.s32 $0x1520  }
0x1bd: {  	[tilespmem:s22], [sflag:$0x1] =	stream.indirect.gather [hbm4b:s3+s13], $0x20, s12, s13, $0xb8;
	[tilespmem:$0xFB00] =	vst v63  }
0x1be: {  	s12 =	simm.s32 $0x1588  }
0x1bf: {  	[tilespmem:s24], [sflag:$0x1] =	stream.indirect.gather [hbm4b:s3+s13], $0x20, s12, s13, $0xb8;
	[tilespmem:$0xFB00] =	vst v63  }
0x1c0: {  	s12 =	simm.s32 $0x15F0  }
0x1c1: {  	[tilespmem:s26], [sflag:$0x1] =	stream.indirect.gather [hbm4b:s3+s13], $0x20, s12, s13, $0xb8;
	[tilespmem:$0xFB00] =	vst v63  }
0x1c2: {  	s12 =	simm.s32 $0x1658  }
0x1c3: {  	[tilespmem:s29], [sflag:$0x1] =	stream.indirect.gather [hbm4b:s3+s13], $0x20, s12, s13, $0xb8;
	[tilespmem:$0xFB00] =	vst v63  }
0x1c4: {  	s12 =	simm.s32 $0x16C0  }
0x1c5: {  	[tilespmem:s31], [sflag:$0x1] =	stream.indirect.gather [hbm4b:s3+s13], $0x20, s12, s13, $0xb8;
	[tilespmem:$0xFB00] =	vst v63  }
0x1c6: {  	s12 =	simm.s32 $0x1728  }
0x1c7: {  	[tilespmem:s0], [sflag:$0x1] =	stream.indirect.gather [hbm4b:s3+s13], $0x20, s12, s13, $0xb8;
	[tilespmem:$0xFB00] =	vst v63  }
0x1c8: {  	s12 =	simm.s32 $0x1790  }
0x1c9: {  	[tilespmem:s15], [sflag:$0x1] =	stream.indirect.gather [hbm4b:s3+s13], $0x20, s12, s13, $0xb8;
	[tilespmem:$0xFB00] =	vst v63  }
0x1ca: {  	s12 =	simm.s32 $0x17F8  }
0x1cb: {  	[tilespmem:s19], [sflag:$0x1] =	stream.indirect.gather [hbm4b:s3+s13], $0x20, s12, s13, $0xb8;
	[tilespmem:$0xFB00] =	vst v63  }
0x1cc: {  	s12 =	simm.s32 $0x1860  }
0x1cd: {  	[tilespmem:s23], [sflag:$0x1] =	stream.indirect.gather [hbm4b:s3+s13], $0x20, s12, s13, $0xb8;
	[tilespmem:$0xFB00] =	vst v63  }
0x1ce: {  	s12 =	simm.s32 $0x18C8  }
0x1cf: {  	[tilespmem:s28], [sflag:$0x1] =	stream.indirect.gather [hbm4b:s3+s13], $0x20, s12, s13, $0xb8;
	[tilespmem:$0xFB00] =	vst v63  }
0x1d0: {  	s12 =	simm.s32 $0x1930  }
0x1d1: {  	[tilespmem:s1], [sflag:$0x1] =	stream.indirect.gather [hbm4b:s3+s13], $0x20, s12, s13, $0xb8;
	[tilespmem:$0xFB00] =	vst v63  }
0x1d2: {  	s12 =	simm.s32 $0x1998  }
0x1d3: {  	[tilespmem:s17], [sflag:$0x1] =	stream.indirect.gather [hbm4b:s3+s13], $0x20, s12, s13, $0xb8;
	[tilespmem:$0xFB00] =	vst v63  }
0x1d4: {  	_ =	swait.ge [sflag:s21], $0xC80  }
0x1d5: {  	[sflag:s21] =	ssyncset.done $0x0  }
0x1d6: {  	[sflag:s21] =	ssyncadd.s32 $0xFFFFF380  }
0x1d7: {  	_ =	swait.ge [sflag:s21], $0xC80  }
0x1d8: {  	[sflag:s21] =	ssyncset.done $0x0  }
0x1d9: {  	[sflag:s21] =	ssyncadd.s32 $0xFFFFF380  }
0x1da: {  	_ =	swait.ge [sflag:s21], $0xC80  }
0x1db: {  	[sflag:s21] =	ssyncset.done $0x0  }
0x1dc: {  	[sflag:s21] =	ssyncadd.s32 $0xFFFFF380  }
0x1dd: {  	_ =	swait.ge [sflag:s21], $0xC80  }
0x1de: {  	[sflag:s21] =	ssyncset.done $0x0  }
0x1df: {  	[sflag:s21] =	ssyncadd.s32 $0xFFFFF380  }
0x1e0: {  	_ =	swait.ge [sflag:s21], $0xC80  }
0x1e1: {  	[sflag:s21] =	ssyncset.done $0x0  }
0x1e2: {  	[sflag:s21] =	ssyncadd.s32 $0xFFFFF380  }
0x1e3: {  	_ =	swait.ge [sflag:s21], $0xC80  }
0x1e4: {  	[sflag:s21] =	ssyncset.done $0x0  }
0x1e5: {  	[sflag:s21] =	ssyncadd.s32 $0xFFFFF380  }
0x1e6: {  	_ =	swait.ge [sflag:s21], $0xC80  }
0x1e7: {  	[sflag:s21] =	ssyncset.done $0x0  }
0x1e8: {  	[sflag:s21] =	ssyncadd.s32 $0xFFFFF380  }
0x1e9: {  	_ =	swait.ge [sflag:s21], $0xC80  }
0x1ea: {  	[sflag:s21] =	ssyncset.done $0x0  }
0x1eb: {  	[sflag:s21] =	ssyncadd.s32 $0xFFFFF380  }
0x1ec: {  	_ =	swait.ge [sflag:s21], $0xC80  }
0x1ed: {  	[sflag:s21] =	ssyncset.done $0x0  }
0x1ee: {  	[sflag:s21] =	ssyncadd.s32 $0xFFFFF380  }
0x1ef: {  	_ =	swait.ge [sflag:s21], $0xC80  }
0x1f0: {  	[sflag:s21] =	ssyncset.done $0x0  }
0x1f1: {  	[sflag:s21] =	ssyncadd.s32 $0xFFFFF380  }
0x1f2: {  	_ =	swait.ge [sflag:s21], $0xC80  }
0x1f3: {  	[sflag:s21] =	ssyncset.done $0x0  }
0x1f4: {  	[sflag:s21] =	ssyncadd.s32 $0xFFFFF380  }
0x1f5: {  	_ =	swait.ge [sflag:s21], $0xC80  }
0x1f6: {  	[sflag:s21] =	ssyncset.done $0x0  }
0x1f7: {  	[sflag:s21] =	ssyncadd.s32 $0xFFFFF380  }
0x1f8: {  	_ =	swait.ge [sflag:s21], $0xC80  }
0x1f9: {  	[sflag:s21] =	ssyncset.done $0x0  }
0x1fa: {  	[sflag:s21] =	ssyncadd.s32 $0xFFFFF380  }
0x1fb: {  	_ =	swait.ge [sflag:s21], $0xC80  }
0x1fc: {  	[sflag:s21] =	ssyncset.done $0x0  }
0x1fd: {  	[sflag:s21] =	ssyncadd.s32 $0xFFFFF380  }
0x1fe: {  	_ =	swait.ge [sflag:s21], $0xC80  }
0x1ff: {  	[sflag:s21] =	ssyncset.done $0x0  }
0x200: {  	[sflag:s21] =	ssyncadd.s32 $0xFFFFF380  }
0x201: {  	_ =	swait.ge [sflag:s21], $0xC80  }
0x202: {  	[sflag:s21] =	ssyncset.done $0x0  }
0x203: {  	s30 =	simm.s32 $0x0;
	[sflag:s21] =	ssyncadd.s32 $0xFFFFF380  }
0x204: {  	v0 =	vld [tilespmem:s30+$0x1A10]  }
0x205: {  	v1 =	vld [tilespmem:s30+$0x1A00];
	_ =	sdelay $0x3  }
0x206: {  	[tilespmem:s30+$0xE210] =	vst.add.f32.msk $0xffff, v0  }
0x207: {  	[tilespmem:s30+$0x3300] =	vst.add.f32.msk $0xffff, v1  }
0x208: {  	[tilespmem:s30+$0x3310] =	vst.add.f32.msk $0xffff, v0  }
0x209: {  	[tilespmem:s30+$0x4C00] =	vst.add.f32.msk $0xffff, v1  }
0x20a: {  	[tilespmem:s30+$0x4C10] =	vst.add.f32.msk $0xffff, v0  }
0x20b: {  	[tilespmem:s30+$0x6500] =	vst.add.f32.msk $0xffff, v1  }
0x20c: {  	[tilespmem:s30+$0x6510] =	vst.add.f32.msk $0xffff, v0  }
0x20d: {  	[tilespmem:s30+$0x7E00] =	vst.add.f32.msk $0xffff, v1  }
0x20e: {  	[tilespmem:s30+$0x7E10] =	vst.add.f32.msk $0xffff, v0  }
0x20f: {  	[tilespmem:s30+$0x9700] =	vst.add.f32.msk $0xffff, v1  }
0x210: {  	[tilespmem:s30+$0x9710] =	vst.add.f32.msk $0xffff, v0  }
0x211: {  	[tilespmem:s30+$0xB000] =	vst.add.f32.msk $0xffff, v1  }
0x212: {  	s4 =	simm.s32 $0x20;
	s12 =	simm.s32 $0x100;
	[tilespmem:s30+$0xB010] =	vst.add.f32.msk $0xffff, v0  }
.LBB2_8:
0x213: {  	p0 =	sne.s32 s12, $0x6380;
	v2 =	vld [tilespmem:s4+$0x1A10]  }
0x214: {  	v3 =	vld [tilespmem:s4+$0x1A00]  }
0x215: {  	[tilespmem:s30+$0xC900] =	vst.add.f32.msk $0xffff, v1  }
0x216: {  	[tilespmem:s30+$0xC910] =	vst.add.f32.msk $0xffff, v0  }
0x217: {  	[tilespmem:s30+$0xE200] =	vst.add.f32.msk $0xffff, v1;
	s30 =	smov.u32 s4  }
0x218: {  	[tilespmem:s30+$0xE210] =	vst.add.f32.msk $0xffff, v2;
	v0 =	vmov v2  }
0x219: {  	[tilespmem:s30+$0x3300] =	vst.add.f32.msk $0xffff, v3;
	v1 =	vmov v3  }
0x21a: {  	[tilespmem:s30+$0x3310] =	vst.add.f32.msk $0xffff, v0  }
0x21b: {  	[tilespmem:s30+$0x4C00] =	vst.add.f32.msk $0xffff, v1  }
0x21c: {  	[tilespmem:s30+$0x4C10] =	vst.add.f32.msk $0xffff, v0  }
0x21d: {  	[tilespmem:s30+$0x6500] =	vst.add.f32.msk $0xffff, v1  }
0x21e: {  	[tilespmem:s30+$0x6510] =	vst.add.f32.msk $0xffff, v0  }
0x21f: {  	[tilespmem:s30+$0x7E00] =	vst.add.f32.msk $0xffff, v1  }
.Ltmp3:
0x220: {  	[tilespmem:s30+$0x7E10] =	vst.add.f32.msk $0xffff, v0;
	(pc) =	sbr.rel @p0 .LBB2_8-.Ltmp3, $4  }
0x221: {  	[tilespmem:s30+$0x9700] =	vst.add.f32.msk $0xffff, v1  }
0x222: {  	[tilespmem:s30+$0x9710] =	vst.add.f32.msk $0xffff, v0  }
0x223: {  	[tilespmem:s30+$0xB000] =	vst.add.f32.msk $0xffff, v1  }
0x224: {  	s4 =	sshra.s32 s12, $0x2;
	s12 =	sadd.s32 $0x80, s12;
	[tilespmem:s30+$0xB010] =	vst.add.f32.msk $0xffff, v0  }
0x225: {  	v2 =	vld [tilespmem:s4+$0x1A10]  }
0x226: {  	v3 =	vld [tilespmem:s4+$0x1A00]  }
0x227: {  	[tilespmem:s30+$0xC900] =	vst.add.f32.msk $0xffff, v1  }
0x228: {  	[tilespmem:s30+$0xC910] =	vst.add.f32.msk $0xffff, v0  }
0x229: {  	[tilespmem:s30+$0xE200] =	vst.add.f32.msk $0xffff, v1  }
0x22a: {  	[tilespmem:s4+$0xE210] =	vst.add.f32.msk $0xffff, v2  }
0x22b: {  	[tilespmem:s4+$0x3300] =	vst.add.f32.msk $0xffff, v3  }
0x22c: {  	[tilespmem:s4+$0x3310] =	vst.add.f32.msk $0xffff, v2  }
0x22d: {  	[tilespmem:s4+$0x4C00] =	vst.add.f32.msk $0xffff, v3  }
0x22e: {  	[tilespmem:s4+$0x4C10] =	vst.add.f32.msk $0xffff, v2  }
0x22f: {  	[tilespmem:s4+$0x6500] =	vst.add.f32.msk $0xffff, v3  }
0x230: {  	[tilespmem:s4+$0x6510] =	vst.add.f32.msk $0xffff, v2  }
0x231: {  	[tilespmem:s4+$0x7E00] =	vst.add.f32.msk $0xffff, v3  }
0x232: {  	[tilespmem:s4+$0x7E10] =	vst.add.f32.msk $0xffff, v2  }
0x233: {  	[tilespmem:s4+$0x9700] =	vst.add.f32.msk $0xffff, v3  }
0x234: {  	[tilespmem:s4+$0x9710] =	vst.add.f32.msk $0xffff, v2  }
0x235: {  	[tilespmem:s4+$0xB000] =	vst.add.f32.msk $0xffff, v3  }
0x236: {  	[tilespmem:s4+$0xB010] =	vst.add.f32.msk $0xffff, v2  }
0x237: {  	s25 =	sadd.s32 $0x1, s25;
	[tilespmem:s4+$0xC900] =	vst.add.f32.msk $0xffff, v3  }
0x238: {  	p0 =	sne.s32 s25, s10;
	[tilespmem:s4+$0xC910] =	vst.add.f32.msk $0xffff, v2  }
.Ltmp4:
0x239: {  	[tilespmem:s4+$0xE200] =	vst.add.f32.msk $0xffff, v3;
	(pc) =	sbr.rel @p0 .LBB2_1-.Ltmp4, $4  }
0x23a: {  	[hbm4b:s9+s2] =	stream.linear.scatter [tilespmem:s14], [sflag:$0x2], $0xC800, $0x38;
	[tilespmem:$0xFB00] =	vst v63  }
0x23b: {  	_ =	swait.ge [sflag:s11], $0xC800  }
0x23c: {  	[sflag:s11] =	ssyncset.done $0x0  }
0x23d: {  	[sflag:s11] =	ssyncadd.s32 $0xFFFF3800  }
0x23e: {  	_ =	sfence.sel $0x180000  }
0x23f: {  	[bflag:$0x0] =	sbarrier.arrive $0xFFFF  }
0x240: {  	_ =	strace $0x90000047  }
0x241: {  	s0 =	stileid.u32;
	[bflag:$0x2] =	sbarrier.arrive $0xFFFF  }
0x242: {  	p0 =	sne.s32 s0, $0x0;
	s0 =	rddreg [dreg:$0x2]  }
0x243: {  	s0 =	sadd.s32 @!p0 $0x100000, s0  }
0x244: {  	[sflag:s0] =	ssyncadd.tile.s32 @!p0 $0x1;
	_ =	shalt  }
.Lfunc_end2:
_tile_overlayer_lowered:
.L_overlay_start_2:
0x245: {  	(tag) =	ssettag $0x2  }
0x246: {  	s0 =	rddreg [dreg:$0x0];
	s2 =	stileid.u32  }
0x247: {  	s1 =	rddreg [dreg:$0x1];
	p0 =	sne.s32 s2, $0x0  }
0x248: {  	s3 =	rddreg [dreg:$0x2];
	[bflag:$0x3] =	sbarrier.arrive $0xFFFF;
	s2 =	simm.s32 @!p0 $0x1C02  }
0x249: {  	[timem:s3], [sflag:s2] =	dma.local @!p0 [hbm:s0], s1  }
0x24a: {  	s0 =	simm.s32 @!p0 $0x2  }
0x24b: {  	_ =	swait.ge @!p0 [sflag:s0], s1  }
0x24c: {  	s1 =	ssub.s32 @!p0 $0x0, s1;
	[sflag:s0] =	ssyncset.done @!p0 $0x0  }
0x24d: {  	[sflag:s0] =	ssyncadd.s32 @!p0 s1  }
0x24e: {  	[bflag:$0x3] =	sbarrier.arrive $0xFFFF  }
0x24f: {  	_ =	shalt  }

</sc_bundles>
